<compile_context>
chip_gen: v7x
topology: tpu7x:2x2x1
jax: 0.10.2.dev20260603
libtpu: 0.0.44.dev20260713+nightly
codegen_flags: <defaults>
</compile_context>

<pallas_src>
import functools

import jax
import jax.numpy as jnp
from jax import lax
from jax.experimental import pallas as pl
from jax.experimental.pallas import tpu as pltpu
from jax.experimental.pallas import tpu_sc as plsc

H = 224
W = 224
HW = H * W
HALF = HW // 2
DBUF = HALF + 32
NSUB = 6250
NPAD = 6256


def _project_body(vt_ref, rot_ref, trans_ref, intr_ref,
                  p0_ref, p1_ref, dep_ref):
    def rb(s):
        return s.astype(jnp.bfloat16).astype(jnp.float32)

    x = vt_ref[0, 0].astype(jnp.float32)
    y = vt_ref[0, 1].astype(jnp.float32)
    z = vt_ref[0, 2].astype(jnp.float32)
    r00 = rot_ref[0, 0, 0]
    r01 = rot_ref[0, 0, 1]
    r02 = rot_ref[0, 0, 2]
    r10 = rot_ref[0, 1, 0]
    r11 = rot_ref[0, 1, 1]
    r12 = rot_ref[0, 1, 2]
    r20 = rot_ref[0, 2, 0]
    r21 = rot_ref[0, 2, 1]
    r22 = rot_ref[0, 2, 2]
    tx = trans_ref[0, 0, 0]
    ty = trans_ref[0, 0, 1]
    tz = trans_ref[0, 0, 2]
    fx = intr_ref[0, 0, 0]
    fy = intr_ref[0, 1, 1]
    cx = intr_ref[0, 0, 2]
    cy = intr_ref[0, 1, 2]

    X = x * rb(r00) + y * rb(r01) + z * rb(r02) + tx
    Y = x * rb(r10) + y * rb(r11) + z * rb(r12) + ty
    Z = x * rb(r20) + y * rb(r21) + z * rb(r22) + tz
    Zs = Z + 1e-8
    u = fx * (X / Zs) + cx
    v = fy * (Y / Zs) + cy
    u_i = u.astype(jnp.int32)
    v_i = v.astype(jnp.int32)
    valid = (u_i >= 0) & (u_i < W) & (v_i >= 0) & (v_i < H)
    pix = jnp.where(valid, v_i * W + u_i, HW)
    p0 = jnp.minimum(pix, HALF)
    p1u = pix - HALF
    p1 = jnp.where(p1u < 0, HALF, jnp.minimum(p1u, HALF))

    p0_ref[:, 0, :] = jnp.full((8, NPAD), HALF, jnp.int32)
    p1_ref[:, 0, :] = jnp.full((8, NPAD), HALF, jnp.int32)
    p0_ref[:, 0, 0:NSUB] = p0
    p1_ref[:, 0, 0:NSUB] = p1
    dep_ref[:, 0, 0:NSUB] = Z


def _tc_project(verts_t, rotation, translation, intrinsics):
    B = rotation.shape[0]
    out_shape = (
        jax.ShapeDtypeStruct((B * 8, 1, NPAD), jnp.int32),
        jax.ShapeDtypeStruct((B * 8, 1, NPAD), jnp.int32),
        jax.ShapeDtypeStruct((B * 8, 1, NPAD), jnp.float32),
    )
    return pl.pallas_call(
        _project_body,
        grid=(B,),
        in_specs=[
            pl.BlockSpec((1, 3, 8, NSUB), lambda b: (b, 0, 0, 0)),
            pl.BlockSpec((1, 3, 3), lambda b: (b, 0, 0),
                         memory_space=pltpu.SMEM),
            pl.BlockSpec((1, 1, 3), lambda b: (b, 0, 0),
                         memory_space=pltpu.SMEM),
            pl.BlockSpec((1, 3, 3), lambda b: (b, 0, 0),
                         memory_space=pltpu.SMEM),
        ],
        out_specs=[
            pl.BlockSpec((8, 1, NPAD), lambda b: (b, 0, 0)),
            pl.BlockSpec((8, 1, NPAD), lambda b: (b, 0, 0)),
            pl.BlockSpec((8, 1, NPAD), lambda b: (b, 0, 0)),
        ],
        out_shape=out_shape,
    )(verts_t, rotation, translation, intrinsics)


def _sc_scatter(p0, p1, dep, B):
    mesh = plsc.VectorSubcoreMesh(core_axis_name="c", subcore_axis_name="s")

    @functools.partial(
        pl.kernel,
        mesh=mesh,
        out_type=jax.ShapeDtypeStruct((B * HW,), jnp.float32),
        compiler_params=pltpu.CompilerParams(needs_layout_passes=False),
        scratch_types=[
            pltpu.VMEM((DBUF,), jnp.float32),
            pltpu.VMEM((8, NPAD), jnp.int32),
            pltpu.VMEM((8, NPAD), jnp.float32),
            pltpu.SemaphoreType.DMA,
        ],
    )
    def scatter_kernel(p0_hbm, p1_hbm, dep_hbm, out_hbm,
                       dbuf, pixv, depv, sem):
        cid = lax.axis_index("c")
        sid = lax.axis_index("s")
        b = sid
        lo = cid * HALF

        @pl.when(cid == 0)
        def _():
            pltpu.async_copy(p0_hbm.at[pl.ds(b * 8, 8), 0], pixv, sem)

        @pl.when(cid == 1)
        def _():
            pltpu.async_copy(p1_hbm.at[pl.ds(b * 8, 8), 0], pixv, sem)

        d2 = pltpu.async_copy(dep_hbm.at[pl.ds(b * 8, 8), 0], depv, sem)

        zeros = jnp.zeros((16,), jnp.float32)

        def zero_body(j, carry):
            dbuf[pl.ds(j * 16, 16)] = zeros
            return carry

        lax.fori_loop(0, DBUF // 16, zero_body, 0, unroll=8)
        d2.wait()
        d2.wait()

        for r in range(8):
            def vec_body(i, carry, r=r):
                p = pixv[r, pl.ds(i * 16, 16)]
                d = depv[r, pl.ds(i * 16, 16)]
                plsc.store_scatter(dbuf, [p], d)
                return carry

            lax.fori_loop(0, NPAD // 16, vec_body, 0, unroll=17)

        out_off = pl.multiple_of(b * HW + lo, 8)
        pltpu.sync_copy(dbuf.at[pl.ds(0, HALF)],
                        out_hbm.at[pl.ds(out_off, HALF)])

    return scatter_kernel(p0, p1, dep)


def kernel(vertices, rotation, translation, camera_intrinsics):
    B, N, _ = vertices.shape
    verts_t = jnp.swapaxes(vertices.astype(jnp.bfloat16),
                           1, 2).reshape(B, 3, 8, N // 8)
    p0, p1, dep = _tc_project(verts_t, rotation,
                              translation.reshape(B, 1, 3),
                              camera_intrinsics)
    flat = _sc_scatter(p0, p1, dep, B)
    return flat.reshape(B, 1, H, W)

# --- scband reference (transcript-rebuilt; emitter-appended) ---
"""Pipeline reference for scband-differentiable-renderer-89988154786228 (READ-ONLY COPY).

The authoritative reference and input builder live on the scoring server;
editing this copy changes nothing except your own understanding.
"""

import jax, jax.numpy as jnp
import numpy as np

B, N = 16, 50000
H, W = 224, 224

def setup_inputs(seed: int = 0) -> dict:
    key = jax.random.key(seed)
    k1, k2, k3, k4 = jax.random.split(key, 4)
    vertices = jax.random.normal(k1, (B, N, 3), dtype=jnp.float32) * 0.3
    A = jax.random.normal(k2, (B, 3, 3), dtype=jnp.float32)
    Q, _ = jnp.linalg.qr(A)
    rotation = Q.astype(jnp.float32)
    t_xy = jax.random.normal(k3, (B, 2), dtype=jnp.float32) * 0.1
    t_z = jnp.full((B, 1), 2.5, dtype=jnp.float32)
    translation = jnp.concatenate([t_xy, t_z], axis=1)
    f = 400.0 + jax.random.normal(k4, (B,), dtype=jnp.float32) * 10.0
    K = jnp.zeros((B, 3, 3), dtype=jnp.float32)
    K = K.at[:, 0, 0].set(f).at[:, 1, 1].set(f)
    K = K.at[:, 0, 2].set(float(W) / 2.0).at[:, 1, 2].set(float(H) / 2.0)
    K = K.at[:, 2, 2].set(1.0)
    return {"vertices": vertices, "rotation": rotation, "translation": translation, "camera_intrinsics": K}

def reference(vertices, rotation, translation, camera_intrinsics):
    # vertices_camera = bmm(vertices, rotation^T) + translation
    vertices_camera = jnp.einsum('bnj,bkj->bnk', vertices, rotation) + translation[:, None, :]
    # project to 2D
    fx = camera_intrinsics[:, 0, 0][:, None]
    fy = camera_intrinsics[:, 1, 1][:, None]
    cx = camera_intrinsics[:, 0, 2][:, None]
    cy = camera_intrinsics[:, 1, 2][:, None]
    X = vertices_camera[:, :, 0]
    Y = vertices_camera[:, :, 1]
    Z = vertices_camera[:, :, 2] + 1e-08
    u = fx * (X / Z) + cx
    v = fy * (Y / Z) + cy
    depths = vertices_camera[:, :, 2]
    # rasterize: truncate-toward-zero like Python int(), scatter-overwrite into depth buffer
    u_int = u.astype(jnp.int32)
    v_int = v.astype(jnp.int32)
    valid = (u_int >= 0) & (u_int < W) & (v_int >= 0) & (v_int < H)
    safe_u = jnp.where(valid, u_int, W)
    safe_v = jnp.where(valid, v_int, H)
    b_idx = jnp.broadcast_to(jnp.arange(B)[:, None], (B, N))
    depth_buffer = jnp.zeros((B, H, W), dtype=jnp.float32)
    depth_buffer = depth_buffer.at[b_idx, safe_v, safe_u].set(depths, mode='drop')
    return depth_buffer[:, None, :, :]

if __name__ == "__main__":
    import jax
    _d = setup_inputs()
    print(jax.jit(kernel)(*tuple(_d.values())))

</pallas_src>

<mosaic_0001>
#map = affine_map<(d0, d1) -> (0, 0, 0)>
#map1 = affine_map<(d0, d1) -> (0)>
module attributes {stable_mosaic.version = 14 : i64} {
  func.func @scatter_kernel(%arg0: i32, %arg1: i32, %arg2: memref<128x1x6256xi32, #tpu.memory_space<hbm>>, %arg3: memref<128x1x6256xi32, #tpu.memory_space<hbm>>, %arg4: memref<128x1x6256xf32, #tpu.memory_space<hbm>>, %arg5: memref<802816xf32, #tpu.memory_space<hbm>>, %arg6: memref<25120xf32, #tpu.memory_space<vmem>>, %arg7: memref<8x6256xi32, #tpu.memory_space<vmem>>, %arg8: memref<8x6256xf32, #tpu.memory_space<vmem>>, %arg9: memref<!tpu.dma_semaphore, #tpu.memory_space<semaphore_mem>>) attributes {dimension_semantics = [#tpu.dimension_semantics<core_parallel>, #tpu.dimension_semantics<subcore_parallel>], iteration_bounds = array<i64: 2, 16>, scalar_prefetch = 0 : i64, scratch_operands = 4 : i64, tpu.core_type = #tpu.core_type<sc_vector_subcore>, window_params = [{transform_indices = #map}, {transform_indices = #map}, {transform_indices = #map}, {transform_indices = #map1}]} {
    %mul3A = arith.constant 25088 : i32
    %mul3A_0 = arith.muli %arg0, %mul3A : i32
    %eq3A = arith.constant 0 : i32
    %eq3A_1 = arith.cmpi eq, %arg0, %eq3A : i32
    %convert_element_type3A = arith.extui %eq3A_1 : i1 to i32
    %cond3A = arith.constant 0 : i32
    %cond3A_2 = arith.cmpi ne, %convert_element_type3A, %cond3A : i32
    scf.if %cond3A_2 {
      %mul3A_96 = arith.constant 8 : i32
      %mul3A_97 = arith.muli %arg1, %mul3A_96 : i32
      %dma_start3A_98 = arith.constant 0 : i32
      %dma_start3A_99 = arith.constant 0 : i32
      %dma_start3A_100 = tpu.memref_slice %arg2[%mul3A_97, %dma_start3A_98, %dma_start3A_99] : memref<128x1x6256xi32, #tpu.memory_space<hbm>> -> memref<8x1x6256xi32, #tpu.memory_space<hbm>>
      %dma_start3A_101 = tpu.memref_squeeze %dma_start3A_100 : memref<8x1x6256xi32, #tpu.memory_space<hbm>> -> memref<8x6256xi32, #tpu.memory_space<hbm>>
      %dma_start3A_102 = arith.constant 0 : i32
      %dma_start3A_103 = tpu.memref_slice %arg2[%mul3A_97, %dma_start3A_98, %dma_start3A_102] : memref<128x1x6256xi32, #tpu.memory_space<hbm>> -> memref<8x1x6256xi32, #tpu.memory_space<hbm>>
      %dma_start3A_104 = tpu.memref_squeeze %dma_start3A_103 : memref<8x1x6256xi32, #tpu.memory_space<hbm>> -> memref<8x6256xi32, #tpu.memory_space<hbm>>
      tpu.enqueue_dma source(%dma_start3A_104 : memref<8x6256xi32, #tpu.memory_space<hbm>>) target(%arg7 : memref<8x6256xi32, #tpu.memory_space<vmem>>) target_semaphore(%arg9 : memref<!tpu.dma_semaphore, #tpu.memory_space<semaphore_mem>>)
    } else {
    }
    %eq3A_3 = arith.constant 1 : i32
    %eq3A_4 = arith.cmpi eq, %arg0, %eq3A_3 : i32
    %convert_element_type3A_5 = arith.extui %eq3A_4 : i1 to i32
    %cond3A_6 = arith.constant 0 : i32
    %cond3A_7 = arith.cmpi ne, %convert_element_type3A_5, %cond3A_6 : i32
    scf.if %cond3A_7 {
      %mul3A_96 = arith.constant 8 : i32
      %mul3A_97 = arith.muli %arg1, %mul3A_96 : i32
      %dma_start3A_98 = arith.constant 0 : i32
      %dma_start3A_99 = arith.constant 0 : i32
      %dma_start3A_100 = tpu.memref_slice %arg3[%mul3A_97, %dma_start3A_98, %dma_start3A_99] : memref<128x1x6256xi32, #tpu.memory_space<hbm>> -> memref<8x1x6256xi32, #tpu.memory_space<hbm>>
      %dma_start3A_101 = tpu.memref_squeeze %dma_start3A_100 : memref<8x1x6256xi32, #tpu.memory_space<hbm>> -> memref<8x6256xi32, #tpu.memory_space<hbm>>
      %dma_start3A_102 = arith.constant 0 : i32
      %dma_start3A_103 = tpu.memref_slice %arg3[%mul3A_97, %dma_start3A_98, %dma_start3A_102] : memref<128x1x6256xi32, #tpu.memory_space<hbm>> -> memref<8x1x6256xi32, #tpu.memory_space<hbm>>
      %dma_start3A_104 = tpu.memref_squeeze %dma_start3A_103 : memref<8x1x6256xi32, #tpu.memory_space<hbm>> -> memref<8x6256xi32, #tpu.memory_space<hbm>>
      tpu.enqueue_dma source(%dma_start3A_104 : memref<8x6256xi32, #tpu.memory_space<hbm>>) target(%arg7 : memref<8x6256xi32, #tpu.memory_space<vmem>>) target_semaphore(%arg9 : memref<!tpu.dma_semaphore, #tpu.memory_space<semaphore_mem>>)
    } else {
    }
    %mul3A_8 = arith.constant 8 : i32
    %mul3A_9 = arith.muli %arg1, %mul3A_8 : i32
    %dma_start3A = arith.constant 0 : i32
    %dma_start3A_10 = arith.constant 0 : i32
    %dma_start3A_11 = tpu.memref_slice %arg4[%mul3A_9, %dma_start3A, %dma_start3A_10] : memref<128x1x6256xf32, #tpu.memory_space<hbm>> -> memref<8x1x6256xf32, #tpu.memory_space<hbm>>
    %dma_start3A_12 = tpu.memref_squeeze %dma_start3A_11 : memref<8x1x6256xf32, #tpu.memory_space<hbm>> -> memref<8x6256xf32, #tpu.memory_space<hbm>>
    %dma_start3A_13 = arith.constant 0 : i32
    %dma_start3A_14 = tpu.memref_slice %arg4[%mul3A_9, %dma_start3A, %dma_start3A_13] : memref<128x1x6256xf32, #tpu.memory_space<hbm>> -> memref<8x1x6256xf32, #tpu.memory_space<hbm>>
    %dma_start3A_15 = tpu.memref_squeeze %dma_start3A_14 : memref<8x1x6256xf32, #tpu.memory_space<hbm>> -> memref<8x6256xf32, #tpu.memory_space<hbm>>
    tpu.enqueue_dma source(%dma_start3A_15 : memref<8x6256xf32, #tpu.memory_space<hbm>>) target(%arg8 : memref<8x6256xf32, #tpu.memory_space<vmem>>) target_semaphore(%arg9 : memref<!tpu.dma_semaphore, #tpu.memory_space<semaphore_mem>>)
    %broadcast_in_dim3A = arith.constant 0.000000e+00 : f32
    %broadcast_in_dim3A_16 = vector.broadcast %broadcast_in_dim3A : f32 to vector<16xf32>
    %scan3A = arith.constant 0 : i32
    %scan3A_17 = arith.constant 0 : i32
    %scan3A_18 = arith.constant 1568 : i32
    %scan3A_19 = arith.addi %scan3A_17, %scan3A_18 : i32
    %scan3A_20 = arith.constant 8 : i32
    scf.for %scan3A_96 = %scan3A_17 to %scan3A_19 step %scan3A_20  : i32 {
      %mul3A_97 = arith.constant 16 : i32
      %mul3A_98 = arith.muli %scan3A_96, %mul3A_97 : i32
      %swap3A_99 = arith.index_cast %mul3A_98 : i32 to index
      %swap3A_100 = tpu.vector_load %arg6[%swap3A_99] {strides = array<i32>} : memref<25120xf32, #tpu.memory_space<vmem>>, vector<16xf32>,
      tpu.vector_store %arg6[%swap3A_99], %broadcast_in_dim3A_16 {strides = array<i32>} : memref<25120xf32, #tpu.memory_space<vmem>>, vector<16xf32>,
      %scan3A_101 = arith.constant 1 : i32
      %scan3A_102 = arith.addi %scan3A_96, %scan3A_101 : i32
      %mul3A_103 = arith.constant 16 : i32
      %mul3A_104 = arith.muli %scan3A_102, %mul3A_103 : i32
      %swap3A_105 = arith.index_cast %mul3A_104 : i32 to index
      %swap3A_106 = tpu.vector_load %arg6[%swap3A_105] {strides = array<i32>} : memref<25120xf32, #tpu.memory_space<vmem>>, vector<16xf32>,
      tpu.vector_store %arg6[%swap3A_105], %broadcast_in_dim3A_16 {strides = array<i32>} : memref<25120xf32, #tpu.memory_space<vmem>>, vector<16xf32>,
      %scan3A_107 = arith.constant 2 : i32
      %scan3A_108 = arith.addi %scan3A_96, %scan3A_107 : i32
      %mul3A_109 = arith.constant 16 : i32
      %mul3A_110 = arith.muli %scan3A_108, %mul3A_109 : i32
      %swap3A_111 = arith.index_cast %mul3A_110 : i32 to index
      %swap3A_112 = tpu.vector_load %arg6[%swap3A_111] {strides = array<i32>} : memref<25120xf32, #tpu.memory_space<vmem>>, vector<16xf32>,
      tpu.vector_store %arg6[%swap3A_111], %broadcast_in_dim3A_16 {strides = array<i32>} : memref<25120xf32, #tpu.memory_space<vmem>>, vector<16xf32>,
      %scan3A_113 = arith.constant 3 : i32
      %scan3A_114 = arith.addi %scan3A_96, %scan3A_113 : i32
      %mul3A_115 = arith.constant 16 : i32
      %mul3A_116 = arith.muli %scan3A_114, %mul3A_115 : i32
      %swap3A_117 = arith.index_cast %mul3A_116 : i32 to index
      %swap3A_118 = tpu.vector_load %arg6[%swap3A_117] {strides = array<i32>} : memref<25120xf32, #tpu.memory_space<vmem>>, vector<16xf32>,
      tpu.vector_store %arg6[%swap3A_117], %broadcast_in_dim3A_16 {strides = array<i32>} : memref<25120xf32, #tpu.memory_space<vmem>>, vector<16xf32>,
      %scan3A_119 = arith.constant 4 : i32
      %scan3A_120 = arith.addi %scan3A_96, %scan3A_119 : i32
      %mul3A_121 = arith.constant 16 : i32
      %mul3A_122 = arith.muli %scan3A_120, %mul3A_121 : i32
      %swap3A_123 = arith.index_cast %mul3A_122 : i32 to index
      %swap3A_124 = tpu.vector_load %arg6[%swap3A_123] {strides = array<i32>} : memref<25120xf32, #tpu.memory_space<vmem>>, vector<16xf32>,
      tpu.vector_store %arg6[%swap3A_123], %broadcast_in_dim3A_16 {strides = array<i32>} : memref<25120xf32, #tpu.memory_space<vmem>>, vector<16xf32>,
      %scan3A_125 = arith.constant 5 : i32
      %scan3A_126 = arith.addi %scan3A_96, %scan3A_125 : i32
      %mul3A_127 = arith.constant 16 : i32
      %mul3A_128 = arith.muli %scan3A_126, %mul3A_127 : i32
      %swap3A_129 = arith.index_cast %mul3A_128 : i32 to index
      %swap3A_130 = tpu.vector_load %arg6[%swap3A_129] {strides = array<i32>} : memref<25120xf32, #tpu.memory_space<vmem>>, vector<16xf32>,
      tpu.vector_store %arg6[%swap3A_129], %broadcast_in_dim3A_16 {strides = array<i32>} : memref<25120xf32, #tpu.memory_space<vmem>>, vector<16xf32>,
      %scan3A_131 = arith.constant 6 : i32
      %scan3A_132 = arith.addi %scan3A_96, %scan3A_131 : i32
      %mul3A_133 = arith.constant 16 : i32
      %mul3A_134 = arith.muli %scan3A_132, %mul3A_133 : i32
      %swap3A_135 = arith.index_cast %mul3A_134 : i32 to index
      %swap3A_136 = tpu.vector_load %arg6[%swap3A_135] {strides = array<i32>} : memref<25120xf32, #tpu.memory_space<vmem>>, vector<16xf32>,
      tpu.vector_store %arg6[%swap3A_135], %broadcast_in_dim3A_16 {strides = array<i32>} : memref<25120xf32, #tpu.memory_space<vmem>>, vector<16xf32>,
      %scan3A_137 = arith.constant 7 : i32
      %scan3A_138 = arith.addi %scan3A_96, %scan3A_137 : i32
      %mul3A_139 = arith.constant 16 : i32
      %mul3A_140 = arith.muli %scan3A_138, %mul3A_139 : i32
      %swap3A_141 = arith.index_cast %mul3A_140 : i32 to index
      %swap3A_142 = tpu.vector_load %arg6[%swap3A_141] {strides = array<i32>} : memref<25120xf32, #tpu.memory_space<vmem>>, vector<16xf32>,
      tpu.vector_store %arg6[%swap3A_141], %broadcast_in_dim3A_16 {strides = array<i32>} : memref<25120xf32, #tpu.memory_space<vmem>>, vector<16xf32>,
    }
    %scan3A_21 = arith.constant 1568 : i32
    %scan3A_22 = arith.addi %scan3A_17, %scan3A_21 : i32
    %mul3A_23 = arith.constant 16 : i32
    %mul3A_24 = arith.muli %scan3A_22, %mul3A_23 : i32
    %swap3A = arith.index_cast %mul3A_24 : i32 to index
    %swap3A_25 = tpu.vector_load %arg6[%swap3A] {strides = array<i32>} : memref<25120xf32, #tpu.memory_space<vmem>>, vector<16xf32>,
    tpu.vector_store %arg6[%swap3A], %broadcast_in_dim3A_16 {strides = array<i32>} : memref<25120xf32, #tpu.memory_space<vmem>>, vector<16xf32>,
    %scan3A_26 = arith.constant 1569 : i32
    %scan3A_27 = arith.addi %scan3A_17, %scan3A_26 : i32
    %mul3A_28 = arith.constant 16 : i32
    %mul3A_29 = arith.muli %scan3A_27, %mul3A_28 : i32
    %swap3A_30 = arith.index_cast %mul3A_29 : i32 to index
    %swap3A_31 = tpu.vector_load %arg6[%swap3A_30] {strides = array<i32>} : memref<25120xf32, #tpu.memory_space<vmem>>, vector<16xf32>,
    tpu.vector_store %arg6[%swap3A_30], %broadcast_in_dim3A_16 {strides = array<i32>} : memref<25120xf32, #tpu.memory_space<vmem>>, vector<16xf32>,
    %scan3A_32 = arith.constant 1570 : i32
    %dma_wait3A = arith.constant 0 : i32
    %dma_wait3A_33 = arith.constant 0 : i32
    %dma_wait3A_34 = tpu.memref_slice %arg4[%mul3A_9, %dma_wait3A, %dma_wait3A_33] : memref<128x1x6256xf32, #tpu.memory_space<hbm>> -> memref<8x1x6256xf32, #tpu.memory_space<hbm>>
    %dma_wait3A_35 = tpu.memref_squeeze %dma_wait3A_34 : memref<8x1x6256xf32, #tpu.memory_space<hbm>> -> memref<8x6256xf32, #tpu.memory_space<hbm>>
    %dma_wait3A_36 = arith.constant 0 : i32
    %dma_wait3A_37 = tpu.memref_slice %arg4[%mul3A_9, %dma_wait3A, %dma_wait3A_36] : memref<128x1x6256xf32, #tpu.memory_space<hbm>> -> memref<8x1x6256xf32, #tpu.memory_space<hbm>>
    %dma_wait3A_38 = tpu.memref_squeeze %dma_wait3A_37 : memref<8x1x6256xf32, #tpu.memory_space<hbm>> -> memref<8x6256xf32, #tpu.memory_space<hbm>>
    tpu.wait_dma2 semaphore(%arg9 : memref<!tpu.dma_semaphore, #tpu.memory_space<semaphore_mem>>) src(%dma_wait3A_38 : memref<8x6256xf32, #tpu.memory_space<hbm>>) dst(%arg8 : memref<8x6256xf32, #tpu.memory_space<vmem>>)
    %dma_wait3A_39 = arith.constant 0 : i32
    %dma_wait3A_40 = arith.constant 0 : i32
    %dma_wait3A_41 = tpu.memref_slice %arg4[%mul3A_9, %dma_wait3A_39, %dma_wait3A_40] : memref<128x1x6256xf32, #tpu.memory_space<hbm>> -> memref<8x1x6256xf32, #tpu.memory_space<hbm>>
    %dma_wait3A_42 = tpu.memref_squeeze %dma_wait3A_41 : memref<8x1x6256xf32, #tpu.memory_space<hbm>> -> memref<8x6256xf32, #tpu.memory_space<hbm>>
    %dma_wait3A_43 = arith.constant 0 : i32
    %dma_wait3A_44 = tpu.memref_slice %arg4[%mul3A_9, %dma_wait3A_39, %dma_wait3A_43] : memref<128x1x6256xf32, #tpu.memory_space<hbm>> -> memref<8x1x6256xf32, #tpu.memory_space<hbm>>
    %dma_wait3A_45 = tpu.memref_squeeze %dma_wait3A_44 : memref<8x1x6256xf32, #tpu.memory_space<hbm>> -> memref<8x6256xf32, #tpu.memory_space<hbm>>
    tpu.wait_dma2 semaphore(%arg9 : memref<!tpu.dma_semaphore, #tpu.memory_space<semaphore_mem>>) src(%dma_wait3A_45 : memref<8x6256xf32, #tpu.memory_space<hbm>>) dst(%arg8 : memref<8x6256xf32, #tpu.memory_space<vmem>>)
    %scan3A_46 = arith.constant 0 : i32
    %scan3A_47 = arith.constant 0 : i32
    %scan3A_48 = arith.constant 391 : i32
    %scan3A_49 = arith.addi %scan3A_47, %scan3A_48 : i32
    %scan3A_50 = arith.constant 17 : i32
    scf.for %scan3A_96 = %scan3A_47 to %scan3A_49 step %scan3A_50  : i32 {
      %mul3A_97 = arith.constant 16 : i32
      %mul3A_98 = arith.muli %scan3A_96, %mul3A_97 : i32
      %get3A = arith.constant 0 : i32
      %get3A_99 = arith.index_cast %get3A : i32 to index
      %get3A_100 = arith.index_cast %mul3A_98 : i32 to index
      %get3A_101 = tpu.vector_load %arg7[%get3A_99, %get3A_100] {strides = array<i32>} : memref<8x6256xi32, #tpu.memory_space<vmem>>, vector<16xi32>,
      %mul3A_102 = arith.constant 16 : i32
      %mul3A_103 = arith.muli %scan3A_96, %mul3A_102 : i32
      %get3A_104 = arith.constant 0 : i32
      %get3A_105 = arith.index_cast %get3A_104 : i32 to index
      %get3A_106 = arith.index_cast %mul3A_103 : i32 to index
      %get3A_107 = tpu.vector_load %arg8[%get3A_105, %get3A_106] {strides = array<i32>} : memref<8x6256xf32, #tpu.memory_space<vmem>>, vector<16xf32>,
      tpu.vector_store_idx %arg6[%get3A_101], %get3A_107 : memref<25120xf32, #tpu.memory_space<vmem>>[vector<16xi32>], vector<16xf32>,
      %scan3A_108 = arith.constant 1 : i32
      %scan3A_109 = arith.addi %scan3A_96, %scan3A_108 : i32
      %mul3A_110 = arith.constant 16 : i32
      %mul3A_111 = arith.muli %scan3A_109, %mul3A_110 : i32
      %get3A_112 = arith.constant 0 : i32
      %get3A_113 = arith.index_cast %get3A_112 : i32 to index
      %get3A_114 = arith.index_cast %mul3A_111 : i32 to index
      %get3A_115 = tpu.vector_load %arg7[%get3A_113, %get3A_114] {strides = array<i32>} : memref<8x6256xi32, #tpu.memory_space<vmem>>, vector<16xi32>,
      %mul3A_116 = arith.constant 16 : i32
      %mul3A_117 = arith.muli %scan3A_109, %mul3A_116 : i32
      %get3A_118 = arith.constant 0 : i32
      %get3A_119 = arith.index_cast %get3A_118 : i32 to index
      %get3A_120 = arith.index_cast %mul3A_117 : i32 to index
      %get3A_121 = tpu.vector_load %arg8[%get3A_119, %get3A_120] {strides = array<i32>} : memref<8x6256xf32, #tpu.memory_space<vmem>>, vector<16xf32>,
      tpu.vector_store_idx %arg6[%get3A_115], %get3A_121 : memref<25120xf32, #tpu.memory_space<vmem>>[vector<16xi32>], vector<16xf32>,
      %scan3A_122 = arith.constant 2 : i32
      %scan3A_123 = arith.addi %scan3A_96, %scan3A_122 : i32
      %mul3A_124 = arith.constant 16 : i32
      %mul3A_125 = arith.muli %scan3A_123, %mul3A_124 : i32
      %get3A_126 = arith.constant 0 : i32
      %get3A_127 = arith.index_cast %get3A_126 : i32 to index
      %get3A_128 = arith.index_cast %mul3A_125 : i32 to index
      %get3A_129 = tpu.vector_load %arg7[%get3A_127, %get3A_128] {strides = array<i32>} : memref<8x6256xi32, #tpu.memory_space<vmem>>, vector<16xi32>,
      %mul3A_130 = arith.constant 16 : i32
      %mul3A_131 = arith.muli %scan3A_123, %mul3A_130 : i32
      %get3A_132 = arith.constant 0 : i32
      %get3A_133 = arith.index_cast %get3A_132 : i32 to index
      %get3A_134 = arith.index_cast %mul3A_131 : i32 to index
      %get3A_135 = tpu.vector_load %arg8[%get3A_133, %get3A_134] {strides = array<i32>} : memref<8x6256xf32, #tpu.memory_space<vmem>>, vector<16xf32>,
      tpu.vector_store_idx %arg6[%get3A_129], %get3A_135 : memref<25120xf32, #tpu.memory_space<vmem>>[vector<16xi32>], vector<16xf32>,
      %scan3A_136 = arith.constant 3 : i32
      %scan3A_137 = arith.addi %scan3A_96, %scan3A_136 : i32
      %mul3A_138 = arith.constant 16 : i32
      %mul3A_139 = arith.muli %scan3A_137, %mul3A_138 : i32
      %get3A_140 = arith.constant 0 : i32
      %get3A_141 = arith.index_cast %get3A_140 : i32 to index
      %get3A_142 = arith.index_cast %mul3A_139 : i32 to index
      %get3A_143 = tpu.vector_load %arg7[%get3A_141, %get3A_142] {strides = array<i32>} : memref<8x6256xi32, #tpu.memory_space<vmem>>, vector<16xi32>,
      %mul3A_144 = arith.constant 16 : i32
      %mul3A_145 = arith.muli %scan3A_137, %mul3A_144 : i32
      %get3A_146 = arith.constant 0 : i32
      %get3A_147 = arith.index_cast %get3A_146 : i32 to index
      %get3A_148 = arith.index_cast %mul3A_145 : i32 to index
      %get3A_149 = tpu.vector_load %arg8[%get3A_147, %get3A_148] {strides = array<i32>} : memref<8x6256xf32, #tpu.memory_space<vmem>>, vector<16xf32>,
      tpu.vector_store_idx %arg6[%get3A_143], %get3A_149 : memref<25120xf32, #tpu.memory_space<vmem>>[vector<16xi32>], vector<16xf32>,
      %scan3A_150 = arith.constant 4 : i32
      %scan3A_151 = arith.addi %scan3A_96, %scan3A_150 : i32
      %mul3A_152 = arith.constant 16 : i32
      %mul3A_153 = arith.muli %scan3A_151, %mul3A_152 : i32
      %get3A_154 = arith.constant 0 : i32
      %get3A_155 = arith.index_cast %get3A_154 : i32 to index
      %get3A_156 = arith.index_cast %mul3A_153 : i32 to index
      %get3A_157 = tpu.vector_load %arg7[%get3A_155, %get3A_156] {strides = array<i32>} : memref<8x6256xi32, #tpu.memory_space<vmem>>, vector<16xi32>,
      %mul3A_158 = arith.constant 16 : i32
      %mul3A_159 = arith.muli %scan3A_151, %mul3A_158 : i32
      %get3A_160 = arith.constant 0 : i32
      %get3A_161 = arith.index_cast %get3A_160 : i32 to index
      %get3A_162 = arith.index_cast %mul3A_159 : i32 to index
      %get3A_163 = tpu.vector_load %arg8[%get3A_161, %get3A_162] {strides = array<i32>} : memref<8x6256xf32, #tpu.memory_space<vmem>>, vector<16xf32>,
      tpu.vector_store_idx %arg6[%get3A_157], %get3A_163 : memref<25120xf32, #tpu.memory_space<vmem>>[vector<16xi32>], vector<16xf32>,
      %scan3A_164 = arith.constant 5 : i32
      %scan3A_165 = arith.addi %scan3A_96, %scan3A_164 : i32
      %mul3A_166 = arith.constant 16 : i32
      %mul3A_167 = arith.muli %scan3A_165, %mul3A_166 : i32
      %get3A_168 = arith.constant 0 : i32
      %get3A_169 = arith.index_cast %get3A_168 : i32 to index
      %get3A_170 = arith.index_cast %mul3A_167 : i32 to index
      %get3A_171 = tpu.vector_load %arg7[%get3A_169, %get3A_170] {strides = array<i32>} : memref<8x6256xi32, #tpu.memory_space<vmem>>, vector<16xi32>,
      %mul3A_172 = arith.constant 16 : i32
      %mul3A_173 = arith.muli %scan3A_165, %mul3A_172 : i32
      %get3A_174 = arith.constant 0 : i32
      %get3A_175 = arith.index_cast %get3A_174 : i32 to index
      %get3A_176 = arith.index_cast %mul3A_173 : i32 to index
      %get3A_177 = tpu.vector_load %arg8[%get3A_175, %get3A_176] {strides = array<i32>} : memref<8x6256xf32, #tpu.memory_space<vmem>>, vector<16xf32>,
      tpu.vector_store_idx %arg6[%get3A_171], %get3A_177 : memref<25120xf32, #tpu.memory_space<vmem>>[vector<16xi32>], vector<16xf32>,
      %scan3A_178 = arith.constant 6 : i32
      %scan3A_179 = arith.addi %scan3A_96, %scan3A_178 : i32
      %mul3A_180 = arith.constant 16 : i32
      %mul3A_181 = arith.muli %scan3A_179, %mul3A_180 : i32
      %get3A_182 = arith.constant 0 : i32
      %get3A_183 = arith.index_cast %get3A_182 : i32 to index
      %get3A_184 = arith.index_cast %mul3A_181 : i32 to index
      %get3A_185 = tpu.vector_load %arg7[%get3A_183, %get3A_184] {strides = array<i32>} : memref<8x6256xi32, #tpu.memory_space<vmem>>, vector<16xi32>,
      %mul3A_186 = arith.constant 16 : i32
      %mul3A_187 = arith.muli %scan3A_179, %mul3A_186 : i32
      %get3A_188 = arith.constant 0 : i32
      %get3A_189 = arith.index_cast %get3A_188 : i32 to index
      %get3A_190 = arith.index_cast %mul3A_187 : i32 to index
      %get3A_191 = tpu.vector_load %arg8[%get3A_189, %get3A_190] {strides = array<i32>} : memref<8x6256xf32, #tpu.memory_space<vmem>>, vector<16xf32>,
      tpu.vector_store_idx %arg6[%get3A_185], %get3A_191 : memref<25120xf32, #tpu.memory_space<vmem>>[vector<16xi32>], vector<16xf32>,
      %scan3A_192 = arith.constant 7 : i32
      %scan3A_193 = arith.addi %scan3A_96, %scan3A_192 : i32
      %mul3A_194 = arith.constant 16 : i32
      %mul3A_195 = arith.muli %scan3A_193, %mul3A_194 : i32
      %get3A_196 = arith.constant 0 : i32
      %get3A_197 = arith.index_cast %get3A_196 : i32 to index
      %get3A_198 = arith.index_cast %mul3A_195 : i32 to index
      %get3A_199 = tpu.vector_load %arg7[%get3A_197, %get3A_198] {strides = array<i32>} : memref<8x6256xi32, #tpu.memory_space<vmem>>, vector<16xi32>,
      %mul3A_200 = arith.constant 16 : i32
      %mul3A_201 = arith.muli %scan3A_193, %mul3A_200 : i32
      %get3A_202 = arith.constant 0 : i32
      %get3A_203 = arith.index_cast %get3A_202 : i32 to index
      %get3A_204 = arith.index_cast %mul3A_201 : i32 to index
      %get3A_205 = tpu.vector_load %arg8[%get3A_203, %get3A_204] {strides = array<i32>} : memref<8x6256xf32, #tpu.memory_space<vmem>>, vector<16xf32>,
      tpu.vector_store_idx %arg6[%get3A_199], %get3A_205 : memref<25120xf32, #tpu.memory_space<vmem>>[vector<16xi32>], vector<16xf32>,
      %scan3A_206 = arith.constant 8 : i32
      %scan3A_207 = arith.addi %scan3A_96, %scan3A_206 : i32
      %mul3A_208 = arith.constant 16 : i32
      %mul3A_209 = arith.muli %scan3A_207, %mul3A_208 : i32
      %get3A_210 = arith.constant 0 : i32
      %get3A_211 = arith.index_cast %get3A_210 : i32 to index
      %get3A_212 = arith.index_cast %mul3A_209 : i32 to index
      %get3A_213 = tpu.vector_load %arg7[%get3A_211, %get3A_212] {strides = array<i32>} : memref<8x6256xi32, #tpu.memory_space<vmem>>, vector<16xi32>,
      %mul3A_214 = arith.constant 16 : i32
      %mul3A_215 = arith.muli %scan3A_207, %mul3A_214 : i32
      %get3A_216 = arith.constant 0 : i32
      %get3A_217 = arith.index_cast %get3A_216 : i32 to index
      %get3A_218 = arith.index_cast %mul3A_215 : i32 to index
      %get3A_219 = tpu.vector_load %arg8[%get3A_217, %get3A_218] {strides = array<i32>} : memref<8x6256xf32, #tpu.memory_space<vmem>>, vector<16xf32>,
      tpu.vector_store_idx %arg6[%get3A_213], %get3A_219 : memref<25120xf32, #tpu.memory_space<vmem>>[vector<16xi32>], vector<16xf32>,
      %scan3A_220 = arith.constant 9 : i32
      %scan3A_221 = arith.addi %scan3A_96, %scan3A_220 : i32
      %mul3A_222 = arith.constant 16 : i32
      %mul3A_223 = arith.muli %scan3A_221, %mul3A_222 : i32
      %get3A_224 = arith.constant 0 : i32
      %get3A_225 = arith.index_cast %get3A_224 : i32 to index
      %get3A_226 = arith.index_cast %mul3A_223 : i32 to index
      %get3A_227 = tpu.vector_load %arg7[%get3A_225, %get3A_226] {strides = array<i32>} : memref<8x6256xi32, #tpu.memory_space<vmem>>, vector<16xi32>,
      %mul3A_228 = arith.constant 16 : i32
      %mul3A_229 = arith.muli %scan3A_221, %mul3A_228 : i32
      %get3A_230 = arith.constant 0 : i32
      %get3A_231 = arith.index_cast %get3A_230 : i32 to index
      %get3A_232 = arith.index_cast %mul3A_229 : i32 to index
      %get3A_233 = tpu.vector_load %arg8[%get3A_231, %get3A_232] {strides = array<i32>} : memref<8x6256xf32, #tpu.memory_space<vmem>>, vector<16xf32>,
      tpu.vector_store_idx %arg6[%get3A_227], %get3A_233 : memref<25120xf32, #tpu.memory_space<vmem>>[vector<16xi32>], vector<16xf32>,
      %scan3A_234 = arith.constant 10 : i32
      %scan3A_235 = arith.addi %scan3A_96, %scan3A_234 : i32
      %mul3A_236 = arith.constant 16 : i32
      %mul3A_237 = arith.muli %scan3A_235, %mul3A_236 : i32
      %get3A_238 = arith.constant 0 : i32
      %get3A_239 = arith.index_cast %get3A_238 : i32 to index
      %get3A_240 = arith.index_cast %mul3A_237 : i32 to index
      %get3A_241 = tpu.vector_load %arg7[%get3A_239, %get3A_240] {strides = array<i32>} : memref<8x6256xi32, #tpu.memory_space<vmem>>, vector<16xi32>,
      %mul3A_242 = arith.constant 16 : i32
      %mul3A_243 = arith.muli %scan3A_235, %mul3A_242 : i32
      %get3A_244 = arith.constant 0 : i32
      %get3A_245 = arith.index_cast %get3A_244 : i32 to index
      %get3A_246 = arith.index_cast %mul3A_243 : i32 to index
      %get3A_247 = tpu.vector_load %arg8[%get3A_245, %get3A_246] {strides = array<i32>} : memref<8x6256xf32, #tpu.memory_space<vmem>>, vector<16xf32>,
      tpu.vector_store_idx %arg6[%get3A_241], %get3A_247 : memref<25120xf32, #tpu.memory_space<vmem>>[vector<16xi32>], vector<16xf32>,
      %scan3A_248 = arith.constant 11 : i32
      %scan3A_249 = arith.addi %scan3A_96, %scan3A_248 : i32
      %mul3A_250 = arith.constant 16 : i32
      %mul3A_251 = arith.muli %scan3A_249, %mul3A_250 : i32
      %get3A_252 = arith.constant 0 : i32
      %get3A_253 = arith.index_cast %get3A_252 : i32 to index
      %get3A_254 = arith.index_cast %mul3A_251 : i32 to index
      %get3A_255 = tpu.vector_load %arg7[%get3A_253, %get3A_254] {strides = array<i32>} : memref<8x6256xi32, #tpu.memory_space<vmem>>, vector<16xi32>,
      %mul3A_256 = arith.constant 16 : i32
      %mul3A_257 = arith.muli %scan3A_249, %mul3A_256 : i32
      %get3A_258 = arith.constant 0 : i32
      %get3A_259 = arith.index_cast %get3A_258 : i32 to index
      %get3A_260 = arith.index_cast %mul3A_257 : i32 to index
      %get3A_261 = tpu.vector_load %arg8[%get3A_259, %get3A_260] {strides = array<i32>} : memref<8x6256xf32, #tpu.memory_space<vmem>>, vector<16xf32>,
      tpu.vector_store_idx %arg6[%get3A_255], %get3A_261 : memref<25120xf32, #tpu.memory_space<vmem>>[vector<16xi32>], vector<16xf32>,
      %scan3A_262 = arith.constant 12 : i32
      %scan3A_263 = arith.addi %scan3A_96, %scan3A_262 : i32
      %mul3A_264 = arith.constant 16 : i32
      %mul3A_265 = arith.muli %scan3A_263, %mul3A_264 : i32
      %get3A_266 = arith.constant 0 : i32
      %get3A_267 = arith.index_cast %get3A_266 : i32 to index
      %get3A_268 = arith.index_cast %mul3A_265 : i32 to index
      %get3A_269 = tpu.vector_load %arg7[%get3A_267, %get3A_268] {strides = array<i32>} : memref<8x6256xi32, #tpu.memory_space<vmem>>, vector<16xi32>,
      %mul3A_270 = arith.constant 16 : i32
      %mul3A_271 = arith.muli %scan3A_263, %mul3A_270 : i32
      %get3A_272 = arith.constant 0 : i32
      %get3A_273 = arith.index_cast %get3A_272 : i32 to index
      %get3A_274 = arith.index_cast %mul3A_271 : i32 to index
      %get3A_275 = tpu.vector_load %arg8[%get3A_273, %get3A_274] {strides = array<i32>} : memref<8x6256xf32, #tpu.memory_space<vmem>>, vector<16xf32>,
      tpu.vector_store_idx %arg6[%get3A_269], %get3A_275 : memref<25120xf32, #tpu.memory_space<vmem>>[vector<16xi32>], vector<16xf32>,
      %scan3A_276 = arith.constant 13 : i32
      %scan3A_277 = arith.addi %scan3A_96, %scan3A_276 : i32
      %mul3A_278 = arith.constant 16 : i32
      %mul3A_279 = arith.muli %scan3A_277, %mul3A_278 : i32
      %get3A_280 = arith.constant 0 : i32
      %get3A_281 = arith.index_cast %get3A_280 : i32 to index
      %get3A_282 = arith.index_cast %mul3A_279 : i32 to index
      %get3A_283 = tpu.vector_load %arg7[%get3A_281, %get3A_282] {strides = array<i32>} : memref<8x6256xi32, #tpu.memory_space<vmem>>, vector<16xi32>,
      %mul3A_284 = arith.constant 16 : i32
      %mul3A_285 = arith.muli %scan3A_277, %mul3A_284 : i32
      %get3A_286 = arith.constant 0 : i32
      %get3A_287 = arith.index_cast %get3A_286 : i32 to index
      %get3A_288 = arith.index_cast %mul3A_285 : i32 to index
      %get3A_289 = tpu.vector_load %arg8[%get3A_287, %get3A_288] {strides = array<i32>} : memref<8x6256xf32, #tpu.memory_space<vmem>>, vector<16xf32>,
      tpu.vector_store_idx %arg6[%get3A_283], %get3A_289 : memref<25120xf32, #tpu.memory_space<vmem>>[vector<16xi32>], vector<16xf32>,
      %scan3A_290 = arith.constant 14 : i32
      %scan3A_291 = arith.addi %scan3A_96, %scan3A_290 : i32
      %mul3A_292 = arith.constant 16 : i32
      %mul3A_293 = arith.muli %scan3A_291, %mul3A_292 : i32
      %get3A_294 = arith.constant 0 : i32
      %get3A_295 = arith.index_cast %get3A_294 : i32 to index
      %get3A_296 = arith.index_cast %mul3A_293 : i32 to index
      %get3A_297 = tpu.vector_load %arg7[%get3A_295, %get3A_296] {strides = array<i32>} : memref<8x6256xi32, #tpu.memory_space<vmem>>, vector<16xi32>,
      %mul3A_298 = arith.constant 16 : i32
      %mul3A_299 = arith.muli %scan3A_291, %mul3A_298 : i32
      %get3A_300 = arith.constant 0 : i32
      %get3A_301 = arith.index_cast %get3A_300 : i32 to index
      %get3A_302 = arith.index_cast %mul3A_299 : i32 to index
      %get3A_303 = tpu.vector_load %arg8[%get3A_301, %get3A_302] {strides = array<i32>} : memref<8x6256xf32, #tpu.memory_space<vmem>>, vector<16xf32>,
      tpu.vector_store_idx %arg6[%get3A_297], %get3A_303 : memref<25120xf32, #tpu.memory_space<vmem>>[vector<16xi32>], vector<16xf32>,
      %scan3A_304 = arith.constant 15 : i32
      %scan3A_305 = arith.addi %scan3A_96, %scan3A_304 : i32
      %mul3A_306 = arith.constant 16 : i32
      %mul3A_307 = arith.muli %scan3A_305, %mul3A_306 : i32
      %get3A_308 = arith.constant 0 : i32
      %get3A_309 = arith.index_cast %get3A_308 : i32 to index
      %get3A_310 = arith.index_cast %mul3A_307 : i32 to index
      %get3A_311 = tpu.vector_load %arg7[%get3A_309, %get3A_310] {strides = array<i32>} : memref<8x6256xi32, #tpu.memory_space<vmem>>, vector<16xi32>,
      %mul3A_312 = arith.constant 16 : i32
      %mul3A_313 = arith.muli %scan3A_305, %mul3A_312 : i32
      %get3A_314 = arith.constant 0 : i32
      %get3A_315 = arith.index_cast %get3A_314 : i32 to index
      %get3A_316 = arith.index_cast %mul3A_313 : i32 to index
      %get3A_317 = tpu.vector_load %arg8[%get3A_315, %get3A_316] {strides = array<i32>} : memref<8x6256xf32, #tpu.memory_space<vmem>>, vector<16xf32>,
      tpu.vector_store_idx %arg6[%get3A_311], %get3A_317 : memref<25120xf32, #tpu.memory_space<vmem>>[vector<16xi32>], vector<16xf32>,
      %scan3A_318 = arith.constant 16 : i32
      %scan3A_319 = arith.addi %scan3A_96, %scan3A_318 : i32
      %mul3A_320 = arith.constant 16 : i32
      %mul3A_321 = arith.muli %scan3A_319, %mul3A_320 : i32
      %get3A_322 = arith.constant 0 : i32
      %get3A_323 = arith.index_cast %get3A_322 : i32 to index
      %get3A_324 = arith.index_cast %mul3A_321 : i32 to index
      %get3A_325 = tpu.vector_load %arg7[%get3A_323, %get3A_324] {strides = array<i32>} : memref<8x6256xi32, #tpu.memory_space<vmem>>, vector<16xi32>,
      %mul3A_326 = arith.constant 16 : i32
      %mul3A_327 = arith.muli %scan3A_319, %mul3A_326 : i32
      %get3A_328 = arith.constant 0 : i32
      %get3A_329 = arith.index_cast %get3A_328 : i32 to index
      %get3A_330 = arith.index_cast %mul3A_327 : i32 to index
      %get3A_331 = tpu.vector_load %arg8[%get3A_329, %get3A_330] {strides = array<i32>} : memref<8x6256xf32, #tpu.memory_space<vmem>>, vector<16xf32>,
      tpu.vector_store_idx %arg6[%get3A_325], %get3A_331 : memref<25120xf32, #tpu.memory_space<vmem>>[vector<16xi32>], vector<16xf32>,
    }
    %scan3A_51 = arith.constant 391 : i32
    %scan3A_52 = arith.constant 0 : i32
    %scan3A_53 = arith.constant 0 : i32
    %scan3A_54 = arith.constant 391 : i32
    %scan3A_55 = arith.addi %scan3A_53, %scan3A_54 : i32
    %scan3A_56 = arith.constant 17 : i32
    scf.for %scan3A_96 = %scan3A_53 to %scan3A_55 step %scan3A_56  : i32 {
      %mul3A_97 = arith.constant 16 : i32
      %mul3A_98 = arith.muli %scan3A_96, %mul3A_97 : i32
      %get3A = arith.constant 1 : i32
      %get3A_99 = arith.index_cast %get3A : i32 to index
      %get3A_100 = arith.index_cast %mul3A_98 : i32 to index
      %get3A_101 = tpu.vector_load %arg7[%get3A_99, %get3A_100] {strides = array<i32>} : memref<8x6256xi32, #tpu.memory_space<vmem>>, vector<16xi32>,
      %mul3A_102 = arith.constant 16 : i32
      %mul3A_103 = arith.muli %scan3A_96, %mul3A_102 : i32
      %get3A_104 = arith.constant 1 : i32
      %get3A_105 = arith.index_cast %get3A_104 : i32 to index
      %get3A_106 = arith.index_cast %mul3A_103 : i32 to index
      %get3A_107 = tpu.vector_load %arg8[%get3A_105, %get3A_106] {strides = array<i32>} : memref<8x6256xf32, #tpu.memory_space<vmem>>, vector<16xf32>,
      tpu.vector_store_idx %arg6[%get3A_101], %get3A_107 : memref<25120xf32, #tpu.memory_space<vmem>>[vector<16xi32>], vector<16xf32>,
      %scan3A_108 = arith.constant 1 : i32
      %scan3A_109 = arith.addi %scan3A_96, %scan3A_108 : i32
      %mul3A_110 = arith.constant 16 : i32
      %mul3A_111 = arith.muli %scan3A_109, %mul3A_110 : i32
      %get3A_112 = arith.constant 1 : i32
      %get3A_113 = arith.index_cast %get3A_112 : i32 to index
      %get3A_114 = arith.index_cast %mul3A_111 : i32 to index
      %get3A_115 = tpu.vector_load %arg7[%get3A_113, %get3A_114] {strides = array<i32>} : memref<8x6256xi32, #tpu.memory_space<vmem>>, vector<16xi32>,
      %mul3A_116 = arith.constant 16 : i32
      %mul3A_117 = arith.muli %scan3A_109, %mul3A_116 : i32
      %get3A_118 = arith.constant 1 : i32
      %get3A_119 = arith.index_cast %get3A_118 : i32 to index
      %get3A_120 = arith.index_cast %mul3A_117 : i32 to index
      %get3A_121 = tpu.vector_load %arg8[%get3A_119, %get3A_120] {strides = array<i32>} : memref<8x6256xf32, #tpu.memory_space<vmem>>, vector<16xf32>,
      tpu.vector_store_idx %arg6[%get3A_115], %get3A_121 : memref<25120xf32, #tpu.memory_space<vmem>>[vector<16xi32>], vector<16xf32>,
      %scan3A_122 = arith.constant 2 : i32
      %scan3A_123 = arith.addi %scan3A_96, %scan3A_122 : i32
      %mul3A_124 = arith.constant 16 : i32
      %mul3A_125 = arith.muli %scan3A_123, %mul3A_124 : i32
      %get3A_126 = arith.constant 1 : i32
      %get3A_127 = arith.index_cast %get3A_126 : i32 to index
      %get3A_128 = arith.index_cast %mul3A_125 : i32 to index
      %get3A_129 = tpu.vector_load %arg7[%get3A_127, %get3A_128] {strides = array<i32>} : memref<8x6256xi32, #tpu.memory_space<vmem>>, vector<16xi32>,
      %mul3A_130 = arith.constant 16 : i32
      %mul3A_131 = arith.muli %scan3A_123, %mul3A_130 : i32
      %get3A_132 = arith.constant 1 : i32
      %get3A_133 = arith.index_cast %get3A_132 : i32 to index
      %get3A_134 = arith.index_cast %mul3A_131 : i32 to index
      %get3A_135 = tpu.vector_load %arg8[%get3A_133, %get3A_134] {strides = array<i32>} : memref<8x6256xf32, #tpu.memory_space<vmem>>, vector<16xf32>,
      tpu.vector_store_idx %arg6[%get3A_129], %get3A_135 : memref<25120xf32, #tpu.memory_space<vmem>>[vector<16xi32>], vector<16xf32>,
      %scan3A_136 = arith.constant 3 : i32
      %scan3A_137 = arith.addi %scan3A_96, %scan3A_136 : i32
      %mul3A_138 = arith.constant 16 : i32
      %mul3A_139 = arith.muli %scan3A_137, %mul3A_138 : i32
      %get3A_140 = arith.constant 1 : i32
      %get3A_141 = arith.index_cast %get3A_140 : i32 to index
      %get3A_142 = arith.index_cast %mul3A_139 : i32 to index
      %get3A_143 = tpu.vector_load %arg7[%get3A_141, %get3A_142] {strides = array<i32>} : memref<8x6256xi32, #tpu.memory_space<vmem>>, vector<16xi32>,
      %mul3A_144 = arith.constant 16 : i32
      %mul3A_145 = arith.muli %scan3A_137, %mul3A_144 : i32
      %get3A_146 = arith.constant 1 : i32
      %get3A_147 = arith.index_cast %get3A_146 : i32 to index
      %get3A_148 = arith.index_cast %mul3A_145 : i32 to index
      %get3A_149 = tpu.vector_load %arg8[%get3A_147, %get3A_148] {strides = array<i32>} : memref<8x6256xf32, #tpu.memory_space<vmem>>, vector<16xf32>,
      tpu.vector_store_idx %arg6[%get3A_143], %get3A_149 : memref<25120xf32, #tpu.memory_space<vmem>>[vector<16xi32>], vector<16xf32>,
      %scan3A_150 = arith.constant 4 : i32
      %scan3A_151 = arith.addi %scan3A_96, %scan3A_150 : i32
      %mul3A_152 = arith.constant 16 : i32
      %mul3A_153 = arith.muli %scan3A_151, %mul3A_152 : i32
      %get3A_154 = arith.constant 1 : i32
      %get3A_155 = arith.index_cast %get3A_154 : i32 to index
      %get3A_156 = arith.index_cast %mul3A_153 : i32 to index
      %get3A_157 = tpu.vector_load %arg7[%get3A_155, %get3A_156] {strides = array<i32>} : memref<8x6256xi32, #tpu.memory_space<vmem>>, vector<16xi32>,
      %mul3A_158 = arith.constant 16 : i32
      %mul3A_159 = arith.muli %scan3A_151, %mul3A_158 : i32
      %get3A_160 = arith.constant 1 : i32
      %get3A_161 = arith.index_cast %get3A_160 : i32 to index
      %get3A_162 = arith.index_cast %mul3A_159 : i32 to index
      %get3A_163 = tpu.vector_load %arg8[%get3A_161, %get3A_162] {strides = array<i32>} : memref<8x6256xf32, #tpu.memory_space<vmem>>, vector<16xf32>,
      tpu.vector_store_idx %arg6[%get3A_157], %get3A_163 : memref<25120xf32, #tpu.memory_space<vmem>>[vector<16xi32>], vector<16xf32>,
      %scan3A_164 = arith.constant 5 : i32
      %scan3A_165 = arith.addi %scan3A_96, %scan3A_164 : i32
      %mul3A_166 = arith.constant 16 : i32
      %mul3A_167 = arith.muli %scan3A_165, %mul3A_166 : i32
      %get3A_168 = arith.constant 1 : i32
      %get3A_169 = arith.index_cast %get3A_168 : i32 to index
      %get3A_170 = arith.index_cast %mul3A_167 : i32 to index
      %get3A_171 = tpu.vector_load %arg7[%get3A_169, %get3A_170] {strides = array<i32>} : memref<8x6256xi32, #tpu.memory_space<vmem>>, vector<16xi32>,
      %mul3A_172 = arith.constant 16 : i32
      %mul3A_173 = arith.muli %scan3A_165, %mul3A_172 : i32
      %get3A_174 = arith.constant 1 : i32
      %get3A_175 = arith.index_cast %get3A_174 : i32 to index
      %get3A_176 = arith.index_cast %mul3A_173 : i32 to index
      %get3A_177 = tpu.vector_load %arg8[%get3A_175, %get3A_176] {strides = array<i32>} : memref<8x6256xf32, #tpu.memory_space<vmem>>, vector<16xf32>,
      tpu.vector_store_idx %arg6[%get3A_171], %get3A_177 : memref<25120xf32, #tpu.memory_space<vmem>>[vector<16xi32>], vector<16xf32>,
      %scan3A_178 = arith.constant 6 : i32
      %scan3A_179 = arith.addi %scan3A_96, %scan3A_178 : i32
      %mul3A_180 = arith.constant 16 : i32
      %mul3A_181 = arith.muli %scan3A_179, %mul3A_180 : i32
      %get3A_182 = arith.constant 1 : i32
      %get3A_183 = arith.index_cast %get3A_182 : i32 to index
      %get3A_184 = arith.index_cast %mul3A_181 : i32 to index
      %get3A_185 = tpu.vector_load %arg7[%get3A_183, %get3A_184] {strides = array<i32>} : memref<8x6256xi32, #tpu.memory_space<vmem>>, vector<16xi32>,
      %mul3A_186 = arith.constant 16 : i32
      %mul3A_187 = arith.muli %scan3A_179, %mul3A_186 : i32
      %get3A_188 = arith.constant 1 : i32
      %get3A_189 = arith.index_cast %get3A_188 : i32 to index
      %get3A_190 = arith.index_cast %mul3A_187 : i32 to index
      %get3A_191 = tpu.vector_load %arg8[%get3A_189, %get3A_190] {strides = array<i32>} : memref<8x6256xf32, #tpu.memory_space<vmem>>, vector<16xf32>,
      tpu.vector_store_idx %arg6[%get3A_185], %get3A_191 : memref<25120xf32, #tpu.memory_space<vmem>>[vector<16xi32>], vector<16xf32>,
      %scan3A_192 = arith.constant 7 : i32
      %scan3A_193 = arith.addi %scan3A_96, %scan3A_192 : i32
      %mul3A_194 = arith.constant 16 : i32
      %mul3A_195 = arith.muli %scan3A_193, %mul3A_194 : i32
      %get3A_196 = arith.constant 1 : i32
      %get3A_197 = arith.index_cast %get3A_196 : i32 to index
      %get3A_198 = arith.index_cast %mul3A_195 : i32 to index
      %get3A_199 = tpu.vector_load %arg7[%get3A_197, %get3A_198] {strides = array<i32>} : memref<8x6256xi32, #tpu.memory_space<vmem>>, vector<16xi32>,
      %mul3A_200 = arith.constant 16 : i32
      %mul3A_201 = arith.muli %scan3A_193, %mul3A_200 : i32
      %get3A_202 = arith.constant 1 : i32
      %get3A_203 = arith.index_cast %get3A_202 : i32 to index
      %get3A_204 = arith.index_cast %mul3A_201 : i32 to index
      %get3A_205 = tpu.vector_load %arg8[%get3A_203, %get3A_204] {strides = array<i32>} : memref<8x6256xf32, #tpu.memory_space<vmem>>, vector<16xf32>,
      tpu.vector_store_idx %arg6[%get3A_199], %get3A_205 : memref<25120xf32, #tpu.memory_space<vmem>>[vector<16xi32>], vector<16xf32>,
      %scan3A_206 = arith.constant 8 : i32
      %scan3A_207 = arith.addi %scan3A_96, %scan3A_206 : i32
      %mul3A_208 = arith.constant 16 : i32
      %mul3A_209 = arith.muli %scan3A_207, %mul3A_208 : i32
      %get3A_210 = arith.constant 1 : i32
      %get3A_211 = arith.index_cast %get3A_210 : i32 to index
      %get3A_212 = arith.index_cast %mul3A_209 : i32 to index
      %get3A_213 = tpu.vector_load %arg7[%get3A_211, %get3A_212] {strides = array<i32>} : memref<8x6256xi32, #tpu.memory_space<vmem>>, vector<16xi32>,
      %mul3A_214 = arith.constant 16 : i32
      %mul3A_215 = arith.muli %scan3A_207, %mul3A_214 : i32
      %get3A_216 = arith.constant 1 : i32
      %get3A_217 = arith.index_cast %get3A_216 : i32 to index
      %get3A_218 = arith.index_cast %mul3A_215 : i32 to index
      %get3A_219 = tpu.vector_load %arg8[%get3A_217, %get3A_218] {strides = array<i32>} : memref<8x6256xf32, #tpu.memory_space<vmem>>, vector<16xf32>,
      tpu.vector_store_idx %arg6[%get3A_213], %get3A_219 : memref<25120xf32, #tpu.memory_space<vmem>>[vector<16xi32>], vector<16xf32>,
      %scan3A_220 = arith.constant 9 : i32
      %scan3A_221 = arith.addi %scan3A_96, %scan3A_220 : i32
      %mul3A_222 = arith.constant 16 : i32
      %mul3A_223 = arith.muli %scan3A_221, %mul3A_222 : i32
      %get3A_224 = arith.constant 1 : i32
      %get3A_225 = arith.index_cast %get3A_224 : i32 to index
      %get3A_226 = arith.index_cast %mul3A_223 : i32 to index
      %get3A_227 = tpu.vector_load %arg7[%get3A_225, %get3A_226] {strides = array<i32>} : memref<8x6256xi32, #tpu.memory_space<vmem>>, vector<16xi32>,
      %mul3A_228 = arith.constant 16 : i32
      %mul3A_229 = arith.muli %scan3A_221, %mul3A_228 : i32
      %get3A_230 = arith.constant 1 : i32
      %get3A_231 = arith.index_cast %get3A_230 : i32 to index
      %get3A_232 = arith.index_cast %mul3A_229 : i32 to index
      %get3A_233 = tpu.vector_load %arg8[%get3A_231, %get3A_232] {strides = array<i32>} : memref<8x6256xf32, #tpu.memory_space<vmem>>, vector<16xf32>,
      tpu.vector_store_idx %arg6[%get3A_227], %get3A_233 : memref<25120xf32, #tpu.memory_space<vmem>>[vector<16xi32>], vector<16xf32>,
      %scan3A_234 = arith.constant 10 : i32
      %scan3A_235 = arith.addi %scan3A_96, %scan3A_234 : i32
      %mul3A_236 = arith.constant 16 : i32
      %mul3A_237 = arith.muli %scan3A_235, %mul3A_236 : i32
      %get3A_238 = arith.constant 1 : i32
      %get3A_239 = arith.index_cast %get3A_238 : i32 to index
      %get3A_240 = arith.index_cast %mul3A_237 : i32 to index
      %get3A_241 = tpu.vector_load %arg7[%get3A_239, %get3A_240] {strides = array<i32>} : memref<8x6256xi32, #tpu.memory_space<vmem>>, vector<16xi32>,
      %mul3A_242 = arith.constant 16 : i32
      %mul3A_243 = arith.muli %scan3A_235, %mul3A_242 : i32
      %get3A_244 = arith.constant 1 : i32
      %get3A_245 = arith.index_cast %get3A_244 : i32 to index
      %get3A_246 = arith.index_cast %mul3A_243 : i32 to index
      %get3A_247 = tpu.vector_load %arg8[%get3A_245, %get3A_246] {strides = array<i32>} : memref<8x6256xf32, #tpu.memory_space<vmem>>, vector<16xf32>,
      tpu.vector_store_idx %arg6[%get3A_241], %get3A_247 : memref<25120xf32, #tpu.memory_space<vmem>>[vector<16xi32>], vector<16xf32>,
      %scan3A_248 = arith.constant 11 : i32
      %scan3A_249 = arith.addi %scan3A_96, %scan3A_248 : i32
      %mul3A_250 = arith.constant 16 : i32
      %mul3A_251 = arith.muli %scan3A_249, %mul3A_250 : i32
      %get3A_252 = arith.constant 1 : i32
      %get3A_253 = arith.index_cast %get3A_252 : i32 to index
      %get3A_254 = arith.index_cast %mul3A_251 : i32 to index
      %get3A_255 = tpu.vector_load %arg7[%get3A_253, %get3A_254] {strides = array<i32>} : memref<8x6256xi32, #tpu.memory_space<vmem>>, vector<16xi32>,
      %mul3A_256 = arith.constant 16 : i32
      %mul3A_257 = arith.muli %scan3A_249, %mul3A_256 : i32
      %get3A_258 = arith.constant 1 : i32
      %get3A_259 = arith.index_cast %get3A_258 : i32 to index
      %get3A_260 = arith.index_cast %mul3A_257 : i32 to index
      %get3A_261 = tpu.vector_load %arg8[%get3A_259, %get3A_260] {strides = array<i32>} : memref<8x6256xf32, #tpu.memory_space<vmem>>, vector<16xf32>,
      tpu.vector_store_idx %arg6[%get3A_255], %get3A_261 : memref<25120xf32, #tpu.memory_space<vmem>>[vector<16xi32>], vector<16xf32>,
      %scan3A_262 = arith.constant 12 : i32
      %scan3A_263 = arith.addi %scan3A_96, %scan3A_262 : i32
      %mul3A_264 = arith.constant 16 : i32
      %mul3A_265 = arith.muli %scan3A_263, %mul3A_264 : i32
      %get3A_266 = arith.constant 1 : i32
      %get3A_267 = arith.index_cast %get3A_266 : i32 to index
      %get3A_268 = arith.index_cast %mul3A_265 : i32 to index
      %get3A_269 = tpu.vector_load %arg7[%get3A_267, %get3A_268] {strides = array<i32>} : memref<8x6256xi32, #tpu.memory_space<vmem>>, vector<16xi32>,
      %mul3A_270 = arith.constant 16 : i32
      %mul3A_271 = arith.muli %scan3A_263, %mul3A_270 : i32
      %get3A_272 = arith.constant 1 : i32
      %get3A_273 = arith.index_cast %get3A_272 : i32 to index
      %get3A_274 = arith.index_cast %mul3A_271 : i32 to index
      %get3A_275 = tpu.vector_load %arg8[%get3A_273, %get3A_274] {strides = array<i32>} : memref<8x6256xf32, #tpu.memory_space<vmem>>, vector<16xf32>,
      tpu.vector_store_idx %arg6[%get3A_269], %get3A_275 : memref<25120xf32, #tpu.memory_space<vmem>>[vector<16xi32>], vector<16xf32>,
      %scan3A_276 = arith.constant 13 : i32
      %scan3A_277 = arith.addi %scan3A_96, %scan3A_276 : i32
      %mul3A_278 = arith.constant 16 : i32
      %mul3A_279 = arith.muli %scan3A_277, %mul3A_278 : i32
      %get3A_280 = arith.constant 1 : i32
      %get3A_281 = arith.index_cast %get3A_280 : i32 to index
      %get3A_282 = arith.index_cast %mul3A_279 : i32 to index
      %get3A_283 = tpu.vector_load %arg7[%get3A_281, %get3A_282] {strides = array<i32>} : memref<8x6256xi32, #tpu.memory_space<vmem>>, vector<16xi32>,
      %mul3A_284 = arith.constant 16 : i32
      %mul3A_285 = arith.muli %scan3A_277, %mul3A_284 : i32
      %get3A_286 = arith.constant 1 : i32
      %get3A_287 = arith.index_cast %get3A_286 : i32 to index
      %get3A_288 = arith.index_cast %mul3A_285 : i32 to index
      %get3A_289 = tpu.vector_load %arg8[%get3A_287, %get3A_288] {strides = array<i32>} : memref<8x6256xf32, #tpu.memory_space<vmem>>, vector<16xf32>,
      tpu.vector_store_idx %arg6[%get3A_283], %get3A_289 : memref<25120xf32, #tpu.memory_space<vmem>>[vector<16xi32>], vector<16xf32>,
      %scan3A_290 = arith.constant 14 : i32
      %scan3A_291 = arith.addi %scan3A_96, %scan3A_290 : i32
      %mul3A_292 = arith.constant 16 : i32
      %mul3A_293 = arith.muli %scan3A_291, %mul3A_292 : i32
      %get3A_294 = arith.constant 1 : i32
      %get3A_295 = arith.index_cast %get3A_294 : i32 to index
      %get3A_296 = arith.index_cast %mul3A_293 : i32 to index
      %get3A_297 = tpu.vector_load %arg7[%get3A_295, %get3A_296] {strides = array<i32>} : memref<8x6256xi32, #tpu.memory_space<vmem>>, vector<16xi32>,
      %mul3A_298 = arith.constant 16 : i32
      %mul3A_299 = arith.muli %scan3A_291, %mul3A_298 : i32
      %get3A_300 = arith.constant 1 : i32
      %get3A_301 = arith.index_cast %get3A_300 : i32 to index
      %get3A_302 = arith.index_cast %mul3A_299 : i32 to index
      %get3A_303 = tpu.vector_load %arg8[%get3A_301, %get3A_302] {strides = array<i32>} : memref<8x6256xf32, #tpu.memory_space<vmem>>, vector<16xf32>,
      tpu.vector_store_idx %arg6[%get3A_297], %get3A_303 : memref<25120xf32, #tpu.memory_space<vmem>>[vector<16xi32>], vector<16xf32>,
      %scan3A_304 = arith.constant 15 : i32
      %scan3A_305 = arith.addi %scan3A_96, %scan3A_304 : i32
      %mul3A_306 = arith.constant 16 : i32
      %mul3A_307 = arith.muli %scan3A_305, %mul3A_306 : i32
      %get3A_308 = arith.constant 1 : i32
      %get3A_309 = arith.index_cast %get3A_308 : i32 to index
      %get3A_310 = arith.index_cast %mul3A_307 : i32 to index
      %get3A_311 = tpu.vector_load %arg7[%get3A_309, %get3A_310] {strides = array<i32>} : memref<8x6256xi32, #tpu.memory_space<vmem>>, vector<16xi32>,
      %mul3A_312 = arith.constant 16 : i32
      %mul3A_313 = arith.muli %scan3A_305, %mul3A_312 : i32
      %get3A_314 = arith.constant 1 : i32
      %get3A_315 = arith.index_cast %get3A_314 : i32 to index
      %get3A_316 = arith.index_cast %mul3A_313 : i32 to index
      %get3A_317 = tpu.vector_load %arg8[%get3A_315, %get3A_316] {strides = array<i32>} : memref<8x6256xf32, #tpu.memory_space<vmem>>, vector<16xf32>,
      tpu.vector_store_idx %arg6[%get3A_311], %get3A_317 : memref<25120xf32, #tpu.memory_space<vmem>>[vector<16xi32>], vector<16xf32>,
      %scan3A_318 = arith.constant 16 : i32
      %scan3A_319 = arith.addi %scan3A_96, %scan3A_318 : i32
      %mul3A_320 = arith.constant 16 : i32
      %mul3A_321 = arith.muli %scan3A_319, %mul3A_320 : i32
      %get3A_322 = arith.constant 1 : i32
      %get3A_323 = arith.index_cast %get3A_322 : i32 to index
      %get3A_324 = arith.index_cast %mul3A_321 : i32 to index
      %get3A_325 = tpu.vector_load %arg7[%get3A_323, %get3A_324] {strides = array<i32>} : memref<8x6256xi32, #tpu.memory_space<vmem>>, vector<16xi32>,
      %mul3A_326 = arith.constant 16 : i32
      %mul3A_327 = arith.muli %scan3A_319, %mul3A_326 : i32
      %get3A_328 = arith.constant 1 : i32
      %get3A_329 = arith.index_cast %get3A_328 : i32 to index
      %get3A_330 = arith.index_cast %mul3A_327 : i32 to index
      %get3A_331 = tpu.vector_load %arg8[%get3A_329, %get3A_330] {strides = array<i32>} : memref<8x6256xf32, #tpu.memory_space<vmem>>, vector<16xf32>,
      tpu.vector_store_idx %arg6[%get3A_325], %get3A_331 : memref<25120xf32, #tpu.memory_space<vmem>>[vector<16xi32>], vector<16xf32>,
    }
    %scan3A_57 = arith.constant 391 : i32
    %scan3A_58 = arith.constant 0 : i32
    %scan3A_59 = arith.constant 0 : i32
    %scan3A_60 = arith.constant 391 : i32
    %scan3A_61 = arith.addi %scan3A_59, %scan3A_60 : i32
    %scan3A_62 = arith.constant 17 : i32
    scf.for %scan3A_96 = %scan3A_59 to %scan3A_61 step %scan3A_62  : i32 {
      %mul3A_97 = arith.constant 16 : i32
      %mul3A_98 = arith.muli %scan3A_96, %mul3A_97 : i32
      %get3A = arith.constant 2 : i32
      %get3A_99 = arith.index_cast %get3A : i32 to index
      %get3A_100 = arith.index_cast %mul3A_98 : i32 to index
      %get3A_101 = tpu.vector_load %arg7[%get3A_99, %get3A_100] {strides = array<i32>} : memref<8x6256xi32, #tpu.memory_space<vmem>>, vector<16xi32>,
      %mul3A_102 = arith.constant 16 : i32
      %mul3A_103 = arith.muli %scan3A_96, %mul3A_102 : i32
      %get3A_104 = arith.constant 2 : i32
      %get3A_105 = arith.index_cast %get3A_104 : i32 to index
      %get3A_106 = arith.index_cast %mul3A_103 : i32 to index
      %get3A_107 = tpu.vector_load %arg8[%get3A_105, %get3A_106] {strides = array<i32>} : memref<8x6256xf32, #tpu.memory_space<vmem>>, vector<16xf32>,
      tpu.vector_store_idx %arg6[%get3A_101], %get3A_107 : memref<25120xf32, #tpu.memory_space<vmem>>[vector<16xi32>], vector<16xf32>,
      %scan3A_108 = arith.constant 1 : i32
      %scan3A_109 = arith.addi %scan3A_96, %scan3A_108 : i32
      %mul3A_110 = arith.constant 16 : i32
      %mul3A_111 = arith.muli %scan3A_109, %mul3A_110 : i32
      %get3A_112 = arith.constant 2 : i32
      %get3A_113 = arith.index_cast %get3A_112 : i32 to index
      %get3A_114 = arith.index_cast %mul3A_111 : i32 to index
      %get3A_115 = tpu.vector_load %arg7[%get3A_113, %get3A_114] {strides = array<i32>} : memref<8x6256xi32, #tpu.memory_space<vmem>>, vector<16xi32>,
      %mul3A_116 = arith.constant 16 : i32
      %mul3A_117 = arith.muli %scan3A_109, %mul3A_116 : i32
      %get3A_118 = arith.constant 2 : i32
      %get3A_119 = arith.index_cast %get3A_118 : i32 to index
      %get3A_120 = arith.index_cast %mul3A_117 : i32 to index
      %get3A_121 = tpu.vector_load %arg8[%get3A_119, %get3A_120] {strides = array<i32>} : memref<8x6256xf32, #tpu.memory_space<vmem>>, vector<16xf32>,
      tpu.vector_store_idx %arg6[%get3A_115], %get3A_121 : memref<25120xf32, #tpu.memory_space<vmem>>[vector<16xi32>], vector<16xf32>,
      %scan3A_122 = arith.constant 2 : i32
      %scan3A_123 = arith.addi %scan3A_96, %scan3A_122 : i32
      %mul3A_124 = arith.constant 16 : i32
      %mul3A_125 = arith.muli %scan3A_123, %mul3A_124 : i32
      %get3A_126 = arith.constant 2 : i32
      %get3A_127 = arith.index_cast %get3A_126 : i32 to index
      %get3A_128 = arith.index_cast %mul3A_125 : i32 to index
      %get3A_129 = tpu.vector_load %arg7[%get3A_127, %get3A_128] {strides = array<i32>} : memref<8x6256xi32, #tpu.memory_space<vmem>>, vector<16xi32>,
      %mul3A_130 = arith.constant 16 : i32
      %mul3A_131 = arith.muli %scan3A_123, %mul3A_130 : i32
      %get3A_132 = arith.constant 2 : i32
      %get3A_133 = arith.index_cast %get3A_132 : i32 to index
      %get3A_134 = arith.index_cast %mul3A_131 : i32 to index
      %get3A_135 = tpu.vector_load %arg8[%get3A_133, %get3A_134] {strides = array<i32>} : memref<8x6256xf32, #tpu.memory_space<vmem>>, vector<16xf32>,
      tpu.vector_store_idx %arg6[%get3A_129], %get3A_135 : memref<25120xf32, #tpu.memory_space<vmem>>[vector<16xi32>], vector<16xf32>,
      %scan3A_136 = arith.constant 3 : i32
      %scan3A_137 = arith.addi %scan3A_96, %scan3A_136 : i32
      %mul3A_138 = arith.constant 16 : i32
      %mul3A_139 = arith.muli %scan3A_137, %mul3A_138 : i32
      %get3A_140 = arith.constant 2 : i32
      %get3A_141 = arith.index_cast %get3A_140 : i32 to index
      %get3A_142 = arith.index_cast %mul3A_139 : i32 to index
      %get3A_143 = tpu.vector_load %arg7[%get3A_141, %get3A_142] {strides = array<i32>} : memref<8x6256xi32, #tpu.memory_space<vmem>>, vector<16xi32>,
      %mul3A_144 = arith.constant 16 : i32
      %mul3A_145 = arith.muli %scan3A_137, %mul3A_144 : i32
      %get3A_146 = arith.constant 2 : i32
      %get3A_147 = arith.index_cast %get3A_146 : i32 to index
      %get3A_148 = arith.index_cast %mul3A_145 : i32 to index
      %get3A_149 = tpu.vector_load %arg8[%get3A_147, %get3A_148] {strides = array<i32>} : memref<8x6256xf32, #tpu.memory_space<vmem>>, vector<16xf32>,
      tpu.vector_store_idx %arg6[%get3A_143], %get3A_149 : memref<25120xf32, #tpu.memory_space<vmem>>[vector<16xi32>], vector<16xf32>,
      %scan3A_150 = arith.constant 4 : i32
      %scan3A_151 = arith.addi %scan3A_96, %scan3A_150 : i32
      %mul3A_152 = arith.constant 16 : i32
      %mul3A_153 = arith.muli %scan3A_151, %mul3A_152 : i32
      %get3A_154 = arith.constant 2 : i32
      %get3A_155 = arith.index_cast %get3A_154 : i32 to index
      %get3A_156 = arith.index_cast %mul3A_153 : i32 to index
      %get3A_157 = tpu.vector_load %arg7[%get3A_155, %get3A_156] {strides = array<i32>} : memref<8x6256xi32, #tpu.memory_space<vmem>>, vector<16xi32>,
      %mul3A_158 = arith.constant 16 : i32
      %mul3A_159 = arith.muli %scan3A_151, %mul3A_158 : i32
      %get3A_160 = arith.constant 2 : i32
      %get3A_161 = arith.index_cast %get3A_160 : i32 to index
      %get3A_162 = arith.index_cast %mul3A_159 : i32 to index
      %get3A_163 = tpu.vector_load %arg8[%get3A_161, %get3A_162] {strides = array<i32>} : memref<8x6256xf32, #tpu.memory_space<vmem>>, vector<16xf32>,
      tpu.vector_store_idx %arg6[%get3A_157], %get3A_163 : memref<25120xf32, #tpu.memory_space<vmem>>[vector<16xi32>], vector<16xf32>,
      %scan3A_164 = arith.constant 5 : i32
      %scan3A_165 = arith.addi %scan3A_96, %scan3A_164 : i32
      %mul3A_166 = arith.constant 16 : i32
      %mul3A_167 = arith.muli %scan3A_165, %mul3A_166 : i32
      %get3A_168 = arith.constant 2 : i32
      %get3A_169 = arith.index_cast %get3A_168 : i32 to index
      %get3A_170 = arith.index_cast %mul3A_167 : i32 to index
      %get3A_171 = tpu.vector_load %arg7[%get3A_169, %get3A_170] {strides = array<i32>} : memref<8x6256xi32, #tpu.memory_space<vmem>>, vector<16xi32>,
      %mul3A_172 = arith.constant 16 : i32
      %mul3A_173 = arith.muli %scan3A_165, %mul3A_172 : i32
      %get3A_174 = arith.constant 2 : i32
      %get3A_175 = arith.index_cast %get3A_174 : i32 to index
      %get3A_176 = arith.index_cast %mul3A_173 : i32 to index
      %get3A_177 = tpu.vector_load %arg8[%get3A_175, %get3A_176] {strides = array<i32>} : memref<8x6256xf32, #tpu.memory_space<vmem>>, vector<16xf32>,
      tpu.vector_store_idx %arg6[%get3A_171], %get3A_177 : memref<25120xf32, #tpu.memory_space<vmem>>[vector<16xi32>], vector<16xf32>,
      %scan3A_178 = arith.constant 6 : i32
      %scan3A_179 = arith.addi %scan3A_96, %scan3A_178 : i32
      %mul3A_180 = arith.constant 16 : i32
      %mul3A_181 = arith.muli %scan3A_179, %mul3A_180 : i32
      %get3A_182 = arith.constant 2 : i32
      %get3A_183 = arith.index_cast %get3A_182 : i32 to index
      %get3A_184 = arith.index_cast %mul3A_181 : i32 to index
      %get3A_185 = tpu.vector_load %arg7[%get3A_183, %get3A_184] {strides = array<i32>} : memref<8x6256xi32, #tpu.memory_space<vmem>>, vector<16xi32>,
      %mul3A_186 = arith.constant 16 : i32
      %mul3A_187 = arith.muli %scan3A_179, %mul3A_186 : i32
      %get3A_188 = arith.constant 2 : i32
      %get3A_189 = arith.index_cast %get3A_188 : i32 to index
      %get3A_190 = arith.index_cast %mul3A_187 : i32 to index
      %get3A_191 = tpu.vector_load %arg8[%get3A_189, %get3A_190] {strides = array<i32>} : memref<8x6256xf32, #tpu.memory_space<vmem>>, vector<16xf32>,
      tpu.vector_store_idx %arg6[%get3A_185], %get3A_191 : memref<25120xf32, #tpu.memory_space<vmem>>[vector<16xi32>], vector<16xf32>,
      %scan3A_192 = arith.constant 7 : i32
      %scan3A_193 = arith.addi %scan3A_96, %scan3A_192 : i32
      %mul3A_194 = arith.constant 16 : i32
      %mul3A_195 = arith.muli %scan3A_193, %mul3A_194 : i32
      %get3A_196 = arith.constant 2 : i32
      %get3A_197 = arith.index_cast %get3A_196 : i32 to index
      %get3A_198 = arith.index_cast %mul3A_195 : i32 to index
      %get3A_199 = tpu.vector_load %arg7[%get3A_197, %get3A_198] {strides = array<i32>} : memref<8x6256xi32, #tpu.memory_space<vmem>>, vector<16xi32>,
      %mul3A_200 = arith.constant 16 : i32
      %mul3A_201 = arith.muli %scan3A_193, %mul3A_200 : i32
      %get3A_202 = arith.constant 2 : i32
      %get3A_203 = arith.index_cast %get3A_202 : i32 to index
      %get3A_204 = arith.index_cast %mul3A_201 : i32 to index
      %get3A_205 = tpu.vector_load %arg8[%get3A_203, %get3A_204] {strides = array<i32>} : memref<8x6256xf32, #tpu.memory_space<vmem>>, vector<16xf32>,
      tpu.vector_store_idx %arg6[%get3A_199], %get3A_205 : memref<25120xf32, #tpu.memory_space<vmem>>[vector<16xi32>], vector<16xf32>,
      %scan3A_206 = arith.constant 8 : i32
      %scan3A_207 = arith.addi %scan3A_96, %scan3A_206 : i32
      %mul3A_208 = arith.constant 16 : i32
      %mul3A_209 = arith.muli %scan3A_207, %mul3A_208 : i32
      %get3A_210 = arith.constant 2 : i32
      %get3A_211 = arith.index_cast %get3A_210 : i32 to index
      %get3A_212 = arith.index_cast %mul3A_209 : i32 to index
      %get3A_213 = tpu.vector_load %arg7[%get3A_211, %get3A_212] {strides = array<i32>} : memref<8x6256xi32, #tpu.memory_space<vmem>>, vector<16xi32>,
      %mul3A_214 = arith.constant 16 : i32
      %mul3A_215 = arith.muli %scan3A_207, %mul3A_214 : i32
      %get3A_216 = arith.constant 2 : i32
      %get3A_217 = arith.index_cast %get3A_216 : i32 to index
      %get3A_218 = arith.index_cast %mul3A_215 : i32 to index
      %get3A_219 = tpu.vector_load %arg8[%get3A_217, %get3A_218] {strides = array<i32>} : memref<8x6256xf32, #tpu.memory_space<vmem>>, vector<16xf32>,
      tpu.vector_store_idx %arg6[%get3A_213], %get3A_219 : memref<25120xf32, #tpu.memory_space<vmem>>[vector<16xi32>], vector<16xf32>,
      %scan3A_220 = arith.constant 9 : i32
      %scan3A_221 = arith.addi %scan3A_96, %scan3A_220 : i32
      %mul3A_222 = arith.constant 16 : i32
      %mul3A_223 = arith.muli %scan3A_221, %mul3A_222 : i32
      %get3A_224 = arith.constant 2 : i32
      %get3A_225 = arith.index_cast %get3A_224 : i32 to index
      %get3A_226 = arith.index_cast %mul3A_223 : i32 to index
      %get3A_227 = tpu.vector_load %arg7[%get3A_225, %get3A_226] {strides = array<i32>} : memref<8x6256xi32, #tpu.memory_space<vmem>>, vector<16xi32>,
      %mul3A_228 = arith.constant 16 : i32
      %mul3A_229 = arith.muli %scan3A_221, %mul3A_228 : i32
      %get3A_230 = arith.constant 2 : i32
      %get3A_231 = arith.index_cast %get3A_230 : i32 to index
      %get3A_232 = arith.index_cast %mul3A_229 : i32 to index
      %get3A_233 = tpu.vector_load %arg8[%get3A_231, %get3A_232] {strides = array<i32>} : memref<8x6256xf32, #tpu.memory_space<vmem>>, vector<16xf32>,
      tpu.vector_store_idx %arg6[%get3A_227], %get3A_233 : memref<25120xf32, #tpu.memory_space<vmem>>[vector<16xi32>], vector<16xf32>,
      %scan3A_234 = arith.constant 10 : i32
      %scan3A_235 = arith.addi %scan3A_96, %scan3A_234 : i32
      %mul3A_236 = arith.constant 16 : i32
      %mul3A_237 = arith.muli %scan3A_235, %mul3A_236 : i32
      %get3A_238 = arith.constant 2 : i32
      %get3A_239 = arith.index_cast %get3A_238 : i32 to index
      %get3A_240 = arith.index_cast %mul3A_237 : i32 to index
      %get3A_241 = tpu.vector_load %arg7[%get3A_239, %get3A_240] {strides = array<i32>} : memref<8x6256xi32, #tpu.memory_space<vmem>>, vector<16xi32>,
      %mul3A_242 = arith.constant 16 : i32
      %mul3A_243 = arith.muli %scan3A_235, %mul3A_242 : i32
      %get3A_244 = arith.constant 2 : i32
      %get3A_245 = arith.index_cast %get3A_244 : i32 to index
      %get3A_246 = arith.index_cast %mul3A_243 : i32 to index
      %get3A_247 = tpu.vector_load %arg8[%get3A_245, %get3A_246] {strides = array<i32>} : memref<8x6256xf32, #tpu.memory_space<vmem>>, vector<16xf32>,
      tpu.vector_store_idx %arg6[%get3A_241], %get3A_247 : memref<25120xf32, #tpu.memory_space<vmem>>[vector<16xi32>], vector<16xf32>,
      %scan3A_248 = arith.constant 11 : i32
      %scan3A_249 = arith.addi %scan3A_96, %scan3A_248 : i32
      %mul3A_250 = arith.constant 16 : i32
      %mul3A_251 = arith.muli %scan3A_249, %mul3A_250 : i32
      %get3A_252 = arith.constant 2 : i32
      %get3A_253 = arith.index_cast %get3A_252 : i32 to index
      %get3A_254 = arith.index_cast %mul3A_251 : i32 to index
      %get3A_255 = tpu.vector_load %arg7[%get3A_253, %get3A_254] {strides = array<i32>} : memref<8x6256xi32, #tpu.memory_space<vmem>>, vector<16xi32>,
      %mul3A_256 = arith.constant 16 : i32
      %mul3A_257 = arith.muli %scan3A_249, %mul3A_256 : i32
      %get3A_258 = arith.constant 2 : i32
      %get3A_259 = arith.index_cast %get3A_258 : i32 to index
      %get3A_260 = arith.index_cast %mul3A_257 : i32 to index
      %get3A_261 = tpu.vector_load %arg8[%get3A_259, %get3A_260] {strides = array<i32>} : memref<8x6256xf32, #tpu.memory_space<vmem>>, vector<16xf32>,
      tpu.vector_store_idx %arg6[%get3A_255], %get3A_261 : memref<25120xf32, #tpu.memory_space<vmem>>[vector<16xi32>], vector<16xf32>,
      %scan3A_262 = arith.constant 12 : i32
      %scan3A_263 = arith.addi %scan3A_96, %scan3A_262 : i32
      %mul3A_264 = arith.constant 16 : i32
      %mul3A_265 = arith.muli %scan3A_263, %mul3A_264 : i32
      %get3A_266 = arith.constant 2 : i32
      %get3A_267 = arith.index_cast %get3A_266 : i32 to index
      %get3A_268 = arith.index_cast %mul3A_265 : i32 to index
      %get3A_269 = tpu.vector_load %arg7[%get3A_267, %get3A_268] {strides = array<i32>} : memref<8x6256xi32, #tpu.memory_space<vmem>>, vector<16xi32>,
      %mul3A_270 = arith.constant 16 : i32
      %mul3A_271 = arith.muli %scan3A_263, %mul3A_270 : i32
      %get3A_272 = arith.constant 2 : i32
      %get3A_273 = arith.index_cast %get3A_272 : i32 to index
      %get3A_274 = arith.index_cast %mul3A_271 : i32 to index
      %get3A_275 = tpu.vector_load %arg8[%get3A_273, %get3A_274] {strides = array<i32>} : memref<8x6256xf32, #tpu.memory_space<vmem>>, vector<16xf32>,
      tpu.vector_store_idx %arg6[%get3A_269], %get3A_275 : memref<25120xf32, #tpu.memory_space<vmem>>[vector<16xi32>], vector<16xf32>,
      %scan3A_276 = arith.constant 13 : i32
      %scan3A_277 = arith.addi %scan3A_96, %scan3A_276 : i32
      %mul3A_278 = arith.constant 16 : i32
      %mul3A_279 = arith.muli %scan3A_277, %mul3A_278 : i32
      %get3A_280 = arith.constant 2 : i32
      %get3A_281 = arith.index_cast %get3A_280 : i32 to index
      %get3A_282 = arith.index_cast %mul3A_279 : i32 to index
      %get3A_283 = tpu.vector_load %arg7[%get3A_281, %get3A_282] {strides = array<i32>} : memref<8x6256xi32, #tpu.memory_space<vmem>>, vector<16xi32>,
      %mul3A_284 = arith.constant 16 : i32
      %mul3A_285 = arith.muli %scan3A_277, %mul3A_284 : i32
      %get3A_286 = arith.constant 2 : i32
      %get3A_287 = arith.index_cast %get3A_286 : i32 to index
      %get3A_288 = arith.index_cast %mul3A_285 : i32 to index
      %get3A_289 = tpu.vector_load %arg8[%get3A_287, %get3A_288] {strides = array<i32>} : memref<8x6256xf32, #tpu.memory_space<vmem>>, vector<16xf32>,
      tpu.vector_store_idx %arg6[%get3A_283], %get3A_289 : memref<25120xf32, #tpu.memory_space<vmem>>[vector<16xi32>], vector<16xf32>,
      %scan3A_290 = arith.constant 14 : i32
      %scan3A_291 = arith.addi %scan3A_96, %scan3A_290 : i32
      %mul3A_292 = arith.constant 16 : i32
      %mul3A_293 = arith.muli %scan3A_291, %mul3A_292 : i32
      %get3A_294 = arith.constant 2 : i32
      %get3A_295 = arith.index_cast %get3A_294 : i32 to index
      %get3A_296 = arith.index_cast %mul3A_293 : i32 to index
      %get3A_297 = tpu.vector_load %arg7[%get3A_295, %get3A_296] {strides = array<i32>} : memref<8x6256xi32, #tpu.memory_space<vmem>>, vector<16xi32>,
      %mul3A_298 = arith.constant 16 : i32
      %mul3A_299 = arith.muli %scan3A_291, %mul3A_298 : i32
      %get3A_300 = arith.constant 2 : i32
      %get3A_301 = arith.index_cast %get3A_300 : i32 to index
      %get3A_302 = arith.index_cast %mul3A_299 : i32 to index
      %get3A_303 = tpu.vector_load %arg8[%get3A_301, %get3A_302] {strides = array<i32>} : memref<8x6256xf32, #tpu.memory_space<vmem>>, vector<16xf32>,
      tpu.vector_store_idx %arg6[%get3A_297], %get3A_303 : memref<25120xf32, #tpu.memory_space<vmem>>[vector<16xi32>], vector<16xf32>,
      %scan3A_304 = arith.constant 15 : i32
      %scan3A_305 = arith.addi %scan3A_96, %scan3A_304 : i32
      %mul3A_306 = arith.constant 16 : i32
      %mul3A_307 = arith.muli %scan3A_305, %mul3A_306 : i32
      %get3A_308 = arith.constant 2 : i32
      %get3A_309 = arith.index_cast %get3A_308 : i32 to index
      %get3A_310 = arith.index_cast %mul3A_307 : i32 to index
      %get3A_311 = tpu.vector_load %arg7[%get3A_309, %get3A_310] {strides = array<i32>} : memref<8x6256xi32, #tpu.memory_space<vmem>>, vector<16xi32>,
      %mul3A_312 = arith.constant 16 : i32
      %mul3A_313 = arith.muli %scan3A_305, %mul3A_312 : i32
      %get3A_314 = arith.constant 2 : i32
      %get3A_315 = arith.index_cast %get3A_314 : i32 to index
      %get3A_316 = arith.index_cast %mul3A_313 : i32 to index
      %get3A_317 = tpu.vector_load %arg8[%get3A_315, %get3A_316] {strides = array<i32>} : memref<8x6256xf32, #tpu.memory_space<vmem>>, vector<16xf32>,
      tpu.vector_store_idx %arg6[%get3A_311], %get3A_317 : memref<25120xf32, #tpu.memory_space<vmem>>[vector<16xi32>], vector<16xf32>,
      %scan3A_318 = arith.constant 16 : i32
      %scan3A_319 = arith.addi %scan3A_96, %scan3A_318 : i32
      %mul3A_320 = arith.constant 16 : i32
      %mul3A_321 = arith.muli %scan3A_319, %mul3A_320 : i32
      %get3A_322 = arith.constant 2 : i32
      %get3A_323 = arith.index_cast %get3A_322 : i32 to index
      %get3A_324 = arith.index_cast %mul3A_321 : i32 to index
      %get3A_325 = tpu.vector_load %arg7[%get3A_323, %get3A_324] {strides = array<i32>} : memref<8x6256xi32, #tpu.memory_space<vmem>>, vector<16xi32>,
      %mul3A_326 = arith.constant 16 : i32
      %mul3A_327 = arith.muli %scan3A_319, %mul3A_326 : i32
      %get3A_328 = arith.constant 2 : i32
      %get3A_329 = arith.index_cast %get3A_328 : i32 to index
      %get3A_330 = arith.index_cast %mul3A_327 : i32 to index
      %get3A_331 = tpu.vector_load %arg8[%get3A_329, %get3A_330] {strides = array<i32>} : memref<8x6256xf32, #tpu.memory_space<vmem>>, vector<16xf32>,
      tpu.vector_store_idx %arg6[%get3A_325], %get3A_331 : memref<25120xf32, #tpu.memory_space<vmem>>[vector<16xi32>], vector<16xf32>,
    }
    %scan3A_63 = arith.constant 391 : i32
    %scan3A_64 = arith.constant 0 : i32
    %scan3A_65 = arith.constant 0 : i32
    %scan3A_66 = arith.constant 391 : i32
    %scan3A_67 = arith.addi %scan3A_65, %scan3A_66 : i32
    %scan3A_68 = arith.constant 17 : i32
    scf.for %scan3A_96 = %scan3A_65 to %scan3A_67 step %scan3A_68  : i32 {
      %mul3A_97 = arith.constant 16 : i32
      %mul3A_98 = arith.muli %scan3A_96, %mul3A_97 : i32
      %get3A = arith.constant 3 : i32
      %get3A_99 = arith.index_cast %get3A : i32 to index
      %get3A_100 = arith.index_cast %mul3A_98 : i32 to index
      %get3A_101 = tpu.vector_load %arg7[%get3A_99, %get3A_100] {strides = array<i32>} : memref<8x6256xi32, #tpu.memory_space<vmem>>, vector<16xi32>,
      %mul3A_102 = arith.constant 16 : i32
      %mul3A_103 = arith.muli %scan3A_96, %mul3A_102 : i32
      %get3A_104 = arith.constant 3 : i32
      %get3A_105 = arith.index_cast %get3A_104 : i32 to index
      %get3A_106 = arith.index_cast %mul3A_103 : i32 to index
      %get3A_107 = tpu.vector_load %arg8[%get3A_105, %get3A_106] {strides = array<i32>} : memref<8x6256xf32, #tpu.memory_space<vmem>>, vector<16xf32>,
      tpu.vector_store_idx %arg6[%get3A_101], %get3A_107 : memref<25120xf32, #tpu.memory_space<vmem>>[vector<16xi32>], vector<16xf32>,
      %scan3A_108 = arith.constant 1 : i32
      %scan3A_109 = arith.addi %scan3A_96, %scan3A_108 : i32
      %mul3A_110 = arith.constant 16 : i32
      %mul3A_111 = arith.muli %scan3A_109, %mul3A_110 : i32
      %get3A_112 = arith.constant 3 : i32
      %get3A_113 = arith.index_cast %get3A_112 : i32 to index
      %get3A_114 = arith.index_cast %mul3A_111 : i32 to index
      %get3A_115 = tpu.vector_load %arg7[%get3A_113, %get3A_114] {strides = array<i32>} : memref<8x6256xi32, #tpu.memory_space<vmem>>, vector<16xi32>,
      %mul3A_116 = arith.constant 16 : i32
      %mul3A_117 = arith.muli %scan3A_109, %mul3A_116 : i32
      %get3A_118 = arith.constant 3 : i32
      %get3A_119 = arith.index_cast %get3A_118 : i32 to index
      %get3A_120 = arith.index_cast %mul3A_117 : i32 to index
      %get3A_121 = tpu.vector_load %arg8[%get3A_119, %get3A_120] {strides = array<i32>} : memref<8x6256xf32, #tpu.memory_space<vmem>>, vector<16xf32>,
      tpu.vector_store_idx %arg6[%get3A_115], %get3A_121 : memref<25120xf32, #tpu.memory_space<vmem>>[vector<16xi32>], vector<16xf32>,
      %scan3A_122 = arith.constant 2 : i32
      %scan3A_123 = arith.addi %scan3A_96, %scan3A_122 : i32
      %mul3A_124 = arith.constant 16 : i32
      %mul3A_125 = arith.muli %scan3A_123, %mul3A_124 : i32
      %get3A_126 = arith.constant 3 : i32
      %get3A_127 = arith.index_cast %get3A_126 : i32 to index
      %get3A_128 = arith.index_cast %mul3A_125 : i32 to index
      %get3A_129 = tpu.vector_load %arg7[%get3A_127, %get3A_128] {strides = array<i32>} : memref<8x6256xi32, #tpu.memory_space<vmem>>, vector<16xi32>,
      %mul3A_130 = arith.constant 16 : i32
      %mul3A_131 = arith.muli %scan3A_123, %mul3A_130 : i32
      %get3A_132 = arith.constant 3 : i32
      %get3A_133 = arith.index_cast %get3A_132 : i32 to index
      %get3A_134 = arith.index_cast %mul3A_131 : i32 to index
      %get3A_135 = tpu.vector_load %arg8[%get3A_133, %get3A_134] {strides = array<i32>} : memref<8x6256xf32, #tpu.memory_space<vmem>>, vector<16xf32>,
      tpu.vector_store_idx %arg6[%get3A_129], %get3A_135 : memref<25120xf32, #tpu.memory_space<vmem>>[vector<16xi32>], vector<16xf32>,
      %scan3A_136 = arith.constant 3 : i32
      %scan3A_137 = arith.addi %scan3A_96, %scan3A_136 : i32
      %mul3A_138 = arith.constant 16 : i32
      %mul3A_139 = arith.muli %scan3A_137, %mul3A_138 : i32
      %get3A_140 = arith.constant 3 : i32
      %get3A_141 = arith.index_cast %get3A_140 : i32 to index
      %get3A_142 = arith.index_cast %mul3A_139 : i32 to index
      %get3A_143 = tpu.vector_load %arg7[%get3A_141, %get3A_142] {strides = array<i32>} : memref<8x6256xi32, #tpu.memory_space<vmem>>, vector<16xi32>,
      %mul3A_144 = arith.constant 16 : i32
      %mul3A_145 = arith.muli %scan3A_137, %mul3A_144 : i32
      %get3A_146 = arith.constant 3 : i32
      %get3A_147 = arith.index_cast %get3A_146 : i32 to index
      %get3A_148 = arith.index_cast %mul3A_145 : i32 to index
      %get3A_149 = tpu.vector_load %arg8[%get3A_147, %get3A_148] {strides = array<i32>} : memref<8x6256xf32, #tpu.memory_space<vmem>>, vector<16xf32>,
      tpu.vector_store_idx %arg6[%get3A_143], %get3A_149 : memref<25120xf32, #tpu.memory_space<vmem>>[vector<16xi32>], vector<16xf32>,
      %scan3A_150 = arith.constant 4 : i32
      %scan3A_151 = arith.addi %scan3A_96, %scan3A_150 : i32
      %mul3A_152 = arith.constant 16 : i32
      %mul3A_153 = arith.muli %scan3A_151, %mul3A_152 : i32
      %get3A_154 = arith.constant 3 : i32
      %get3A_155 = arith.index_cast %get3A_154 : i32 to index
      %get3A_156 = arith.index_cast %mul3A_153 : i32 to index
      %get3A_157 = tpu.vector_load %arg7[%get3A_155, %get3A_156] {strides = array<i32>} : memref<8x6256xi32, #tpu.memory_space<vmem>>, vector<16xi32>,
      %mul3A_158 = arith.constant 16 : i32
      %mul3A_159 = arith.muli %scan3A_151, %mul3A_158 : i32
      %get3A_160 = arith.constant 3 : i32
      %get3A_161 = arith.index_cast %get3A_160 : i32 to index
      %get3A_162 = arith.index_cast %mul3A_159 : i32 to index
      %get3A_163 = tpu.vector_load %arg8[%get3A_161, %get3A_162] {strides = array<i32>} : memref<8x6256xf32, #tpu.memory_space<vmem>>, vector<16xf32>,
      tpu.vector_store_idx %arg6[%get3A_157], %get3A_163 : memref<25120xf32, #tpu.memory_space<vmem>>[vector<16xi32>], vector<16xf32>,
      %scan3A_164 = arith.constant 5 : i32
      %scan3A_165 = arith.addi %scan3A_96, %scan3A_164 : i32
      %mul3A_166 = arith.constant 16 : i32
      %mul3A_167 = arith.muli %scan3A_165, %mul3A_166 : i32
      %get3A_168 = arith.constant 3 : i32
      %get3A_169 = arith.index_cast %get3A_168 : i32 to index
      %get3A_170 = arith.index_cast %mul3A_167 : i32 to index
      %get3A_171 = tpu.vector_load %arg7[%get3A_169, %get3A_170] {strides = array<i32>} : memref<8x6256xi32, #tpu.memory_space<vmem>>, vector<16xi32>,
      %mul3A_172 = arith.constant 16 : i32
      %mul3A_173 = arith.muli %scan3A_165, %mul3A_172 : i32
      %get3A_174 = arith.constant 3 : i32
      %get3A_175 = arith.index_cast %get3A_174 : i32 to index
      %get3A_176 = arith.index_cast %mul3A_173 : i32 to index
      %get3A_177 = tpu.vector_load %arg8[%get3A_175, %get3A_176] {strides = array<i32>} : memref<8x6256xf32, #tpu.memory_space<vmem>>, vector<16xf32>,
      tpu.vector_store_idx %arg6[%get3A_171], %get3A_177 : memref<25120xf32, #tpu.memory_space<vmem>>[vector<16xi32>], vector<16xf32>,
      %scan3A_178 = arith.constant 6 : i32
      %scan3A_179 = arith.addi %scan3A_96, %scan3A_178 : i32
      %mul3A_180 = arith.constant 16 : i32
      %mul3A_181 = arith.muli %scan3A_179, %mul3A_180 : i32
      %get3A_182 = arith.constant 3 : i32
      %get3A_183 = arith.index_cast %get3A_182 : i32 to index
      %get3A_184 = arith.index_cast %mul3A_181 : i32 to index
      %get3A_185 = tpu.vector_load %arg7[%get3A_183, %get3A_184] {strides = array<i32>} : memref<8x6256xi32, #tpu.memory_space<vmem>>, vector<16xi32>,
      %mul3A_186 = arith.constant 16 : i32
      %mul3A_187 = arith.muli %scan3A_179, %mul3A_186 : i32
      %get3A_188 = arith.constant 3 : i32
      %get3A_189 = arith.index_cast %get3A_188 : i32 to index
      %get3A_190 = arith.index_cast %mul3A_187 : i32 to index
      %get3A_191 = tpu.vector_load %arg8[%get3A_189, %get3A_190] {strides = array<i32>} : memref<8x6256xf32, #tpu.memory_space<vmem>>, vector<16xf32>,
      tpu.vector_store_idx %arg6[%get3A_185], %get3A_191 : memref<25120xf32, #tpu.memory_space<vmem>>[vector<16xi32>], vector<16xf32>,
      %scan3A_192 = arith.constant 7 : i32
      %scan3A_193 = arith.addi %scan3A_96, %scan3A_192 : i32
      %mul3A_194 = arith.constant 16 : i32
      %mul3A_195 = arith.muli %scan3A_193, %mul3A_194 : i32
      %get3A_196 = arith.constant 3 : i32
      %get3A_197 = arith.index_cast %get3A_196 : i32 to index
      %get3A_198 = arith.index_cast %mul3A_195 : i32 to index
      %get3A_199 = tpu.vector_load %arg7[%get3A_197, %get3A_198] {strides = array<i32>} : memref<8x6256xi32, #tpu.memory_space<vmem>>, vector<16xi32>,
      %mul3A_200 = arith.constant 16 : i32
      %mul3A_201 = arith.muli %scan3A_193, %mul3A_200 : i32
      %get3A_202 = arith.constant 3 : i32
      %get3A_203 = arith.index_cast %get3A_202 : i32 to index
      %get3A_204 = arith.index_cast %mul3A_201 : i32 to index
      %get3A_205 = tpu.vector_load %arg8[%get3A_203, %get3A_204] {strides = array<i32>} : memref<8x6256xf32, #tpu.memory_space<vmem>>, vector<16xf32>,
      tpu.vector_store_idx %arg6[%get3A_199], %get3A_205 : memref<25120xf32, #tpu.memory_space<vmem>>[vector<16xi32>], vector<16xf32>,
      %scan3A_206 = arith.constant 8 : i32
      %scan3A_207 = arith.addi %scan3A_96, %scan3A_206 : i32
      %mul3A_208 = arith.constant 16 : i32
      %mul3A_209 = arith.muli %scan3A_207, %mul3A_208 : i32
      %get3A_210 = arith.constant 3 : i32
      %get3A_211 = arith.index_cast %get3A_210 : i32 to index
      %get3A_212 = arith.index_cast %mul3A_209 : i32 to index
      %get3A_213 = tpu.vector_load %arg7[%get3A_211, %get3A_212] {strides = array<i32>} : memref<8x6256xi32, #tpu.memory_space<vmem>>, vector<16xi32>,
      %mul3A_214 = arith.constant 16 : i32
      %mul3A_215 = arith.muli %scan3A_207, %mul3A_214 : i32
      %get3A_216 = arith.constant 3 : i32
      %get3A_217 = arith.index_cast %get3A_216 : i32 to index
      %get3A_218 = arith.index_cast %mul3A_215 : i32 to index
      %get3A_219 = tpu.vector_load %arg8[%get3A_217, %get3A_218] {strides = array<i32>} : memref<8x6256xf32, #tpu.memory_space<vmem>>, vector<16xf32>,
      tpu.vector_store_idx %arg6[%get3A_213], %get3A_219 : memref<25120xf32, #tpu.memory_space<vmem>>[vector<16xi32>], vector<16xf32>,
      %scan3A_220 = arith.constant 9 : i32
      %scan3A_221 = arith.addi %scan3A_96, %scan3A_220 : i32
      %mul3A_222 = arith.constant 16 : i32
      %mul3A_223 = arith.muli %scan3A_221, %mul3A_222 : i32
      %get3A_224 = arith.constant 3 : i32
      %get3A_225 = arith.index_cast %get3A_224 : i32 to index
      %get3A_226 = arith.index_cast %mul3A_223 : i32 to index
      %get3A_227 = tpu.vector_load %arg7[%get3A_225, %get3A_226] {strides = array<i32>} : memref<8x6256xi32, #tpu.memory_space<vmem>>, vector<16xi32>,
      %mul3A_228 = arith.constant 16 : i32
      %mul3A_229 = arith.muli %scan3A_221, %mul3A_228 : i32
      %get3A_230 = arith.constant 3 : i32
      %get3A_231 = arith.index_cast %get3A_230 : i32 to index
      %get3A_232 = arith.index_cast %mul3A_229 : i32 to index
      %get3A_233 = tpu.vector_load %arg8[%get3A_231, %get3A_232] {strides = array<i32>} : memref<8x6256xf32, #tpu.memory_space<vmem>>, vector<16xf32>,
      tpu.vector_store_idx %arg6[%get3A_227], %get3A_233 : memref<25120xf32, #tpu.memory_space<vmem>>[vector<16xi32>], vector<16xf32>,
      %scan3A_234 = arith.constant 10 : i32
      %scan3A_235 = arith.addi %scan3A_96, %scan3A_234 : i32
      %mul3A_236 = arith.constant 16 : i32
      %mul3A_237 = arith.muli %scan3A_235, %mul3A_236 : i32
      %get3A_238 = arith.constant 3 : i32
      %get3A_239 = arith.index_cast %get3A_238 : i32 to index
      %get3A_240 = arith.index_cast %mul3A_237 : i32 to index
      %get3A_241 = tpu.vector_load %arg7[%get3A_239, %get3A_240] {strides = array<i32>} : memref<8x6256xi32, #tpu.memory_space<vmem>>, vector<16xi32>,
      %mul3A_242 = arith.constant 16 : i32
      %mul3A_243 = arith.muli %scan3A_235, %mul3A_242 : i32
      %get3A_244 = arith.constant 3 : i32
      %get3A_245 = arith.index_cast %get3A_244 : i32 to index
      %get3A_246 = arith.index_cast %mul3A_243 : i32 to index
      %get3A_247 = tpu.vector_load %arg8[%get3A_245, %get3A_246] {strides = array<i32>} : memref<8x6256xf32, #tpu.memory_space<vmem>>, vector<16xf32>,
      tpu.vector_store_idx %arg6[%get3A_241], %get3A_247 : memref<25120xf32, #tpu.memory_space<vmem>>[vector<16xi32>], vector<16xf32>,
      %scan3A_248 = arith.constant 11 : i32
      %scan3A_249 = arith.addi %scan3A_96, %scan3A_248 : i32
      %mul3A_250 = arith.constant 16 : i32
      %mul3A_251 = arith.muli %scan3A_249, %mul3A_250 : i32
      %get3A_252 = arith.constant 3 : i32
      %get3A_253 = arith.index_cast %get3A_252 : i32 to index
      %get3A_254 = arith.index_cast %mul3A_251 : i32 to index
      %get3A_255 = tpu.vector_load %arg7[%get3A_253, %get3A_254] {strides = array<i32>} : memref<8x6256xi32, #tpu.memory_space<vmem>>, vector<16xi32>,
      %mul3A_256 = arith.constant 16 : i32
      %mul3A_257 = arith.muli %scan3A_249, %mul3A_256 : i32
      %get3A_258 = arith.constant 3 : i32
      %get3A_259 = arith.index_cast %get3A_258 : i32 to index
      %get3A_260 = arith.index_cast %mul3A_257 : i32 to index
      %get3A_261 = tpu.vector_load %arg8[%get3A_259, %get3A_260] {strides = array<i32>} : memref<8x6256xf32, #tpu.memory_space<vmem>>, vector<16xf32>,
      tpu.vector_store_idx %arg6[%get3A_255], %get3A_261 : memref<25120xf32, #tpu.memory_space<vmem>>[vector<16xi32>], vector<16xf32>,
      %scan3A_262 = arith.constant 12 : i32
      %scan3A_263 = arith.addi %scan3A_96, %scan3A_262 : i32
      %mul3A_264 = arith.constant 16 : i32
      %mul3A_265 = arith.muli %scan3A_263, %mul3A_264 : i32
      %get3A_266 = arith.constant 3 : i32
      %get3A_267 = arith.index_cast %get3A_266 : i32 to index
      %get3A_268 = arith.index_cast %mul3A_265 : i32 to index
      %get3A_269 = tpu.vector_load %arg7[%get3A_267, %get3A_268] {strides = array<i32>} : memref<8x6256xi32, #tpu.memory_space<vmem>>, vector<16xi32>,
      %mul3A_270 = arith.constant 16 : i32
      %mul3A_271 = arith.muli %scan3A_263, %mul3A_270 : i32
      %get3A_272 = arith.constant 3 : i32
      %get3A_273 = arith.index_cast %get3A_272 : i32 to index
      %get3A_274 = arith.index_cast %mul3A_271 : i32 to index
      %get3A_275 = tpu.vector_load %arg8[%get3A_273, %get3A_274] {strides = array<i32>} : memref<8x6256xf32, #tpu.memory_space<vmem>>, vector<16xf32>,
      tpu.vector_store_idx %arg6[%get3A_269], %get3A_275 : memref<25120xf32, #tpu.memory_space<vmem>>[vector<16xi32>], vector<16xf32>,
      %scan3A_276 = arith.constant 13 : i32
      %scan3A_277 = arith.addi %scan3A_96, %scan3A_276 : i32
      %mul3A_278 = arith.constant 16 : i32
      %mul3A_279 = arith.muli %scan3A_277, %mul3A_278 : i32
      %get3A_280 = arith.constant 3 : i32
      %get3A_281 = arith.index_cast %get3A_280 : i32 to index
      %get3A_282 = arith.index_cast %mul3A_279 : i32 to index
      %get3A_283 = tpu.vector_load %arg7[%get3A_281, %get3A_282] {strides = array<i32>} : memref<8x6256xi32, #tpu.memory_space<vmem>>, vector<16xi32>,
      %mul3A_284 = arith.constant 16 : i32
      %mul3A_285 = arith.muli %scan3A_277, %mul3A_284 : i32
      %get3A_286 = arith.constant 3 : i32
      %get3A_287 = arith.index_cast %get3A_286 : i32 to index
      %get3A_288 = arith.index_cast %mul3A_285 : i32 to index
      %get3A_289 = tpu.vector_load %arg8[%get3A_287, %get3A_288] {strides = array<i32>} : memref<8x6256xf32, #tpu.memory_space<vmem>>, vector<16xf32>,
      tpu.vector_store_idx %arg6[%get3A_283], %get3A_289 : memref<25120xf32, #tpu.memory_space<vmem>>[vector<16xi32>], vector<16xf32>,
      %scan3A_290 = arith.constant 14 : i32
      %scan3A_291 = arith.addi %scan3A_96, %scan3A_290 : i32
      %mul3A_292 = arith.constant 16 : i32
      %mul3A_293 = arith.muli %scan3A_291, %mul3A_292 : i32
      %get3A_294 = arith.constant 3 : i32
      %get3A_295 = arith.index_cast %get3A_294 : i32 to index
      %get3A_296 = arith.index_cast %mul3A_293 : i32 to index
      %get3A_297 = tpu.vector_load %arg7[%get3A_295, %get3A_296] {strides = array<i32>} : memref<8x6256xi32, #tpu.memory_space<vmem>>, vector<16xi32>,
      %mul3A_298 = arith.constant 16 : i32
      %mul3A_299 = arith.muli %scan3A_291, %mul3A_298 : i32
      %get3A_300 = arith.constant 3 : i32
      %get3A_301 = arith.index_cast %get3A_300 : i32 to index
      %get3A_302 = arith.index_cast %mul3A_299 : i32 to index
      %get3A_303 = tpu.vector_load %arg8[%get3A_301, %get3A_302] {strides = array<i32>} : memref<8x6256xf32, #tpu.memory_space<vmem>>, vector<16xf32>,
      tpu.vector_store_idx %arg6[%get3A_297], %get3A_303 : memref<25120xf32, #tpu.memory_space<vmem>>[vector<16xi32>], vector<16xf32>,
      %scan3A_304 = arith.constant 15 : i32
      %scan3A_305 = arith.addi %scan3A_96, %scan3A_304 : i32
      %mul3A_306 = arith.constant 16 : i32
      %mul3A_307 = arith.muli %scan3A_305, %mul3A_306 : i32
      %get3A_308 = arith.constant 3 : i32
      %get3A_309 = arith.index_cast %get3A_308 : i32 to index
      %get3A_310 = arith.index_cast %mul3A_307 : i32 to index
      %get3A_311 = tpu.vector_load %arg7[%get3A_309, %get3A_310] {strides = array<i32>} : memref<8x6256xi32, #tpu.memory_space<vmem>>, vector<16xi32>,
      %mul3A_312 = arith.constant 16 : i32
      %mul3A_313 = arith.muli %scan3A_305, %mul3A_312 : i32
      %get3A_314 = arith.constant 3 : i32
      %get3A_315 = arith.index_cast %get3A_314 : i32 to index
      %get3A_316 = arith.index_cast %mul3A_313 : i32 to index
      %get3A_317 = tpu.vector_load %arg8[%get3A_315, %get3A_316] {strides = array<i32>} : memref<8x6256xf32, #tpu.memory_space<vmem>>, vector<16xf32>,
      tpu.vector_store_idx %arg6[%get3A_311], %get3A_317 : memref<25120xf32, #tpu.memory_space<vmem>>[vector<16xi32>], vector<16xf32>,
      %scan3A_318 = arith.constant 16 : i32
      %scan3A_319 = arith.addi %scan3A_96, %scan3A_318 : i32
      %mul3A_320 = arith.constant 16 : i32
      %mul3A_321 = arith.muli %scan3A_319, %mul3A_320 : i32
      %get3A_322 = arith.constant 3 : i32
      %get3A_323 = arith.index_cast %get3A_322 : i32 to index
      %get3A_324 = arith.index_cast %mul3A_321 : i32 to index
      %get3A_325 = tpu.vector_load %arg7[%get3A_323, %get3A_324] {strides = array<i32>} : memref<8x6256xi32, #tpu.memory_space<vmem>>, vector<16xi32>,
      %mul3A_326 = arith.constant 16 : i32
      %mul3A_327 = arith.muli %scan3A_319, %mul3A_326 : i32
      %get3A_328 = arith.constant 3 : i32
      %get3A_329 = arith.index_cast %get3A_328 : i32 to index
      %get3A_330 = arith.index_cast %mul3A_327 : i32 to index
      %get3A_331 = tpu.vector_load %arg8[%get3A_329, %get3A_330] {strides = array<i32>} : memref<8x6256xf32, #tpu.memory_space<vmem>>, vector<16xf32>,
      tpu.vector_store_idx %arg6[%get3A_325], %get3A_331 : memref<25120xf32, #tpu.memory_space<vmem>>[vector<16xi32>], vector<16xf32>,
    }
    %scan3A_69 = arith.constant 391 : i32
    %scan3A_70 = arith.constant 0 : i32
    %scan3A_71 = arith.constant 0 : i32
    %scan3A_72 = arith.constant 391 : i32
    %scan3A_73 = arith.addi %scan3A_71, %scan3A_72 : i32
    %scan3A_74 = arith.constant 17 : i32
    scf.for %scan3A_96 = %scan3A_71 to %scan3A_73 step %scan3A_74  : i32 {
      %mul3A_97 = arith.constant 16 : i32
      %mul3A_98 = arith.muli %scan3A_96, %mul3A_97 : i32
      %get3A = arith.constant 4 : i32
      %get3A_99 = arith.index_cast %get3A : i32 to index
      %get3A_100 = arith.index_cast %mul3A_98 : i32 to index
      %get3A_101 = tpu.vector_load %arg7[%get3A_99, %get3A_100] {strides = array<i32>} : memref<8x6256xi32, #tpu.memory_space<vmem>>, vector<16xi32>,
      %mul3A_102 = arith.constant 16 : i32
      %mul3A_103 = arith.muli %scan3A_96, %mul3A_102 : i32
      %get3A_104 = arith.constant 4 : i32
      %get3A_105 = arith.index_cast %get3A_104 : i32 to index
      %get3A_106 = arith.index_cast %mul3A_103 : i32 to index
      %get3A_107 = tpu.vector_load %arg8[%get3A_105, %get3A_106] {strides = array<i32>} : memref<8x6256xf32, #tpu.memory_space<vmem>>, vector<16xf32>,
      tpu.vector_store_idx %arg6[%get3A_101], %get3A_107 : memref<25120xf32, #tpu.memory_space<vmem>>[vector<16xi32>], vector<16xf32>,
      %scan3A_108 = arith.constant 1 : i32
      %scan3A_109 = arith.addi %scan3A_96, %scan3A_108 : i32
      %mul3A_110 = arith.constant 16 : i32
      %mul3A_111 = arith.muli %scan3A_109, %mul3A_110 : i32
      %get3A_112 = arith.constant 4 : i32
      %get3A_113 = arith.index_cast %get3A_112 : i32 to index
      %get3A_114 = arith.index_cast %mul3A_111 : i32 to index
      %get3A_115 = tpu.vector_load %arg7[%get3A_113, %get3A_114] {strides = array<i32>} : memref<8x6256xi32, #tpu.memory_space<vmem>>, vector<16xi32>,
      %mul3A_116 = arith.constant 16 : i32
      %mul3A_117 = arith.muli %scan3A_109, %mul3A_116 : i32
      %get3A_118 = arith.constant 4 : i32
      %get3A_119 = arith.index_cast %get3A_118 : i32 to index
      %get3A_120 = arith.index_cast %mul3A_117 : i32 to index
      %get3A_121 = tpu.vector_load %arg8[%get3A_119, %get3A_120] {strides = array<i32>} : memref<8x6256xf32, #tpu.memory_space<vmem>>, vector<16xf32>,
      tpu.vector_store_idx %arg6[%get3A_115], %get3A_121 : memref<25120xf32, #tpu.memory_space<vmem>>[vector<16xi32>], vector<16xf32>,
      %scan3A_122 = arith.constant 2 : i32
      %scan3A_123 = arith.addi %scan3A_96, %scan3A_122 : i32
      %mul3A_124 = arith.constant 16 : i32
      %mul3A_125 = arith.muli %scan3A_123, %mul3A_124 : i32
      %get3A_126 = arith.constant 4 : i32
      %get3A_127 = arith.index_cast %get3A_126 : i32 to index
      %get3A_128 = arith.index_cast %mul3A_125 : i32 to index
      %get3A_129 = tpu.vector_load %arg7[%get3A_127, %get3A_128] {strides = array<i32>} : memref<8x6256xi32, #tpu.memory_space<vmem>>, vector<16xi32>,
      %mul3A_130 = arith.constant 16 : i32
      %mul3A_131 = arith.muli %scan3A_123, %mul3A_130 : i32
      %get3A_132 = arith.constant 4 : i32
      %get3A_133 = arith.index_cast %get3A_132 : i32 to index
      %get3A_134 = arith.index_cast %mul3A_131 : i32 to index
      %get3A_135 = tpu.vector_load %arg8[%get3A_133, %get3A_134] {strides = array<i32>} : memref<8x6256xf32, #tpu.memory_space<vmem>>, vector<16xf32>,
      tpu.vector_store_idx %arg6[%get3A_129], %get3A_135 : memref<25120xf32, #tpu.memory_space<vmem>>[vector<16xi32>], vector<16xf32>,
      %scan3A_136 = arith.constant 3 : i32
      %scan3A_137 = arith.addi %scan3A_96, %scan3A_136 : i32
      %mul3A_138 = arith.constant 16 : i32
      %mul3A_139 = arith.muli %scan3A_137, %mul3A_138 : i32
      %get3A_140 = arith.constant 4 : i32
      %get3A_141 = arith.index_cast %get3A_140 : i32 to index
      %get3A_142 = arith.index_cast %mul3A_139 : i32 to index
      %get3A_143 = tpu.vector_load %arg7[%get3A_141, %get3A_142] {strides = array<i32>} : memref<8x6256xi32, #tpu.memory_space<vmem>>, vector<16xi32>,
      %mul3A_144 = arith.constant 16 : i32
      %mul3A_145 = arith.muli %scan3A_137, %mul3A_144 : i32
      %get3A_146 = arith.constant 4 : i32
      %get3A_147 = arith.index_cast %get3A_146 : i32 to index
      %get3A_148 = arith.index_cast %mul3A_145 : i32 to index
      %get3A_149 = tpu.vector_load %arg8[%get3A_147, %get3A_148] {strides = array<i32>} : memref<8x6256xf32, #tpu.memory_space<vmem>>, vector<16xf32>,
      tpu.vector_store_idx %arg6[%get3A_143], %get3A_149 : memref<25120xf32, #tpu.memory_space<vmem>>[vector<16xi32>], vector<16xf32>,
      %scan3A_150 = arith.constant 4 : i32
      %scan3A_151 = arith.addi %scan3A_96, %scan3A_150 : i32
      %mul3A_152 = arith.constant 16 : i32
      %mul3A_153 = arith.muli %scan3A_151, %mul3A_152 : i32
      %get3A_154 = arith.constant 4 : i32
      %get3A_155 = arith.index_cast %get3A_154 : i32 to index
      %get3A_156 = arith.index_cast %mul3A_153 : i32 to index
      %get3A_157 = tpu.vector_load %arg7[%get3A_155, %get3A_156] {strides = array<i32>} : memref<8x6256xi32, #tpu.memory_space<vmem>>, vector<16xi32>,
      %mul3A_158 = arith.constant 16 : i32
      %mul3A_159 = arith.muli %scan3A_151, %mul3A_158 : i32
      %get3A_160 = arith.constant 4 : i32
      %get3A_161 = arith.index_cast %get3A_160 : i32 to index
      %get3A_162 = arith.index_cast %mul3A_159 : i32 to index
      %get3A_163 = tpu.vector_load %arg8[%get3A_161, %get3A_162] {strides = array<i32>} : memref<8x6256xf32, #tpu.memory_space<vmem>>, vector<16xf32>,
      tpu.vector_store_idx %arg6[%get3A_157], %get3A_163 : memref<25120xf32, #tpu.memory_space<vmem>>[vector<16xi32>], vector<16xf32>,
      %scan3A_164 = arith.constant 5 : i32
      %scan3A_165 = arith.addi %scan3A_96, %scan3A_164 : i32
      %mul3A_166 = arith.constant 16 : i32
      %mul3A_167 = arith.muli %scan3A_165, %mul3A_166 : i32
      %get3A_168 = arith.constant 4 : i32
      %get3A_169 = arith.index_cast %get3A_168 : i32 to index
      %get3A_170 = arith.index_cast %mul3A_167 : i32 to index
      %get3A_171 = tpu.vector_load %arg7[%get3A_169, %get3A_170] {strides = array<i32>} : memref<8x6256xi32, #tpu.memory_space<vmem>>, vector<16xi32>,
      %mul3A_172 = arith.constant 16 : i32
      %mul3A_173 = arith.muli %scan3A_165, %mul3A_172 : i32
      %get3A_174 = arith.constant 4 : i32
      %get3A_175 = arith.index_cast %get3A_174 : i32 to index
      %get3A_176 = arith.index_cast %mul3A_173 : i32 to index
      %get3A_177 = tpu.vector_load %arg8[%get3A_175, %get3A_176] {strides = array<i32>} : memref<8x6256xf32, #tpu.memory_space<vmem>>, vector<16xf32>,
      tpu.vector_store_idx %arg6[%get3A_171], %get3A_177 : memref<25120xf32, #tpu.memory_space<vmem>>[vector<16xi32>], vector<16xf32>,
      %scan3A_178 = arith.constant 6 : i32
      %scan3A_179 = arith.addi %scan3A_96, %scan3A_178 : i32
      %mul3A_180 = arith.constant 16 : i32
      %mul3A_181 = arith.muli %scan3A_179, %mul3A_180 : i32
      %get3A_182 = arith.constant 4 : i32
      %get3A_183 = arith.index_cast %get3A_182 : i32 to index
      %get3A_184 = arith.index_cast %mul3A_181 : i32 to index
      %get3A_185 = tpu.vector_load %arg7[%get3A_183, %get3A_184] {strides = array<i32>} : memref<8x6256xi32, #tpu.memory_space<vmem>>, vector<16xi32>,
      %mul3A_186 = arith.constant 16 : i32
      %mul3A_187 = arith.muli %scan3A_179, %mul3A_186 : i32
      %get3A_188 = arith.constant 4 : i32
      %get3A_189 = arith.index_cast %get3A_188 : i32 to index
      %get3A_190 = arith.index_cast %mul3A_187 : i32 to index
      %get3A_191 = tpu.vector_load %arg8[%get3A_189, %get3A_190] {strides = array<i32>} : memref<8x6256xf32, #tpu.memory_space<vmem>>, vector<16xf32>,
      tpu.vector_store_idx %arg6[%get3A_185], %get3A_191 : memref<25120xf32, #tpu.memory_space<vmem>>[vector<16xi32>], vector<16xf32>,
      %scan3A_192 = arith.constant 7 : i32
      %scan3A_193 = arith.addi %scan3A_96, %scan3A_192 : i32
      %mul3A_194 = arith.constant 16 : i32
      %mul3A_195 = arith.muli %scan3A_193, %mul3A_194 : i32
      %get3A_196 = arith.constant 4 : i32
      %get3A_197 = arith.index_cast %get3A_196 : i32 to index
      %get3A_198 = arith.index_cast %mul3A_195 : i32 to index
      %get3A_199 = tpu.vector_load %arg7[%get3A_197, %get3A_198] {strides = array<i32>} : memref<8x6256xi32, #tpu.memory_space<vmem>>, vector<16xi32>,
      %mul3A_200 = arith.constant 16 : i32
      %mul3A_201 = arith.muli %scan3A_193, %mul3A_200 : i32
      %get3A_202 = arith.constant 4 : i32
      %get3A_203 = arith.index_cast %get3A_202 : i32 to index
      %get3A_204 = arith.index_cast %mul3A_201 : i32 to index
      %get3A_205 = tpu.vector_load %arg8[%get3A_203, %get3A_204] {strides = array<i32>} : memref<8x6256xf32, #tpu.memory_space<vmem>>, vector<16xf32>,
      tpu.vector_store_idx %arg6[%get3A_199], %get3A_205 : memref<25120xf32, #tpu.memory_space<vmem>>[vector<16xi32>], vector<16xf32>,
      %scan3A_206 = arith.constant 8 : i32
      %scan3A_207 = arith.addi %scan3A_96, %scan3A_206 : i32
      %mul3A_208 = arith.constant 16 : i32
      %mul3A_209 = arith.muli %scan3A_207, %mul3A_208 : i32
      %get3A_210 = arith.constant 4 : i32
      %get3A_211 = arith.index_cast %get3A_210 : i32 to index
      %get3A_212 = arith.index_cast %mul3A_209 : i32 to index
      %get3A_213 = tpu.vector_load %arg7[%get3A_211, %get3A_212] {strides = array<i32>} : memref<8x6256xi32, #tpu.memory_space<vmem>>, vector<16xi32>,
      %mul3A_214 = arith.constant 16 : i32
      %mul3A_215 = arith.muli %scan3A_207, %mul3A_214 : i32
      %get3A_216 = arith.constant 4 : i32
      %get3A_217 = arith.index_cast %get3A_216 : i32 to index
      %get3A_218 = arith.index_cast %mul3A_215 : i32 to index
      %get3A_219 = tpu.vector_load %arg8[%get3A_217, %get3A_218] {strides = array<i32>} : memref<8x6256xf32, #tpu.memory_space<vmem>>, vector<16xf32>,
      tpu.vector_store_idx %arg6[%get3A_213], %get3A_219 : memref<25120xf32, #tpu.memory_space<vmem>>[vector<16xi32>], vector<16xf32>,
      %scan3A_220 = arith.constant 9 : i32
      %scan3A_221 = arith.addi %scan3A_96, %scan3A_220 : i32
      %mul3A_222 = arith.constant 16 : i32
      %mul3A_223 = arith.muli %scan3A_221, %mul3A_222 : i32
      %get3A_224 = arith.constant 4 : i32
      %get3A_225 = arith.index_cast %get3A_224 : i32 to index
      %get3A_226 = arith.index_cast %mul3A_223 : i32 to index
      %get3A_227 = tpu.vector_load %arg7[%get3A_225, %get3A_226] {strides = array<i32>} : memref<8x6256xi32, #tpu.memory_space<vmem>>, vector<16xi32>,
      %mul3A_228 = arith.constant 16 : i32
      %mul3A_229 = arith.muli %scan3A_221, %mul3A_228 : i32
      %get3A_230 = arith.constant 4 : i32
      %get3A_231 = arith.index_cast %get3A_230 : i32 to index
      %get3A_232 = arith.index_cast %mul3A_229 : i32 to index
      %get3A_233 = tpu.vector_load %arg8[%get3A_231, %get3A_232] {strides = array<i32>} : memref<8x6256xf32, #tpu.memory_space<vmem>>, vector<16xf32>,
      tpu.vector_store_idx %arg6[%get3A_227], %get3A_233 : memref<25120xf32, #tpu.memory_space<vmem>>[vector<16xi32>], vector<16xf32>,
      %scan3A_234 = arith.constant 10 : i32
      %scan3A_235 = arith.addi %scan3A_96, %scan3A_234 : i32
      %mul3A_236 = arith.constant 16 : i32
      %mul3A_237 = arith.muli %scan3A_235, %mul3A_236 : i32
      %get3A_238 = arith.constant 4 : i32
      %get3A_239 = arith.index_cast %get3A_238 : i32 to index
      %get3A_240 = arith.index_cast %mul3A_237 : i32 to index
      %get3A_241 = tpu.vector_load %arg7[%get3A_239, %get3A_240] {strides = array<i32>} : memref<8x6256xi32, #tpu.memory_space<vmem>>, vector<16xi32>,
      %mul3A_242 = arith.constant 16 : i32
      %mul3A_243 = arith.muli %scan3A_235, %mul3A_242 : i32
      %get3A_244 = arith.constant 4 : i32
      %get3A_245 = arith.index_cast %get3A_244 : i32 to index
      %get3A_246 = arith.index_cast %mul3A_243 : i32 to index
      %get3A_247 = tpu.vector_load %arg8[%get3A_245, %get3A_246] {strides = array<i32>} : memref<8x6256xf32, #tpu.memory_space<vmem>>, vector<16xf32>,
      tpu.vector_store_idx %arg6[%get3A_241], %get3A_247 : memref<25120xf32, #tpu.memory_space<vmem>>[vector<16xi32>], vector<16xf32>,
      %scan3A_248 = arith.constant 11 : i32
      %scan3A_249 = arith.addi %scan3A_96, %scan3A_248 : i32
      %mul3A_250 = arith.constant 16 : i32
      %mul3A_251 = arith.muli %scan3A_249, %mul3A_250 : i32
      %get3A_252 = arith.constant 4 : i32
      %get3A_253 = arith.index_cast %get3A_252 : i32 to index
      %get3A_254 = arith.index_cast %mul3A_251 : i32 to index
      %get3A_255 = tpu.vector_load %arg7[%get3A_253, %get3A_254] {strides = array<i32>} : memref<8x6256xi32, #tpu.memory_space<vmem>>, vector<16xi32>,
      %mul3A_256 = arith.constant 16 : i32
      %mul3A_257 = arith.muli %scan3A_249, %mul3A_256 : i32
      %get3A_258 = arith.constant 4 : i32
      %get3A_259 = arith.index_cast %get3A_258 : i32 to index
      %get3A_260 = arith.index_cast %mul3A_257 : i32 to index
      %get3A_261 = tpu.vector_load %arg8[%get3A_259, %get3A_260] {strides = array<i32>} : memref<8x6256xf32, #tpu.memory_space<vmem>>, vector<16xf32>,
      tpu.vector_store_idx %arg6[%get3A_255], %get3A_261 : memref<25120xf32, #tpu.memory_space<vmem>>[vector<16xi32>], vector<16xf32>,
      %scan3A_262 = arith.constant 12 : i32
      %scan3A_263 = arith.addi %scan3A_96, %scan3A_262 : i32
      %mul3A_264 = arith.constant 16 : i32
      %mul3A_265 = arith.muli %scan3A_263, %mul3A_264 : i32
      %get3A_266 = arith.constant 4 : i32
      %get3A_267 = arith.index_cast %get3A_266 : i32 to index
      %get3A_268 = arith.index_cast %mul3A_265 : i32 to index
      %get3A_269 = tpu.vector_load %arg7[%get3A_267, %get3A_268] {strides = array<i32>} : memref<8x6256xi32, #tpu.memory_space<vmem>>, vector<16xi32>,
      %mul3A_270 = arith.constant 16 : i32
      %mul3A_271 = arith.muli %scan3A_263, %mul3A_270 : i32
      %get3A_272 = arith.constant 4 : i32
      %get3A_273 = arith.index_cast %get3A_272 : i32 to index
      %get3A_274 = arith.index_cast %mul3A_271 : i32 to index
      %get3A_275 = tpu.vector_load %arg8[%get3A_273, %get3A_274] {strides = array<i32>} : memref<8x6256xf32, #tpu.memory_space<vmem>>, vector<16xf32>,
      tpu.vector_store_idx %arg6[%get3A_269], %get3A_275 : memref<25120xf32, #tpu.memory_space<vmem>>[vector<16xi32>], vector<16xf32>,
      %scan3A_276 = arith.constant 13 : i32
      %scan3A_277 = arith.addi %scan3A_96, %scan3A_276 : i32
      %mul3A_278 = arith.constant 16 : i32
      %mul3A_279 = arith.muli %scan3A_277, %mul3A_278 : i32
      %get3A_280 = arith.constant 4 : i32
      %get3A_281 = arith.index_cast %get3A_280 : i32 to index
      %get3A_282 = arith.index_cast %mul3A_279 : i32 to index
      %get3A_283 = tpu.vector_load %arg7[%get3A_281, %get3A_282] {strides = array<i32>} : memref<8x6256xi32, #tpu.memory_space<vmem>>, vector<16xi32>,
      %mul3A_284 = arith.constant 16 : i32
      %mul3A_285 = arith.muli %scan3A_277, %mul3A_284 : i32
      %get3A_286 = arith.constant 4 : i32
      %get3A_287 = arith.index_cast %get3A_286 : i32 to index
      %get3A_288 = arith.index_cast %mul3A_285 : i32 to index
      %get3A_289 = tpu.vector_load %arg8[%get3A_287, %get3A_288] {strides = array<i32>} : memref<8x6256xf32, #tpu.memory_space<vmem>>, vector<16xf32>,
      tpu.vector_store_idx %arg6[%get3A_283], %get3A_289 : memref<25120xf32, #tpu.memory_space<vmem>>[vector<16xi32>], vector<16xf32>,
      %scan3A_290 = arith.constant 14 : i32
      %scan3A_291 = arith.addi %scan3A_96, %scan3A_290 : i32
      %mul3A_292 = arith.constant 16 : i32
      %mul3A_293 = arith.muli %scan3A_291, %mul3A_292 : i32
      %get3A_294 = arith.constant 4 : i32
      %get3A_295 = arith.index_cast %get3A_294 : i32 to index
      %get3A_296 = arith.index_cast %mul3A_293 : i32 to index
      %get3A_297 = tpu.vector_load %arg7[%get3A_295, %get3A_296] {strides = array<i32>} : memref<8x6256xi32, #tpu.memory_space<vmem>>, vector<16xi32>,
      %mul3A_298 = arith.constant 16 : i32
      %mul3A_299 = arith.muli %scan3A_291, %mul3A_298 : i32
      %get3A_300 = arith.constant 4 : i32
      %get3A_301 = arith.index_cast %get3A_300 : i32 to index
      %get3A_302 = arith.index_cast %mul3A_299 : i32 to index
      %get3A_303 = tpu.vector_load %arg8[%get3A_301, %get3A_302] {strides = array<i32>} : memref<8x6256xf32, #tpu.memory_space<vmem>>, vector<16xf32>,
      tpu.vector_store_idx %arg6[%get3A_297], %get3A_303 : memref<25120xf32, #tpu.memory_space<vmem>>[vector<16xi32>], vector<16xf32>,
      %scan3A_304 = arith.constant 15 : i32
      %scan3A_305 = arith.addi %scan3A_96, %scan3A_304 : i32
      %mul3A_306 = arith.constant 16 : i32
      %mul3A_307 = arith.muli %scan3A_305, %mul3A_306 : i32
      %get3A_308 = arith.constant 4 : i32
      %get3A_309 = arith.index_cast %get3A_308 : i32 to index
      %get3A_310 = arith.index_cast %mul3A_307 : i32 to index
      %get3A_311 = tpu.vector_load %arg7[%get3A_309, %get3A_310] {strides = array<i32>} : memref<8x6256xi32, #tpu.memory_space<vmem>>, vector<16xi32>,
      %mul3A_312 = arith.constant 16 : i32
      %mul3A_313 = arith.muli %scan3A_305, %mul3A_312 : i32
      %get3A_314 = arith.constant 4 : i32
      %get3A_315 = arith.index_cast %get3A_314 : i32 to index
      %get3A_316 = arith.index_cast %mul3A_313 : i32 to index
      %get3A_317 = tpu.vector_load %arg8[%get3A_315, %get3A_316] {strides = array<i32>} : memref<8x6256xf32, #tpu.memory_space<vmem>>, vector<16xf32>,
      tpu.vector_store_idx %arg6[%get3A_311], %get3A_317 : memref<25120xf32, #tpu.memory_space<vmem>>[vector<16xi32>], vector<16xf32>,
      %scan3A_318 = arith.constant 16 : i32
      %scan3A_319 = arith.addi %scan3A_96, %scan3A_318 : i32
      %mul3A_320 = arith.constant 16 : i32
      %mul3A_321 = arith.muli %scan3A_319, %mul3A_320 : i32
      %get3A_322 = arith.constant 4 : i32
      %get3A_323 = arith.index_cast %get3A_322 : i32 to index
      %get3A_324 = arith.index_cast %mul3A_321 : i32 to index
      %get3A_325 = tpu.vector_load %arg7[%get3A_323, %get3A_324] {strides = array<i32>} : memref<8x6256xi32, #tpu.memory_space<vmem>>, vector<16xi32>,
      %mul3A_326 = arith.constant 16 : i32
      %mul3A_327 = arith.muli %scan3A_319, %mul3A_326 : i32
      %get3A_328 = arith.constant 4 : i32
      %get3A_329 = arith.index_cast %get3A_328 : i32 to index
      %get3A_330 = arith.index_cast %mul3A_327 : i32 to index
      %get3A_331 = tpu.vector_load %arg8[%get3A_329, %get3A_330] {strides = array<i32>} : memref<8x6256xf32, #tpu.memory_space<vmem>>, vector<16xf32>,
      tpu.vector_store_idx %arg6[%get3A_325], %get3A_331 : memref<25120xf32, #tpu.memory_space<vmem>>[vector<16xi32>], vector<16xf32>,
    }
    %scan3A_75 = arith.constant 391 : i32
    %scan3A_76 = arith.constant 0 : i32
    %scan3A_77 = arith.constant 0 : i32
    %scan3A_78 = arith.constant 391 : i32
    %scan3A_79 = arith.addi %scan3A_77, %scan3A_78 : i32
    %scan3A_80 = arith.constant 17 : i32
    scf.for %scan3A_96 = %scan3A_77 to %scan3A_79 step %scan3A_80  : i32 {
      %mul3A_97 = arith.constant 16 : i32
      %mul3A_98 = arith.muli %scan3A_96, %mul3A_97 : i32
      %get3A = arith.constant 5 : i32
      %get3A_99 = arith.index_cast %get3A : i32 to index
      %get3A_100 = arith.index_cast %mul3A_98 : i32 to index
      %get3A_101 = tpu.vector_load %arg7[%get3A_99, %get3A_100] {strides = array<i32>} : memref<8x6256xi32, #tpu.memory_space<vmem>>, vector<16xi32>,
      %mul3A_102 = arith.constant 16 : i32
      %mul3A_103 = arith.muli %scan3A_96, %mul3A_102 : i32
      %get3A_104 = arith.constant 5 : i32
      %get3A_105 = arith.index_cast %get3A_104 : i32 to index
      %get3A_106 = arith.index_cast %mul3A_103 : i32 to index
      %get3A_107 = tpu.vector_load %arg8[%get3A_105, %get3A_106] {strides = array<i32>} : memref<8x6256xf32, #tpu.memory_space<vmem>>, vector<16xf32>,
      tpu.vector_store_idx %arg6[%get3A_101], %get3A_107 : memref<25120xf32, #tpu.memory_space<vmem>>[vector<16xi32>], vector<16xf32>,
      %scan3A_108 = arith.constant 1 : i32
      %scan3A_109 = arith.addi %scan3A_96, %scan3A_108 : i32
      %mul3A_110 = arith.constant 16 : i32
      %mul3A_111 = arith.muli %scan3A_109, %mul3A_110 : i32
      %get3A_112 = arith.constant 5 : i32
      %get3A_113 = arith.index_cast %get3A_112 : i32 to index
      %get3A_114 = arith.index_cast %mul3A_111 : i32 to index
      %get3A_115 = tpu.vector_load %arg7[%get3A_113, %get3A_114] {strides = array<i32>} : memref<8x6256xi32, #tpu.memory_space<vmem>>, vector<16xi32>,
      %mul3A_116 = arith.constant 16 : i32
      %mul3A_117 = arith.muli %scan3A_109, %mul3A_116 : i32
      %get3A_118 = arith.constant 5 : i32
      %get3A_119 = arith.index_cast %get3A_118 : i32 to index
      %get3A_120 = arith.index_cast %mul3A_117 : i32 to index
      %get3A_121 = tpu.vector_load %arg8[%get3A_119, %get3A_120] {strides = array<i32>} : memref<8x6256xf32, #tpu.memory_space<vmem>>, vector<16xf32>,
      tpu.vector_store_idx %arg6[%get3A_115], %get3A_121 : memref<25120xf32, #tpu.memory_space<vmem>>[vector<16xi32>], vector<16xf32>,
      %scan3A_122 = arith.constant 2 : i32
      %scan3A_123 = arith.addi %scan3A_96, %scan3A_122 : i32
      %mul3A_124 = arith.constant 16 : i32
      %mul3A_125 = arith.muli %scan3A_123, %mul3A_124 : i32
      %get3A_126 = arith.constant 5 : i32
      %get3A_127 = arith.index_cast %get3A_126 : i32 to index
      %get3A_128 = arith.index_cast %mul3A_125 : i32 to index
      %get3A_129 = tpu.vector_load %arg7[%get3A_127, %get3A_128] {strides = array<i32>} : memref<8x6256xi32, #tpu.memory_space<vmem>>, vector<16xi32>,
      %mul3A_130 = arith.constant 16 : i32
      %mul3A_131 = arith.muli %scan3A_123, %mul3A_130 : i32
      %get3A_132 = arith.constant 5 : i32
      %get3A_133 = arith.index_cast %get3A_132 : i32 to index
      %get3A_134 = arith.index_cast %mul3A_131 : i32 to index
      %get3A_135 = tpu.vector_load %arg8[%get3A_133, %get3A_134] {strides = array<i32>} : memref<8x6256xf32, #tpu.memory_space<vmem>>, vector<16xf32>,
      tpu.vector_store_idx %arg6[%get3A_129], %get3A_135 : memref<25120xf32, #tpu.memory_space<vmem>>[vector<16xi32>], vector<16xf32>,
      %scan3A_136 = arith.constant 3 : i32
      %scan3A_137 = arith.addi %scan3A_96, %scan3A_136 : i32
      %mul3A_138 = arith.constant 16 : i32
      %mul3A_139 = arith.muli %scan3A_137, %mul3A_138 : i32
      %get3A_140 = arith.constant 5 : i32
      %get3A_141 = arith.index_cast %get3A_140 : i32 to index
      %get3A_142 = arith.index_cast %mul3A_139 : i32 to index
      %get3A_143 = tpu.vector_load %arg7[%get3A_141, %get3A_142] {strides = array<i32>} : memref<8x6256xi32, #tpu.memory_space<vmem>>, vector<16xi32>,
      %mul3A_144 = arith.constant 16 : i32
      %mul3A_145 = arith.muli %scan3A_137, %mul3A_144 : i32
      %get3A_146 = arith.constant 5 : i32
      %get3A_147 = arith.index_cast %get3A_146 : i32 to index
      %get3A_148 = arith.index_cast %mul3A_145 : i32 to index
      %get3A_149 = tpu.vector_load %arg8[%get3A_147, %get3A_148] {strides = array<i32>} : memref<8x6256xf32, #tpu.memory_space<vmem>>, vector<16xf32>,
      tpu.vector_store_idx %arg6[%get3A_143], %get3A_149 : memref<25120xf32, #tpu.memory_space<vmem>>[vector<16xi32>], vector<16xf32>,
      %scan3A_150 = arith.constant 4 : i32
      %scan3A_151 = arith.addi %scan3A_96, %scan3A_150 : i32
      %mul3A_152 = arith.constant 16 : i32
      %mul3A_153 = arith.muli %scan3A_151, %mul3A_152 : i32
      %get3A_154 = arith.constant 5 : i32
      %get3A_155 = arith.index_cast %get3A_154 : i32 to index
      %get3A_156 = arith.index_cast %mul3A_153 : i32 to index
      %get3A_157 = tpu.vector_load %arg7[%get3A_155, %get3A_156] {strides = array<i32>} : memref<8x6256xi32, #tpu.memory_space<vmem>>, vector<16xi32>,
      %mul3A_158 = arith.constant 16 : i32
      %mul3A_159 = arith.muli %scan3A_151, %mul3A_158 : i32
      %get3A_160 = arith.constant 5 : i32
      %get3A_161 = arith.index_cast %get3A_160 : i32 to index
      %get3A_162 = arith.index_cast %mul3A_159 : i32 to index
      %get3A_163 = tpu.vector_load %arg8[%get3A_161, %get3A_162] {strides = array<i32>} : memref<8x6256xf32, #tpu.memory_space<vmem>>, vector<16xf32>,
      tpu.vector_store_idx %arg6[%get3A_157], %get3A_163 : memref<25120xf32, #tpu.memory_space<vmem>>[vector<16xi32>], vector<16xf32>,
      %scan3A_164 = arith.constant 5 : i32
      %scan3A_165 = arith.addi %scan3A_96, %scan3A_164 : i32
      %mul3A_166 = arith.constant 16 : i32
      %mul3A_167 = arith.muli %scan3A_165, %mul3A_166 : i32
      %get3A_168 = arith.constant 5 : i32
      %get3A_169 = arith.index_cast %get3A_168 : i32 to index
      %get3A_170 = arith.index_cast %mul3A_167 : i32 to index
      %get3A_171 = tpu.vector_load %arg7[%get3A_169, %get3A_170] {strides = array<i32>} : memref<8x6256xi32, #tpu.memory_space<vmem>>, vector<16xi32>,
      %mul3A_172 = arith.constant 16 : i32
      %mul3A_173 = arith.muli %scan3A_165, %mul3A_172 : i32
      %get3A_174 = arith.constant 5 : i32
      %get3A_175 = arith.index_cast %get3A_174 : i32 to index
      %get3A_176 = arith.index_cast %mul3A_173 : i32 to index
      %get3A_177 = tpu.vector_load %arg8[%get3A_175, %get3A_176] {strides = array<i32>} : memref<8x6256xf32, #tpu.memory_space<vmem>>, vector<16xf32>,
      tpu.vector_store_idx %arg6[%get3A_171], %get3A_177 : memref<25120xf32, #tpu.memory_space<vmem>>[vector<16xi32>], vector<16xf32>,
      %scan3A_178 = arith.constant 6 : i32
      %scan3A_179 = arith.addi %scan3A_96, %scan3A_178 : i32
      %mul3A_180 = arith.constant 16 : i32
      %mul3A_181 = arith.muli %scan3A_179, %mul3A_180 : i32
      %get3A_182 = arith.constant 5 : i32
      %get3A_183 = arith.index_cast %get3A_182 : i32 to index
      %get3A_184 = arith.index_cast %mul3A_181 : i32 to index
      %get3A_185 = tpu.vector_load %arg7[%get3A_183, %get3A_184] {strides = array<i32>} : memref<8x6256xi32, #tpu.memory_space<vmem>>, vector<16xi32>,
      %mul3A_186 = arith.constant 16 : i32
      %mul3A_187 = arith.muli %scan3A_179, %mul3A_186 : i32
      %get3A_188 = arith.constant 5 : i32
      %get3A_189 = arith.index_cast %get3A_188 : i32 to index
      %get3A_190 = arith.index_cast %mul3A_187 : i32 to index
      %get3A_191 = tpu.vector_load %arg8[%get3A_189, %get3A_190] {strides = array<i32>} : memref<8x6256xf32, #tpu.memory_space<vmem>>, vector<16xf32>,
      tpu.vector_store_idx %arg6[%get3A_185], %get3A_191 : memref<25120xf32, #tpu.memory_space<vmem>>[vector<16xi32>], vector<16xf32>,
      %scan3A_192 = arith.constant 7 : i32
      %scan3A_193 = arith.addi %scan3A_96, %scan3A_192 : i32
      %mul3A_194 = arith.constant 16 : i32
      %mul3A_195 = arith.muli %scan3A_193, %mul3A_194 : i32
      %get3A_196 = arith.constant 5 : i32
      %get3A_197 = arith.index_cast %get3A_196 : i32 to index
      %get3A_198 = arith.index_cast %mul3A_195 : i32 to index
      %get3A_199 = tpu.vector_load %arg7[%get3A_197, %get3A_198] {strides = array<i32>} : memref<8x6256xi32, #tpu.memory_space<vmem>>, vector<16xi32>,
      %mul3A_200 = arith.constant 16 : i32
      %mul3A_201 = arith.muli %scan3A_193, %mul3A_200 : i32
      %get3A_202 = arith.constant 5 : i32
      %get3A_203 = arith.index_cast %get3A_202 : i32 to index
      %get3A_204 = arith.index_cast %mul3A_201 : i32 to index
      %get3A_205 = tpu.vector_load %arg8[%get3A_203, %get3A_204] {strides = array<i32>} : memref<8x6256xf32, #tpu.memory_space<vmem>>, vector<16xf32>,
      tpu.vector_store_idx %arg6[%get3A_199], %get3A_205 : memref<25120xf32, #tpu.memory_space<vmem>>[vector<16xi32>], vector<16xf32>,
      %scan3A_206 = arith.constant 8 : i32
      %scan3A_207 = arith.addi %scan3A_96, %scan3A_206 : i32
      %mul3A_208 = arith.constant 16 : i32
      %mul3A_209 = arith.muli %scan3A_207, %mul3A_208 : i32
      %get3A_210 = arith.constant 5 : i32
      %get3A_211 = arith.index_cast %get3A_210 : i32 to index
      %get3A_212 = arith.index_cast %mul3A_209 : i32 to index
      %get3A_213 = tpu.vector_load %arg7[%get3A_211, %get3A_212] {strides = array<i32>} : memref<8x6256xi32, #tpu.memory_space<vmem>>, vector<16xi32>,
      %mul3A_214 = arith.constant 16 : i32
      %mul3A_215 = arith.muli %scan3A_207, %mul3A_214 : i32
      %get3A_216 = arith.constant 5 : i32
      %get3A_217 = arith.index_cast %get3A_216 : i32 to index
      %get3A_218 = arith.index_cast %mul3A_215 : i32 to index
      %get3A_219 = tpu.vector_load %arg8[%get3A_217, %get3A_218] {strides = array<i32>} : memref<8x6256xf32, #tpu.memory_space<vmem>>, vector<16xf32>,
      tpu.vector_store_idx %arg6[%get3A_213], %get3A_219 : memref<25120xf32, #tpu.memory_space<vmem>>[vector<16xi32>], vector<16xf32>,
      %scan3A_220 = arith.constant 9 : i32
      %scan3A_221 = arith.addi %scan3A_96, %scan3A_220 : i32
      %mul3A_222 = arith.constant 16 : i32
      %mul3A_223 = arith.muli %scan3A_221, %mul3A_222 : i32
      %get3A_224 = arith.constant 5 : i32
      %get3A_225 = arith.index_cast %get3A_224 : i32 to index
      %get3A_226 = arith.index_cast %mul3A_223 : i32 to index
      %get3A_227 = tpu.vector_load %arg7[%get3A_225, %get3A_226] {strides = array<i32>} : memref<8x6256xi32, #tpu.memory_space<vmem>>, vector<16xi32>,
      %mul3A_228 = arith.constant 16 : i32
      %mul3A_229 = arith.muli %scan3A_221, %mul3A_228 : i32
      %get3A_230 = arith.constant 5 : i32
      %get3A_231 = arith.index_cast %get3A_230 : i32 to index
      %get3A_232 = arith.index_cast %mul3A_229 : i32 to index
      %get3A_233 = tpu.vector_load %arg8[%get3A_231, %get3A_232] {strides = array<i32>} : memref<8x6256xf32, #tpu.memory_space<vmem>>, vector<16xf32>,
      tpu.vector_store_idx %arg6[%get3A_227], %get3A_233 : memref<25120xf32, #tpu.memory_space<vmem>>[vector<16xi32>], vector<16xf32>,
      %scan3A_234 = arith.constant 10 : i32
      %scan3A_235 = arith.addi %scan3A_96, %scan3A_234 : i32
      %mul3A_236 = arith.constant 16 : i32
      %mul3A_237 = arith.muli %scan3A_235, %mul3A_236 : i32
      %get3A_238 = arith.constant 5 : i32
      %get3A_239 = arith.index_cast %get3A_238 : i32 to index
      %get3A_240 = arith.index_cast %mul3A_237 : i32 to index
      %get3A_241 = tpu.vector_load %arg7[%get3A_239, %get3A_240] {strides = array<i32>} : memref<8x6256xi32, #tpu.memory_space<vmem>>, vector<16xi32>,
      %mul3A_242 = arith.constant 16 : i32
      %mul3A_243 = arith.muli %scan3A_235, %mul3A_242 : i32
      %get3A_244 = arith.constant 5 : i32
      %get3A_245 = arith.index_cast %get3A_244 : i32 to index
      %get3A_246 = arith.index_cast %mul3A_243 : i32 to index
      %get3A_247 = tpu.vector_load %arg8[%get3A_245, %get3A_246] {strides = array<i32>} : memref<8x6256xf32, #tpu.memory_space<vmem>>, vector<16xf32>,
      tpu.vector_store_idx %arg6[%get3A_241], %get3A_247 : memref<25120xf32, #tpu.memory_space<vmem>>[vector<16xi32>], vector<16xf32>,
      %scan3A_248 = arith.constant 11 : i32
      %scan3A_249 = arith.addi %scan3A_96, %scan3A_248 : i32
      %mul3A_250 = arith.constant 16 : i32
      %mul3A_251 = arith.muli %scan3A_249, %mul3A_250 : i32
      %get3A_252 = arith.constant 5 : i32
      %get3A_253 = arith.index_cast %get3A_252 : i32 to index
      %get3A_254 = arith.index_cast %mul3A_251 : i32 to index
      %get3A_255 = tpu.vector_load %arg7[%get3A_253, %get3A_254] {strides = array<i32>} : memref<8x6256xi32, #tpu.memory_space<vmem>>, vector<16xi32>,
      %mul3A_256 = arith.constant 16 : i32
      %mul3A_257 = arith.muli %scan3A_249, %mul3A_256 : i32
      %get3A_258 = arith.constant 5 : i32
      %get3A_259 = arith.index_cast %get3A_258 : i32 to index
      %get3A_260 = arith.index_cast %mul3A_257 : i32 to index
      %get3A_261 = tpu.vector_load %arg8[%get3A_259, %get3A_260] {strides = array<i32>} : memref<8x6256xf32, #tpu.memory_space<vmem>>, vector<16xf32>,
      tpu.vector_store_idx %arg6[%get3A_255], %get3A_261 : memref<25120xf32, #tpu.memory_space<vmem>>[vector<16xi32>], vector<16xf32>,
      %scan3A_262 = arith.constant 12 : i32
      %scan3A_263 = arith.addi %scan3A_96, %scan3A_262 : i32
      %mul3A_264 = arith.constant 16 : i32
      %mul3A_265 = arith.muli %scan3A_263, %mul3A_264 : i32
      %get3A_266 = arith.constant 5 : i32
      %get3A_267 = arith.index_cast %get3A_266 : i32 to index
      %get3A_268 = arith.index_cast %mul3A_265 : i32 to index
      %get3A_269 = tpu.vector_load %arg7[%get3A_267, %get3A_268] {strides = array<i32>} : memref<8x6256xi32, #tpu.memory_space<vmem>>, vector<16xi32>,
      %mul3A_270 = arith.constant 16 : i32
      %mul3A_271 = arith.muli %scan3A_263, %mul3A_270 : i32
      %get3A_272 = arith.constant 5 : i32
      %get3A_273 = arith.index_cast %get3A_272 : i32 to index
      %get3A_274 = arith.index_cast %mul3A_271 : i32 to index
      %get3A_275 = tpu.vector_load %arg8[%get3A_273, %get3A_274] {strides = array<i32>} : memref<8x6256xf32, #tpu.memory_space<vmem>>, vector<16xf32>,
      tpu.vector_store_idx %arg6[%get3A_269], %get3A_275 : memref<25120xf32, #tpu.memory_space<vmem>>[vector<16xi32>], vector<16xf32>,
      %scan3A_276 = arith.constant 13 : i32
      %scan3A_277 = arith.addi %scan3A_96, %scan3A_276 : i32
      %mul3A_278 = arith.constant 16 : i32
      %mul3A_279 = arith.muli %scan3A_277, %mul3A_278 : i32
      %get3A_280 = arith.constant 5 : i32
      %get3A_281 = arith.index_cast %get3A_280 : i32 to index
      %get3A_282 = arith.index_cast %mul3A_279 : i32 to index
      %get3A_283 = tpu.vector_load %arg7[%get3A_281, %get3A_282] {strides = array<i32>} : memref<8x6256xi32, #tpu.memory_space<vmem>>, vector<16xi32>,
      %mul3A_284 = arith.constant 16 : i32
      %mul3A_285 = arith.muli %scan3A_277, %mul3A_284 : i32
      %get3A_286 = arith.constant 5 : i32
      %get3A_287 = arith.index_cast %get3A_286 : i32 to index
      %get3A_288 = arith.index_cast %mul3A_285 : i32 to index
      %get3A_289 = tpu.vector_load %arg8[%get3A_287, %get3A_288] {strides = array<i32>} : memref<8x6256xf32, #tpu.memory_space<vmem>>, vector<16xf32>,
      tpu.vector_store_idx %arg6[%get3A_283], %get3A_289 : memref<25120xf32, #tpu.memory_space<vmem>>[vector<16xi32>], vector<16xf32>,
      %scan3A_290 = arith.constant 14 : i32
      %scan3A_291 = arith.addi %scan3A_96, %scan3A_290 : i32
      %mul3A_292 = arith.constant 16 : i32
      %mul3A_293 = arith.muli %scan3A_291, %mul3A_292 : i32
      %get3A_294 = arith.constant 5 : i32
      %get3A_295 = arith.index_cast %get3A_294 : i32 to index
      %get3A_296 = arith.index_cast %mul3A_293 : i32 to index
      %get3A_297 = tpu.vector_load %arg7[%get3A_295, %get3A_296] {strides = array<i32>} : memref<8x6256xi32, #tpu.memory_space<vmem>>, vector<16xi32>,
      %mul3A_298 = arith.constant 16 : i32
      %mul3A_299 = arith.muli %scan3A_291, %mul3A_298 : i32
      %get3A_300 = arith.constant 5 : i32
      %get3A_301 = arith.index_cast %get3A_300 : i32 to index
      %get3A_302 = arith.index_cast %mul3A_299 : i32 to index
      %get3A_303 = tpu.vector_load %arg8[%get3A_301, %get3A_302] {strides = array<i32>} : memref<8x6256xf32, #tpu.memory_space<vmem>>, vector<16xf32>,
      tpu.vector_store_idx %arg6[%get3A_297], %get3A_303 : memref<25120xf32, #tpu.memory_space<vmem>>[vector<16xi32>], vector<16xf32>,
      %scan3A_304 = arith.constant 15 : i32
      %scan3A_305 = arith.addi %scan3A_96, %scan3A_304 : i32
      %mul3A_306 = arith.constant 16 : i32
      %mul3A_307 = arith.muli %scan3A_305, %mul3A_306 : i32
      %get3A_308 = arith.constant 5 : i32
      %get3A_309 = arith.index_cast %get3A_308 : i32 to index
      %get3A_310 = arith.index_cast %mul3A_307 : i32 to index
      %get3A_311 = tpu.vector_load %arg7[%get3A_309, %get3A_310] {strides = array<i32>} : memref<8x6256xi32, #tpu.memory_space<vmem>>, vector<16xi32>,
      %mul3A_312 = arith.constant 16 : i32
      %mul3A_313 = arith.muli %scan3A_305, %mul3A_312 : i32
      %get3A_314 = arith.constant 5 : i32
      %get3A_315 = arith.index_cast %get3A_314 : i32 to index
      %get3A_316 = arith.index_cast %mul3A_313 : i32 to index
      %get3A_317 = tpu.vector_load %arg8[%get3A_315, %get3A_316] {strides = array<i32>} : memref<8x6256xf32, #tpu.memory_space<vmem>>, vector<16xf32>,
      tpu.vector_store_idx %arg6[%get3A_311], %get3A_317 : memref<25120xf32, #tpu.memory_space<vmem>>[vector<16xi32>], vector<16xf32>,
      %scan3A_318 = arith.constant 16 : i32
      %scan3A_319 = arith.addi %scan3A_96, %scan3A_318 : i32
      %mul3A_320 = arith.constant 16 : i32
      %mul3A_321 = arith.muli %scan3A_319, %mul3A_320 : i32
      %get3A_322 = arith.constant 5 : i32
      %get3A_323 = arith.index_cast %get3A_322 : i32 to index
      %get3A_324 = arith.index_cast %mul3A_321 : i32 to index
      %get3A_325 = tpu.vector_load %arg7[%get3A_323, %get3A_324] {strides = array<i32>} : memref<8x6256xi32, #tpu.memory_space<vmem>>, vector<16xi32>,
      %mul3A_326 = arith.constant 16 : i32
      %mul3A_327 = arith.muli %scan3A_319, %mul3A_326 : i32
      %get3A_328 = arith.constant 5 : i32
      %get3A_329 = arith.index_cast %get3A_328 : i32 to index
      %get3A_330 = arith.index_cast %mul3A_327 : i32 to index
      %get3A_331 = tpu.vector_load %arg8[%get3A_329, %get3A_330] {strides = array<i32>} : memref<8x6256xf32, #tpu.memory_space<vmem>>, vector<16xf32>,
      tpu.vector_store_idx %arg6[%get3A_325], %get3A_331 : memref<25120xf32, #tpu.memory_space<vmem>>[vector<16xi32>], vector<16xf32>,
    }
    %scan3A_81 = arith.constant 391 : i32
    %scan3A_82 = arith.constant 0 : i32
    %scan3A_83 = arith.constant 0 : i32
    %scan3A_84 = arith.constant 391 : i32
    %scan3A_85 = arith.addi %scan3A_83, %scan3A_84 : i32
    %scan3A_86 = arith.constant 17 : i32
    scf.for %scan3A_96 = %scan3A_83 to %scan3A_85 step %scan3A_86  : i32 {
      %mul3A_97 = arith.constant 16 : i32
      %mul3A_98 = arith.muli %scan3A_96, %mul3A_97 : i32
      %get3A = arith.constant 6 : i32
      %get3A_99 = arith.index_cast %get3A : i32 to index
      %get3A_100 = arith.index_cast %mul3A_98 : i32 to index
      %get3A_101 = tpu.vector_load %arg7[%get3A_99, %get3A_100] {strides = array<i32>} : memref<8x6256xi32, #tpu.memory_space<vmem>>, vector<16xi32>,
      %mul3A_102 = arith.constant 16 : i32
      %mul3A_103 = arith.muli %scan3A_96, %mul3A_102 : i32
      %get3A_104 = arith.constant 6 : i32
      %get3A_105 = arith.index_cast %get3A_104 : i32 to index
      %get3A_106 = arith.index_cast %mul3A_103 : i32 to index
      %get3A_107 = tpu.vector_load %arg8[%get3A_105, %get3A_106] {strides = array<i32>} : memref<8x6256xf32, #tpu.memory_space<vmem>>, vector<16xf32>,
      tpu.vector_store_idx %arg6[%get3A_101], %get3A_107 : memref<25120xf32, #tpu.memory_space<vmem>>[vector<16xi32>], vector<16xf32>,
      %scan3A_108 = arith.constant 1 : i32
      %scan3A_109 = arith.addi %scan3A_96, %scan3A_108 : i32
      %mul3A_110 = arith.constant 16 : i32
      %mul3A_111 = arith.muli %scan3A_109, %mul3A_110 : i32
      %get3A_112 = arith.constant 6 : i32
      %get3A_113 = arith.index_cast %get3A_112 : i32 to index
      %get3A_114 = arith.index_cast %mul3A_111 : i32 to index
      %get3A_115 = tpu.vector_load %arg7[%get3A_113, %get3A_114] {strides = array<i32>} : memref<8x6256xi32, #tpu.memory_space<vmem>>, vector<16xi32>,
      %mul3A_116 = arith.constant 16 : i32
      %mul3A_117 = arith.muli %scan3A_109, %mul3A_116 : i32
      %get3A_118 = arith.constant 6 : i32
      %get3A_119 = arith.index_cast %get3A_118 : i32 to index
      %get3A_120 = arith.index_cast %mul3A_117 : i32 to index
      %get3A_121 = tpu.vector_load %arg8[%get3A_119, %get3A_120] {strides = array<i32>} : memref<8x6256xf32, #tpu.memory_space<vmem>>, vector<16xf32>,
      tpu.vector_store_idx %arg6[%get3A_115], %get3A_121 : memref<25120xf32, #tpu.memory_space<vmem>>[vector<16xi32>], vector<16xf32>,
      %scan3A_122 = arith.constant 2 : i32
      %scan3A_123 = arith.addi %scan3A_96, %scan3A_122 : i32
      %mul3A_124 = arith.constant 16 : i32
      %mul3A_125 = arith.muli %scan3A_123, %mul3A_124 : i32
      %get3A_126 = arith.constant 6 : i32
      %get3A_127 = arith.index_cast %get3A_126 : i32 to index
      %get3A_128 = arith.index_cast %mul3A_125 : i32 to index
      %get3A_129 = tpu.vector_load %arg7[%get3A_127, %get3A_128] {strides = array<i32>} : memref<8x6256xi32, #tpu.memory_space<vmem>>, vector<16xi32>,
      %mul3A_130 = arith.constant 16 : i32
      %mul3A_131 = arith.muli %scan3A_123, %mul3A_130 : i32
      %get3A_132 = arith.constant 6 : i32
      %get3A_133 = arith.index_cast %get3A_132 : i32 to index
      %get3A_134 = arith.index_cast %mul3A_131 : i32 to index
      %get3A_135 = tpu.vector_load %arg8[%get3A_133, %get3A_134] {strides = array<i32>} : memref<8x6256xf32, #tpu.memory_space<vmem>>, vector<16xf32>,
      tpu.vector_store_idx %arg6[%get3A_129], %get3A_135 : memref<25120xf32, #tpu.memory_space<vmem>>[vector<16xi32>], vector<16xf32>,
      %scan3A_136 = arith.constant 3 : i32
      %scan3A_137 = arith.addi %scan3A_96, %scan3A_136 : i32
      %mul3A_138 = arith.constant 16 : i32
      %mul3A_139 = arith.muli %scan3A_137, %mul3A_138 : i32
      %get3A_140 = arith.constant 6 : i32
      %get3A_141 = arith.index_cast %get3A_140 : i32 to index
      %get3A_142 = arith.index_cast %mul3A_139 : i32 to index
      %get3A_143 = tpu.vector_load %arg7[%get3A_141, %get3A_142] {strides = array<i32>} : memref<8x6256xi32, #tpu.memory_space<vmem>>, vector<16xi32>,
      %mul3A_144 = arith.constant 16 : i32
      %mul3A_145 = arith.muli %scan3A_137, %mul3A_144 : i32
      %get3A_146 = arith.constant 6 : i32
      %get3A_147 = arith.index_cast %get3A_146 : i32 to index
      %get3A_148 = arith.index_cast %mul3A_145 : i32 to index
      %get3A_149 = tpu.vector_load %arg8[%get3A_147, %get3A_148] {strides = array<i32>} : memref<8x6256xf32, #tpu.memory_space<vmem>>, vector<16xf32>,
      tpu.vector_store_idx %arg6[%get3A_143], %get3A_149 : memref<25120xf32, #tpu.memory_space<vmem>>[vector<16xi32>], vector<16xf32>,
      %scan3A_150 = arith.constant 4 : i32
      %scan3A_151 = arith.addi %scan3A_96, %scan3A_150 : i32
      %mul3A_152 = arith.constant 16 : i32
      %mul3A_153 = arith.muli %scan3A_151, %mul3A_152 : i32
      %get3A_154 = arith.constant 6 : i32
      %get3A_155 = arith.index_cast %get3A_154 : i32 to index
      %get3A_156 = arith.index_cast %mul3A_153 : i32 to index
      %get3A_157 = tpu.vector_load %arg7[%get3A_155, %get3A_156] {strides = array<i32>} : memref<8x6256xi32, #tpu.memory_space<vmem>>, vector<16xi32>,
      %mul3A_158 = arith.constant 16 : i32
      %mul3A_159 = arith.muli %scan3A_151, %mul3A_158 : i32
      %get3A_160 = arith.constant 6 : i32
      %get3A_161 = arith.index_cast %get3A_160 : i32 to index
      %get3A_162 = arith.index_cast %mul3A_159 : i32 to index
      %get3A_163 = tpu.vector_load %arg8[%get3A_161, %get3A_162] {strides = array<i32>} : memref<8x6256xf32, #tpu.memory_space<vmem>>, vector<16xf32>,
      tpu.vector_store_idx %arg6[%get3A_157], %get3A_163 : memref<25120xf32, #tpu.memory_space<vmem>>[vector<16xi32>], vector<16xf32>,
      %scan3A_164 = arith.constant 5 : i32
      %scan3A_165 = arith.addi %scan3A_96, %scan3A_164 : i32
      %mul3A_166 = arith.constant 16 : i32
      %mul3A_167 = arith.muli %scan3A_165, %mul3A_166 : i32
      %get3A_168 = arith.constant 6 : i32
      %get3A_169 = arith.index_cast %get3A_168 : i32 to index
      %get3A_170 = arith.index_cast %mul3A_167 : i32 to index
      %get3A_171 = tpu.vector_load %arg7[%get3A_169, %get3A_170] {strides = array<i32>} : memref<8x6256xi32, #tpu.memory_space<vmem>>, vector<16xi32>,
      %mul3A_172 = arith.constant 16 : i32
      %mul3A_173 = arith.muli %scan3A_165, %mul3A_172 : i32
      %get3A_174 = arith.constant 6 : i32
      %get3A_175 = arith.index_cast %get3A_174 : i32 to index
      %get3A_176 = arith.index_cast %mul3A_173 : i32 to index
      %get3A_177 = tpu.vector_load %arg8[%get3A_175, %get3A_176] {strides = array<i32>} : memref<8x6256xf32, #tpu.memory_space<vmem>>, vector<16xf32>,
      tpu.vector_store_idx %arg6[%get3A_171], %get3A_177 : memref<25120xf32, #tpu.memory_space<vmem>>[vector<16xi32>], vector<16xf32>,
      %scan3A_178 = arith.constant 6 : i32
      %scan3A_179 = arith.addi %scan3A_96, %scan3A_178 : i32
      %mul3A_180 = arith.constant 16 : i32
      %mul3A_181 = arith.muli %scan3A_179, %mul3A_180 : i32
      %get3A_182 = arith.constant 6 : i32
      %get3A_183 = arith.index_cast %get3A_182 : i32 to index
      %get3A_184 = arith.index_cast %mul3A_181 : i32 to index
      %get3A_185 = tpu.vector_load %arg7[%get3A_183, %get3A_184] {strides = array<i32>} : memref<8x6256xi32, #tpu.memory_space<vmem>>, vector<16xi32>,
      %mul3A_186 = arith.constant 16 : i32
      %mul3A_187 = arith.muli %scan3A_179, %mul3A_186 : i32
      %get3A_188 = arith.constant 6 : i32
      %get3A_189 = arith.index_cast %get3A_188 : i32 to index
      %get3A_190 = arith.index_cast %mul3A_187 : i32 to index
      %get3A_191 = tpu.vector_load %arg8[%get3A_189, %get3A_190] {strides = array<i32>} : memref<8x6256xf32, #tpu.memory_space<vmem>>, vector<16xf32>,
      tpu.vector_store_idx %arg6[%get3A_185], %get3A_191 : memref<25120xf32, #tpu.memory_space<vmem>>[vector<16xi32>], vector<16xf32>,
      %scan3A_192 = arith.constant 7 : i32
      %scan3A_193 = arith.addi %scan3A_96, %scan3A_192 : i32
      %mul3A_194 = arith.constant 16 : i32
      %mul3A_195 = arith.muli %scan3A_193, %mul3A_194 : i32
      %get3A_196 = arith.constant 6 : i32
      %get3A_197 = arith.index_cast %get3A_196 : i32 to index
      %get3A_198 = arith.index_cast %mul3A_195 : i32 to index
      %get3A_199 = tpu.vector_load %arg7[%get3A_197, %get3A_198] {strides = array<i32>} : memref<8x6256xi32, #tpu.memory_space<vmem>>, vector<16xi32>,
      %mul3A_200 = arith.constant 16 : i32
      %mul3A_201 = arith.muli %scan3A_193, %mul3A_200 : i32
      %get3A_202 = arith.constant 6 : i32
      %get3A_203 = arith.index_cast %get3A_202 : i32 to index
      %get3A_204 = arith.index_cast %mul3A_201 : i32 to index
      %get3A_205 = tpu.vector_load %arg8[%get3A_203, %get3A_204] {strides = array<i32>} : memref<8x6256xf32, #tpu.memory_space<vmem>>, vector<16xf32>,
      tpu.vector_store_idx %arg6[%get3A_199], %get3A_205 : memref<25120xf32, #tpu.memory_space<vmem>>[vector<16xi32>], vector<16xf32>,
      %scan3A_206 = arith.constant 8 : i32
      %scan3A_207 = arith.addi %scan3A_96, %scan3A_206 : i32
      %mul3A_208 = arith.constant 16 : i32
      %mul3A_209 = arith.muli %scan3A_207, %mul3A_208 : i32
      %get3A_210 = arith.constant 6 : i32
      %get3A_211 = arith.index_cast %get3A_210 : i32 to index
      %get3A_212 = arith.index_cast %mul3A_209 : i32 to index
      %get3A_213 = tpu.vector_load %arg7[%get3A_211, %get3A_212] {strides = array<i32>} : memref<8x6256xi32, #tpu.memory_space<vmem>>, vector<16xi32>,
      %mul3A_214 = arith.constant 16 : i32
      %mul3A_215 = arith.muli %scan3A_207, %mul3A_214 : i32
      %get3A_216 = arith.constant 6 : i32
      %get3A_217 = arith.index_cast %get3A_216 : i32 to index
      %get3A_218 = arith.index_cast %mul3A_215 : i32 to index
      %get3A_219 = tpu.vector_load %arg8[%get3A_217, %get3A_218] {strides = array<i32>} : memref<8x6256xf32, #tpu.memory_space<vmem>>, vector<16xf32>,
      tpu.vector_store_idx %arg6[%get3A_213], %get3A_219 : memref<25120xf32, #tpu.memory_space<vmem>>[vector<16xi32>], vector<16xf32>,
      %scan3A_220 = arith.constant 9 : i32
      %scan3A_221 = arith.addi %scan3A_96, %scan3A_220 : i32
      %mul3A_222 = arith.constant 16 : i32
      %mul3A_223 = arith.muli %scan3A_221, %mul3A_222 : i32
      %get3A_224 = arith.constant 6 : i32
      %get3A_225 = arith.index_cast %get3A_224 : i32 to index
      %get3A_226 = arith.index_cast %mul3A_223 : i32 to index
      %get3A_227 = tpu.vector_load %arg7[%get3A_225, %get3A_226] {strides = array<i32>} : memref<8x6256xi32, #tpu.memory_space<vmem>>, vector<16xi32>,
      %mul3A_228 = arith.constant 16 : i32
      %mul3A_229 = arith.muli %scan3A_221, %mul3A_228 : i32
      %get3A_230 = arith.constant 6 : i32
      %get3A_231 = arith.index_cast %get3A_230 : i32 to index
      %get3A_232 = arith.index_cast %mul3A_229 : i32 to index
      %get3A_233 = tpu.vector_load %arg8[%get3A_231, %get3A_232] {strides = array<i32>} : memref<8x6256xf32, #tpu.memory_space<vmem>>, vector<16xf32>,
      tpu.vector_store_idx %arg6[%get3A_227], %get3A_233 : memref<25120xf32, #tpu.memory_space<vmem>>[vector<16xi32>], vector<16xf32>,
      %scan3A_234 = arith.constant 10 : i32
      %scan3A_235 = arith.addi %scan3A_96, %scan3A_234 : i32
      %mul3A_236 = arith.constant 16 : i32
      %mul3A_237 = arith.muli %scan3A_235, %mul3A_236 : i32
      %get3A_238 = arith.constant 6 : i32
      %get3A_239 = arith.index_cast %get3A_238 : i32 to index
      %get3A_240 = arith.index_cast %mul3A_237 : i32 to index
      %get3A_241 = tpu.vector_load %arg7[%get3A_239, %get3A_240] {strides = array<i32>} : memref<8x6256xi32, #tpu.memory_space<vmem>>, vector<16xi32>,
      %mul3A_242 = arith.constant 16 : i32
      %mul3A_243 = arith.muli %scan3A_235, %mul3A_242 : i32
      %get3A_244 = arith.constant 6 : i32
      %get3A_245 = arith.index_cast %get3A_244 : i32 to index
      %get3A_246 = arith.index_cast %mul3A_243 : i32 to index
      %get3A_247 = tpu.vector_load %arg8[%get3A_245, %get3A_246] {strides = array<i32>} : memref<8x6256xf32, #tpu.memory_space<vmem>>, vector<16xf32>,
      tpu.vector_store_idx %arg6[%get3A_241], %get3A_247 : memref<25120xf32, #tpu.memory_space<vmem>>[vector<16xi32>], vector<16xf32>,
      %scan3A_248 = arith.constant 11 : i32
      %scan3A_249 = arith.addi %scan3A_96, %scan3A_248 : i32
      %mul3A_250 = arith.constant 16 : i32
      %mul3A_251 = arith.muli %scan3A_249, %mul3A_250 : i32
      %get3A_252 = arith.constant 6 : i32
      %get3A_253 = arith.index_cast %get3A_252 : i32 to index
      %get3A_254 = arith.index_cast %mul3A_251 : i32 to index
      %get3A_255 = tpu.vector_load %arg7[%get3A_253, %get3A_254] {strides = array<i32>} : memref<8x6256xi32, #tpu.memory_space<vmem>>, vector<16xi32>,
      %mul3A_256 = arith.constant 16 : i32
      %mul3A_257 = arith.muli %scan3A_249, %mul3A_256 : i32
      %get3A_258 = arith.constant 6 : i32
      %get3A_259 = arith.index_cast %get3A_258 : i32 to index
      %get3A_260 = arith.index_cast %mul3A_257 : i32 to index
      %get3A_261 = tpu.vector_load %arg8[%get3A_259, %get3A_260] {strides = array<i32>} : memref<8x6256xf32, #tpu.memory_space<vmem>>, vector<16xf32>,
      tpu.vector_store_idx %arg6[%get3A_255], %get3A_261 : memref<25120xf32, #tpu.memory_space<vmem>>[vector<16xi32>], vector<16xf32>,
      %scan3A_262 = arith.constant 12 : i32
      %scan3A_263 = arith.addi %scan3A_96, %scan3A_262 : i32
      %mul3A_264 = arith.constant 16 : i32
      %mul3A_265 = arith.muli %scan3A_263, %mul3A_264 : i32
      %get3A_266 = arith.constant 6 : i32
      %get3A_267 = arith.index_cast %get3A_266 : i32 to index
      %get3A_268 = arith.index_cast %mul3A_265 : i32 to index
      %get3A_269 = tpu.vector_load %arg7[%get3A_267, %get3A_268] {strides = array<i32>} : memref<8x6256xi32, #tpu.memory_space<vmem>>, vector<16xi32>,
      %mul3A_270 = arith.constant 16 : i32
      %mul3A_271 = arith.muli %scan3A_263, %mul3A_270 : i32
      %get3A_272 = arith.constant 6 : i32
      %get3A_273 = arith.index_cast %get3A_272 : i32 to index
      %get3A_274 = arith.index_cast %mul3A_271 : i32 to index
      %get3A_275 = tpu.vector_load %arg8[%get3A_273, %get3A_274] {strides = array<i32>} : memref<8x6256xf32, #tpu.memory_space<vmem>>, vector<16xf32>,
      tpu.vector_store_idx %arg6[%get3A_269], %get3A_275 : memref<25120xf32, #tpu.memory_space<vmem>>[vector<16xi32>], vector<16xf32>,
      %scan3A_276 = arith.constant 13 : i32
      %scan3A_277 = arith.addi %scan3A_96, %scan3A_276 : i32
      %mul3A_278 = arith.constant 16 : i32
      %mul3A_279 = arith.muli %scan3A_277, %mul3A_278 : i32
      %get3A_280 = arith.constant 6 : i32
      %get3A_281 = arith.index_cast %get3A_280 : i32 to index
      %get3A_282 = arith.index_cast %mul3A_279 : i32 to index
      %get3A_283 = tpu.vector_load %arg7[%get3A_281, %get3A_282] {strides = array<i32>} : memref<8x6256xi32, #tpu.memory_space<vmem>>, vector<16xi32>,
      %mul3A_284 = arith.constant 16 : i32
      %mul3A_285 = arith.muli %scan3A_277, %mul3A_284 : i32
      %get3A_286 = arith.constant 6 : i32
      %get3A_287 = arith.index_cast %get3A_286 : i32 to index
      %get3A_288 = arith.index_cast %mul3A_285 : i32 to index
      %get3A_289 = tpu.vector_load %arg8[%get3A_287, %get3A_288] {strides = array<i32>} : memref<8x6256xf32, #tpu.memory_space<vmem>>, vector<16xf32>,
      tpu.vector_store_idx %arg6[%get3A_283], %get3A_289 : memref<25120xf32, #tpu.memory_space<vmem>>[vector<16xi32>], vector<16xf32>,
      %scan3A_290 = arith.constant 14 : i32
      %scan3A_291 = arith.addi %scan3A_96, %scan3A_290 : i32
      %mul3A_292 = arith.constant 16 : i32
      %mul3A_293 = arith.muli %scan3A_291, %mul3A_292 : i32
      %get3A_294 = arith.constant 6 : i32
      %get3A_295 = arith.index_cast %get3A_294 : i32 to index
      %get3A_296 = arith.index_cast %mul3A_293 : i32 to index
      %get3A_297 = tpu.vector_load %arg7[%get3A_295, %get3A_296] {strides = array<i32>} : memref<8x6256xi32, #tpu.memory_space<vmem>>, vector<16xi32>,
      %mul3A_298 = arith.constant 16 : i32
      %mul3A_299 = arith.muli %scan3A_291, %mul3A_298 : i32
      %get3A_300 = arith.constant 6 : i32
      %get3A_301 = arith.index_cast %get3A_300 : i32 to index
      %get3A_302 = arith.index_cast %mul3A_299 : i32 to index
      %get3A_303 = tpu.vector_load %arg8[%get3A_301, %get3A_302] {strides = array<i32>} : memref<8x6256xf32, #tpu.memory_space<vmem>>, vector<16xf32>,
      tpu.vector_store_idx %arg6[%get3A_297], %get3A_303 : memref<25120xf32, #tpu.memory_space<vmem>>[vector<16xi32>], vector<16xf32>,
      %scan3A_304 = arith.constant 15 : i32
      %scan3A_305 = arith.addi %scan3A_96, %scan3A_304 : i32
      %mul3A_306 = arith.constant 16 : i32
      %mul3A_307 = arith.muli %scan3A_305, %mul3A_306 : i32
      %get3A_308 = arith.constant 6 : i32
      %get3A_309 = arith.index_cast %get3A_308 : i32 to index
      %get3A_310 = arith.index_cast %mul3A_307 : i32 to index
      %get3A_311 = tpu.vector_load %arg7[%get3A_309, %get3A_310] {strides = array<i32>} : memref<8x6256xi32, #tpu.memory_space<vmem>>, vector<16xi32>,
      %mul3A_312 = arith.constant 16 : i32
      %mul3A_313 = arith.muli %scan3A_305, %mul3A_312 : i32
      %get3A_314 = arith.constant 6 : i32
      %get3A_315 = arith.index_cast %get3A_314 : i32 to index
      %get3A_316 = arith.index_cast %mul3A_313 : i32 to index
      %get3A_317 = tpu.vector_load %arg8[%get3A_315, %get3A_316] {strides = array<i32>} : memref<8x6256xf32, #tpu.memory_space<vmem>>, vector<16xf32>,
      tpu.vector_store_idx %arg6[%get3A_311], %get3A_317 : memref<25120xf32, #tpu.memory_space<vmem>>[vector<16xi32>], vector<16xf32>,
      %scan3A_318 = arith.constant 16 : i32
      %scan3A_319 = arith.addi %scan3A_96, %scan3A_318 : i32
      %mul3A_320 = arith.constant 16 : i32
      %mul3A_321 = arith.muli %scan3A_319, %mul3A_320 : i32
      %get3A_322 = arith.constant 6 : i32
      %get3A_323 = arith.index_cast %get3A_322 : i32 to index
      %get3A_324 = arith.index_cast %mul3A_321 : i32 to index
      %get3A_325 = tpu.vector_load %arg7[%get3A_323, %get3A_324] {strides = array<i32>} : memref<8x6256xi32, #tpu.memory_space<vmem>>, vector<16xi32>,
      %mul3A_326 = arith.constant 16 : i32
      %mul3A_327 = arith.muli %scan3A_319, %mul3A_326 : i32
      %get3A_328 = arith.constant 6 : i32
      %get3A_329 = arith.index_cast %get3A_328 : i32 to index
      %get3A_330 = arith.index_cast %mul3A_327 : i32 to index
      %get3A_331 = tpu.vector_load %arg8[%get3A_329, %get3A_330] {strides = array<i32>} : memref<8x6256xf32, #tpu.memory_space<vmem>>, vector<16xf32>,
      tpu.vector_store_idx %arg6[%get3A_325], %get3A_331 : memref<25120xf32, #tpu.memory_space<vmem>>[vector<16xi32>], vector<16xf32>,
    }
    %scan3A_87 = arith.constant 391 : i32
    %scan3A_88 = arith.constant 0 : i32
    %scan3A_89 = arith.constant 0 : i32
    %scan3A_90 = arith.constant 391 : i32
    %scan3A_91 = arith.addi %scan3A_89, %scan3A_90 : i32
    %scan3A_92 = arith.constant 17 : i32
    scf.for %scan3A_96 = %scan3A_89 to %scan3A_91 step %scan3A_92  : i32 {
      %mul3A_97 = arith.constant 16 : i32
      %mul3A_98 = arith.muli %scan3A_96, %mul3A_97 : i32
      %get3A = arith.constant 7 : i32
      %get3A_99 = arith.index_cast %get3A : i32 to index
      %get3A_100 = arith.index_cast %mul3A_98 : i32 to index
      %get3A_101 = tpu.vector_load %arg7[%get3A_99, %get3A_100] {strides = array<i32>} : memref<8x6256xi32, #tpu.memory_space<vmem>>, vector<16xi32>,
      %mul3A_102 = arith.constant 16 : i32
      %mul3A_103 = arith.muli %scan3A_96, %mul3A_102 : i32
      %get3A_104 = arith.constant 7 : i32
      %get3A_105 = arith.index_cast %get3A_104 : i32 to index
      %get3A_106 = arith.index_cast %mul3A_103 : i32 to index
      %get3A_107 = tpu.vector_load %arg8[%get3A_105, %get3A_106] {strides = array<i32>} : memref<8x6256xf32, #tpu.memory_space<vmem>>, vector<16xf32>,
      tpu.vector_store_idx %arg6[%get3A_101], %get3A_107 : memref<25120xf32, #tpu.memory_space<vmem>>[vector<16xi32>], vector<16xf32>,
      %scan3A_108 = arith.constant 1 : i32
      %scan3A_109 = arith.addi %scan3A_96, %scan3A_108 : i32
      %mul3A_110 = arith.constant 16 : i32
      %mul3A_111 = arith.muli %scan3A_109, %mul3A_110 : i32
      %get3A_112 = arith.constant 7 : i32
      %get3A_113 = arith.index_cast %get3A_112 : i32 to index
      %get3A_114 = arith.index_cast %mul3A_111 : i32 to index
      %get3A_115 = tpu.vector_load %arg7[%get3A_113, %get3A_114] {strides = array<i32>} : memref<8x6256xi32, #tpu.memory_space<vmem>>, vector<16xi32>,
      %mul3A_116 = arith.constant 16 : i32
      %mul3A_117 = arith.muli %scan3A_109, %mul3A_116 : i32
      %get3A_118 = arith.constant 7 : i32
      %get3A_119 = arith.index_cast %get3A_118 : i32 to index
      %get3A_120 = arith.index_cast %mul3A_117 : i32 to index
      %get3A_121 = tpu.vector_load %arg8[%get3A_119, %get3A_120] {strides = array<i32>} : memref<8x6256xf32, #tpu.memory_space<vmem>>, vector<16xf32>,
      tpu.vector_store_idx %arg6[%get3A_115], %get3A_121 : memref<25120xf32, #tpu.memory_space<vmem>>[vector<16xi32>], vector<16xf32>,
      %scan3A_122 = arith.constant 2 : i32
      %scan3A_123 = arith.addi %scan3A_96, %scan3A_122 : i32
      %mul3A_124 = arith.constant 16 : i32
      %mul3A_125 = arith.muli %scan3A_123, %mul3A_124 : i32
      %get3A_126 = arith.constant 7 : i32
      %get3A_127 = arith.index_cast %get3A_126 : i32 to index
      %get3A_128 = arith.index_cast %mul3A_125 : i32 to index
      %get3A_129 = tpu.vector_load %arg7[%get3A_127, %get3A_128] {strides = array<i32>} : memref<8x6256xi32, #tpu.memory_space<vmem>>, vector<16xi32>,
      %mul3A_130 = arith.constant 16 : i32
      %mul3A_131 = arith.muli %scan3A_123, %mul3A_130 : i32
      %get3A_132 = arith.constant 7 : i32
      %get3A_133 = arith.index_cast %get3A_132 : i32 to index
      %get3A_134 = arith.index_cast %mul3A_131 : i32 to index
      %get3A_135 = tpu.vector_load %arg8[%get3A_133, %get3A_134] {strides = array<i32>} : memref<8x6256xf32, #tpu.memory_space<vmem>>, vector<16xf32>,
      tpu.vector_store_idx %arg6[%get3A_129], %get3A_135 : memref<25120xf32, #tpu.memory_space<vmem>>[vector<16xi32>], vector<16xf32>,
      %scan3A_136 = arith.constant 3 : i32
      %scan3A_137 = arith.addi %scan3A_96, %scan3A_136 : i32
      %mul3A_138 = arith.constant 16 : i32
      %mul3A_139 = arith.muli %scan3A_137, %mul3A_138 : i32
      %get3A_140 = arith.constant 7 : i32
      %get3A_141 = arith.index_cast %get3A_140 : i32 to index
      %get3A_142 = arith.index_cast %mul3A_139 : i32 to index
      %get3A_143 = tpu.vector_load %arg7[%get3A_141, %get3A_142] {strides = array<i32>} : memref<8x6256xi32, #tpu.memory_space<vmem>>, vector<16xi32>,
      %mul3A_144 = arith.constant 16 : i32
      %mul3A_145 = arith.muli %scan3A_137, %mul3A_144 : i32
      %get3A_146 = arith.constant 7 : i32
      %get3A_147 = arith.index_cast %get3A_146 : i32 to index
      %get3A_148 = arith.index_cast %mul3A_145 : i32 to index
      %get3A_149 = tpu.vector_load %arg8[%get3A_147, %get3A_148] {strides = array<i32>} : memref<8x6256xf32, #tpu.memory_space<vmem>>, vector<16xf32>,
      tpu.vector_store_idx %arg6[%get3A_143], %get3A_149 : memref<25120xf32, #tpu.memory_space<vmem>>[vector<16xi32>], vector<16xf32>,
      %scan3A_150 = arith.constant 4 : i32
      %scan3A_151 = arith.addi %scan3A_96, %scan3A_150 : i32
      %mul3A_152 = arith.constant 16 : i32
      %mul3A_153 = arith.muli %scan3A_151, %mul3A_152 : i32
      %get3A_154 = arith.constant 7 : i32
      %get3A_155 = arith.index_cast %get3A_154 : i32 to index
      %get3A_156 = arith.index_cast %mul3A_153 : i32 to index
      %get3A_157 = tpu.vector_load %arg7[%get3A_155, %get3A_156] {strides = array<i32>} : memref<8x6256xi32, #tpu.memory_space<vmem>>, vector<16xi32>,
      %mul3A_158 = arith.constant 16 : i32
      %mul3A_159 = arith.muli %scan3A_151, %mul3A_158 : i32
      %get3A_160 = arith.constant 7 : i32
      %get3A_161 = arith.index_cast %get3A_160 : i32 to index
      %get3A_162 = arith.index_cast %mul3A_159 : i32 to index
      %get3A_163 = tpu.vector_load %arg8[%get3A_161, %get3A_162] {strides = array<i32>} : memref<8x6256xf32, #tpu.memory_space<vmem>>, vector<16xf32>,
      tpu.vector_store_idx %arg6[%get3A_157], %get3A_163 : memref<25120xf32, #tpu.memory_space<vmem>>[vector<16xi32>], vector<16xf32>,
      %scan3A_164 = arith.constant 5 : i32
      %scan3A_165 = arith.addi %scan3A_96, %scan3A_164 : i32
      %mul3A_166 = arith.constant 16 : i32
      %mul3A_167 = arith.muli %scan3A_165, %mul3A_166 : i32
      %get3A_168 = arith.constant 7 : i32
      %get3A_169 = arith.index_cast %get3A_168 : i32 to index
      %get3A_170 = arith.index_cast %mul3A_167 : i32 to index
      %get3A_171 = tpu.vector_load %arg7[%get3A_169, %get3A_170] {strides = array<i32>} : memref<8x6256xi32, #tpu.memory_space<vmem>>, vector<16xi32>,
      %mul3A_172 = arith.constant 16 : i32
      %mul3A_173 = arith.muli %scan3A_165, %mul3A_172 : i32
      %get3A_174 = arith.constant 7 : i32
      %get3A_175 = arith.index_cast %get3A_174 : i32 to index
      %get3A_176 = arith.index_cast %mul3A_173 : i32 to index
      %get3A_177 = tpu.vector_load %arg8[%get3A_175, %get3A_176] {strides = array<i32>} : memref<8x6256xf32, #tpu.memory_space<vmem>>, vector<16xf32>,
      tpu.vector_store_idx %arg6[%get3A_171], %get3A_177 : memref<25120xf32, #tpu.memory_space<vmem>>[vector<16xi32>], vector<16xf32>,
      %scan3A_178 = arith.constant 6 : i32
      %scan3A_179 = arith.addi %scan3A_96, %scan3A_178 : i32
      %mul3A_180 = arith.constant 16 : i32
      %mul3A_181 = arith.muli %scan3A_179, %mul3A_180 : i32
      %get3A_182 = arith.constant 7 : i32
      %get3A_183 = arith.index_cast %get3A_182 : i32 to index
      %get3A_184 = arith.index_cast %mul3A_181 : i32 to index
      %get3A_185 = tpu.vector_load %arg7[%get3A_183, %get3A_184] {strides = array<i32>} : memref<8x6256xi32, #tpu.memory_space<vmem>>, vector<16xi32>,
      %mul3A_186 = arith.constant 16 : i32
      %mul3A_187 = arith.muli %scan3A_179, %mul3A_186 : i32
      %get3A_188 = arith.constant 7 : i32
      %get3A_189 = arith.index_cast %get3A_188 : i32 to index
      %get3A_190 = arith.index_cast %mul3A_187 : i32 to index
      %get3A_191 = tpu.vector_load %arg8[%get3A_189, %get3A_190] {strides = array<i32>} : memref<8x6256xf32, #tpu.memory_space<vmem>>, vector<16xf32>,
      tpu.vector_store_idx %arg6[%get3A_185], %get3A_191 : memref<25120xf32, #tpu.memory_space<vmem>>[vector<16xi32>], vector<16xf32>,
      %scan3A_192 = arith.constant 7 : i32
      %scan3A_193 = arith.addi %scan3A_96, %scan3A_192 : i32
      %mul3A_194 = arith.constant 16 : i32
      %mul3A_195 = arith.muli %scan3A_193, %mul3A_194 : i32
      %get3A_196 = arith.constant 7 : i32
      %get3A_197 = arith.index_cast %get3A_196 : i32 to index
      %get3A_198 = arith.index_cast %mul3A_195 : i32 to index
      %get3A_199 = tpu.vector_load %arg7[%get3A_197, %get3A_198] {strides = array<i32>} : memref<8x6256xi32, #tpu.memory_space<vmem>>, vector<16xi32>,
      %mul3A_200 = arith.constant 16 : i32
      %mul3A_201 = arith.muli %scan3A_193, %mul3A_200 : i32
      %get3A_202 = arith.constant 7 : i32
      %get3A_203 = arith.index_cast %get3A_202 : i32 to index
      %get3A_204 = arith.index_cast %mul3A_201 : i32 to index
      %get3A_205 = tpu.vector_load %arg8[%get3A_203, %get3A_204] {strides = array<i32>} : memref<8x6256xf32, #tpu.memory_space<vmem>>, vector<16xf32>,
      tpu.vector_store_idx %arg6[%get3A_199], %get3A_205 : memref<25120xf32, #tpu.memory_space<vmem>>[vector<16xi32>], vector<16xf32>,
      %scan3A_206 = arith.constant 8 : i32
      %scan3A_207 = arith.addi %scan3A_96, %scan3A_206 : i32
      %mul3A_208 = arith.constant 16 : i32
      %mul3A_209 = arith.muli %scan3A_207, %mul3A_208 : i32
      %get3A_210 = arith.constant 7 : i32
      %get3A_211 = arith.index_cast %get3A_210 : i32 to index
      %get3A_212 = arith.index_cast %mul3A_209 : i32 to index
      %get3A_213 = tpu.vector_load %arg7[%get3A_211, %get3A_212] {strides = array<i32>} : memref<8x6256xi32, #tpu.memory_space<vmem>>, vector<16xi32>,
      %mul3A_214 = arith.constant 16 : i32
      %mul3A_215 = arith.muli %scan3A_207, %mul3A_214 : i32
      %get3A_216 = arith.constant 7 : i32
      %get3A_217 = arith.index_cast %get3A_216 : i32 to index
      %get3A_218 = arith.index_cast %mul3A_215 : i32 to index
      %get3A_219 = tpu.vector_load %arg8[%get3A_217, %get3A_218] {strides = array<i32>} : memref<8x6256xf32, #tpu.memory_space<vmem>>, vector<16xf32>,
      tpu.vector_store_idx %arg6[%get3A_213], %get3A_219 : memref<25120xf32, #tpu.memory_space<vmem>>[vector<16xi32>], vector<16xf32>,
      %scan3A_220 = arith.constant 9 : i32
      %scan3A_221 = arith.addi %scan3A_96, %scan3A_220 : i32
      %mul3A_222 = arith.constant 16 : i32
      %mul3A_223 = arith.muli %scan3A_221, %mul3A_222 : i32
      %get3A_224 = arith.constant 7 : i32
      %get3A_225 = arith.index_cast %get3A_224 : i32 to index
      %get3A_226 = arith.index_cast %mul3A_223 : i32 to index
      %get3A_227 = tpu.vector_load %arg7[%get3A_225, %get3A_226] {strides = array<i32>} : memref<8x6256xi32, #tpu.memory_space<vmem>>, vector<16xi32>,
      %mul3A_228 = arith.constant 16 : i32
      %mul3A_229 = arith.muli %scan3A_221, %mul3A_228 : i32
      %get3A_230 = arith.constant 7 : i32
      %get3A_231 = arith.index_cast %get3A_230 : i32 to index
      %get3A_232 = arith.index_cast %mul3A_229 : i32 to index
      %get3A_233 = tpu.vector_load %arg8[%get3A_231, %get3A_232] {strides = array<i32>} : memref<8x6256xf32, #tpu.memory_space<vmem>>, vector<16xf32>,
      tpu.vector_store_idx %arg6[%get3A_227], %get3A_233 : memref<25120xf32, #tpu.memory_space<vmem>>[vector<16xi32>], vector<16xf32>,
      %scan3A_234 = arith.constant 10 : i32
      %scan3A_235 = arith.addi %scan3A_96, %scan3A_234 : i32
      %mul3A_236 = arith.constant 16 : i32
      %mul3A_237 = arith.muli %scan3A_235, %mul3A_236 : i32
      %get3A_238 = arith.constant 7 : i32
      %get3A_239 = arith.index_cast %get3A_238 : i32 to index
      %get3A_240 = arith.index_cast %mul3A_237 : i32 to index
      %get3A_241 = tpu.vector_load %arg7[%get3A_239, %get3A_240] {strides = array<i32>} : memref<8x6256xi32, #tpu.memory_space<vmem>>, vector<16xi32>,
      %mul3A_242 = arith.constant 16 : i32
      %mul3A_243 = arith.muli %scan3A_235, %mul3A_242 : i32
      %get3A_244 = arith.constant 7 : i32
      %get3A_245 = arith.index_cast %get3A_244 : i32 to index
      %get3A_246 = arith.index_cast %mul3A_243 : i32 to index
      %get3A_247 = tpu.vector_load %arg8[%get3A_245, %get3A_246] {strides = array<i32>} : memref<8x6256xf32, #tpu.memory_space<vmem>>, vector<16xf32>,
      tpu.vector_store_idx %arg6[%get3A_241], %get3A_247 : memref<25120xf32, #tpu.memory_space<vmem>>[vector<16xi32>], vector<16xf32>,
      %scan3A_248 = arith.constant 11 : i32
      %scan3A_249 = arith.addi %scan3A_96, %scan3A_248 : i32
      %mul3A_250 = arith.constant 16 : i32
      %mul3A_251 = arith.muli %scan3A_249, %mul3A_250 : i32
      %get3A_252 = arith.constant 7 : i32
      %get3A_253 = arith.index_cast %get3A_252 : i32 to index
      %get3A_254 = arith.index_cast %mul3A_251 : i32 to index
      %get3A_255 = tpu.vector_load %arg7[%get3A_253, %get3A_254] {strides = array<i32>} : memref<8x6256xi32, #tpu.memory_space<vmem>>, vector<16xi32>,
      %mul3A_256 = arith.constant 16 : i32
      %mul3A_257 = arith.muli %scan3A_249, %mul3A_256 : i32
      %get3A_258 = arith.constant 7 : i32
      %get3A_259 = arith.index_cast %get3A_258 : i32 to index
      %get3A_260 = arith.index_cast %mul3A_257 : i32 to index
      %get3A_261 = tpu.vector_load %arg8[%get3A_259, %get3A_260] {strides = array<i32>} : memref<8x6256xf32, #tpu.memory_space<vmem>>, vector<16xf32>,
      tpu.vector_store_idx %arg6[%get3A_255], %get3A_261 : memref<25120xf32, #tpu.memory_space<vmem>>[vector<16xi32>], vector<16xf32>,
      %scan3A_262 = arith.constant 12 : i32
      %scan3A_263 = arith.addi %scan3A_96, %scan3A_262 : i32
      %mul3A_264 = arith.constant 16 : i32
      %mul3A_265 = arith.muli %scan3A_263, %mul3A_264 : i32
      %get3A_266 = arith.constant 7 : i32
      %get3A_267 = arith.index_cast %get3A_266 : i32 to index
      %get3A_268 = arith.index_cast %mul3A_265 : i32 to index
      %get3A_269 = tpu.vector_load %arg7[%get3A_267, %get3A_268] {strides = array<i32>} : memref<8x6256xi32, #tpu.memory_space<vmem>>, vector<16xi32>,
      %mul3A_270 = arith.constant 16 : i32
      %mul3A_271 = arith.muli %scan3A_263, %mul3A_270 : i32
      %get3A_272 = arith.constant 7 : i32
      %get3A_273 = arith.index_cast %get3A_272 : i32 to index
      %get3A_274 = arith.index_cast %mul3A_271 : i32 to index
      %get3A_275 = tpu.vector_load %arg8[%get3A_273, %get3A_274] {strides = array<i32>} : memref<8x6256xf32, #tpu.memory_space<vmem>>, vector<16xf32>,
      tpu.vector_store_idx %arg6[%get3A_269], %get3A_275 : memref<25120xf32, #tpu.memory_space<vmem>>[vector<16xi32>], vector<16xf32>,
      %scan3A_276 = arith.constant 13 : i32
      %scan3A_277 = arith.addi %scan3A_96, %scan3A_276 : i32
      %mul3A_278 = arith.constant 16 : i32
      %mul3A_279 = arith.muli %scan3A_277, %mul3A_278 : i32
      %get3A_280 = arith.constant 7 : i32
      %get3A_281 = arith.index_cast %get3A_280 : i32 to index
      %get3A_282 = arith.index_cast %mul3A_279 : i32 to index
      %get3A_283 = tpu.vector_load %arg7[%get3A_281, %get3A_282] {strides = array<i32>} : memref<8x6256xi32, #tpu.memory_space<vmem>>, vector<16xi32>,
      %mul3A_284 = arith.constant 16 : i32
      %mul3A_285 = arith.muli %scan3A_277, %mul3A_284 : i32
      %get3A_286 = arith.constant 7 : i32
      %get3A_287 = arith.index_cast %get3A_286 : i32 to index
      %get3A_288 = arith.index_cast %mul3A_285 : i32 to index
      %get3A_289 = tpu.vector_load %arg8[%get3A_287, %get3A_288] {strides = array<i32>} : memref<8x6256xf32, #tpu.memory_space<vmem>>, vector<16xf32>,
      tpu.vector_store_idx %arg6[%get3A_283], %get3A_289 : memref<25120xf32, #tpu.memory_space<vmem>>[vector<16xi32>], vector<16xf32>,
      %scan3A_290 = arith.constant 14 : i32
      %scan3A_291 = arith.addi %scan3A_96, %scan3A_290 : i32
      %mul3A_292 = arith.constant 16 : i32
      %mul3A_293 = arith.muli %scan3A_291, %mul3A_292 : i32
      %get3A_294 = arith.constant 7 : i32
      %get3A_295 = arith.index_cast %get3A_294 : i32 to index
      %get3A_296 = arith.index_cast %mul3A_293 : i32 to index
      %get3A_297 = tpu.vector_load %arg7[%get3A_295, %get3A_296] {strides = array<i32>} : memref<8x6256xi32, #tpu.memory_space<vmem>>, vector<16xi32>,
      %mul3A_298 = arith.constant 16 : i32
      %mul3A_299 = arith.muli %scan3A_291, %mul3A_298 : i32
      %get3A_300 = arith.constant 7 : i32
      %get3A_301 = arith.index_cast %get3A_300 : i32 to index
      %get3A_302 = arith.index_cast %mul3A_299 : i32 to index
      %get3A_303 = tpu.vector_load %arg8[%get3A_301, %get3A_302] {strides = array<i32>} : memref<8x6256xf32, #tpu.memory_space<vmem>>, vector<16xf32>,
      tpu.vector_store_idx %arg6[%get3A_297], %get3A_303 : memref<25120xf32, #tpu.memory_space<vmem>>[vector<16xi32>], vector<16xf32>,
      %scan3A_304 = arith.constant 15 : i32
      %scan3A_305 = arith.addi %scan3A_96, %scan3A_304 : i32
      %mul3A_306 = arith.constant 16 : i32
      %mul3A_307 = arith.muli %scan3A_305, %mul3A_306 : i32
      %get3A_308 = arith.constant 7 : i32
      %get3A_309 = arith.index_cast %get3A_308 : i32 to index
      %get3A_310 = arith.index_cast %mul3A_307 : i32 to index
      %get3A_311 = tpu.vector_load %arg7[%get3A_309, %get3A_310] {strides = array<i32>} : memref<8x6256xi32, #tpu.memory_space<vmem>>, vector<16xi32>,
      %mul3A_312 = arith.constant 16 : i32
      %mul3A_313 = arith.muli %scan3A_305, %mul3A_312 : i32
      %get3A_314 = arith.constant 7 : i32
      %get3A_315 = arith.index_cast %get3A_314 : i32 to index
      %get3A_316 = arith.index_cast %mul3A_313 : i32 to index
      %get3A_317 = tpu.vector_load %arg8[%get3A_315, %get3A_316] {strides = array<i32>} : memref<8x6256xf32, #tpu.memory_space<vmem>>, vector<16xf32>,
      tpu.vector_store_idx %arg6[%get3A_311], %get3A_317 : memref<25120xf32, #tpu.memory_space<vmem>>[vector<16xi32>], vector<16xf32>,
      %scan3A_318 = arith.constant 16 : i32
      %scan3A_319 = arith.addi %scan3A_96, %scan3A_318 : i32
      %mul3A_320 = arith.constant 16 : i32
      %mul3A_321 = arith.muli %scan3A_319, %mul3A_320 : i32
      %get3A_322 = arith.constant 7 : i32
      %get3A_323 = arith.index_cast %get3A_322 : i32 to index
      %get3A_324 = arith.index_cast %mul3A_321 : i32 to index
      %get3A_325 = tpu.vector_load %arg7[%get3A_323, %get3A_324] {strides = array<i32>} : memref<8x6256xi32, #tpu.memory_space<vmem>>, vector<16xi32>,
      %mul3A_326 = arith.constant 16 : i32
      %mul3A_327 = arith.muli %scan3A_319, %mul3A_326 : i32
      %get3A_328 = arith.constant 7 : i32
      %get3A_329 = arith.index_cast %get3A_328 : i32 to index
      %get3A_330 = arith.index_cast %mul3A_327 : i32 to index
      %get3A_331 = tpu.vector_load %arg8[%get3A_329, %get3A_330] {strides = array<i32>} : memref<8x6256xf32, #tpu.memory_space<vmem>>, vector<16xf32>,
      tpu.vector_store_idx %arg6[%get3A_325], %get3A_331 : memref<25120xf32, #tpu.memory_space<vmem>>[vector<16xi32>], vector<16xf32>,
    }
    %scan3A_93 = arith.constant 391 : i32
    %mul3A_94 = arith.constant 50176 : i32
    %mul3A_95 = arith.muli %arg1, %mul3A_94 : i32
    %add3A = arith.addi %mul3A_95, %mul3A_0 : i32
    %multiple_of3A = tpu.assume_multiple %add3A, 8 : i32
    "tpu.region"() ({
      %run_scoped3A = tpu.sem_alloc : memref<!tpu.dma_semaphore, #tpu.memory_space<semaphore_mem>>
      %dma_start3A_96 = arith.constant 0 : i32
      %dma_start3A_97 = tpu.memref_slice %arg6[%dma_start3A_96] : memref<25120xf32, #tpu.memory_space<vmem>> -> memref<25088xf32, #tpu.memory_space<vmem>>
      %dma_start3A_98 = tpu.memref_slice %arg5[%multiple_of3A] : memref<802816xf32, #tpu.memory_space<hbm>> -> memref<25088xf32, #tpu.memory_space<hbm>>
      %dma_start3A_99 = tpu.memref_slice %arg5[%multiple_of3A] : memref<802816xf32, #tpu.memory_space<hbm>> -> memref<25088xf32, #tpu.memory_space<hbm>>
      %dma_start3A_100 = arith.constant 0 : i32
      %dma_start3A_101 = tpu.memref_slice %arg6[%dma_start3A_100] : memref<25120xf32, #tpu.memory_space<vmem>> -> memref<25088xf32, #tpu.memory_space<vmem>>
      tpu.enqueue_dma source(%dma_start3A_101 : memref<25088xf32, #tpu.memory_space<vmem>>) target(%dma_start3A_99 : memref<25088xf32, #tpu.memory_space<hbm>>) target_semaphore(%run_scoped3A : memref<!tpu.dma_semaphore, #tpu.memory_space<semaphore_mem>>)
      %dma_wait3A_102 = arith.constant 0 : i32
      %dma_wait3A_103 = tpu.memref_slice %arg6[%dma_wait3A_102] : memref<25120xf32, #tpu.memory_space<vmem>> -> memref<25088xf32, #tpu.memory_space<vmem>>
      %dma_wait3A_104 = tpu.memref_slice %arg5[%multiple_of3A] : memref<802816xf32, #tpu.memory_space<hbm>> -> memref<25088xf32, #tpu.memory_space<hbm>>
      %dma_wait3A_105 = tpu.memref_slice %arg5[%multiple_of3A] : memref<802816xf32, #tpu.memory_space<hbm>> -> memref<25088xf32, #tpu.memory_space<hbm>>
      %dma_wait3A_106 = arith.constant 0 : i32
      %dma_wait3A_107 = tpu.memref_slice %arg6[%dma_wait3A_106] : memref<25120xf32, #tpu.memory_space<vmem>> -> memref<25088xf32, #tpu.memory_space<vmem>>
      tpu.wait_dma2 semaphore(%run_scoped3A : memref<!tpu.dma_semaphore, #tpu.memory_space<semaphore_mem>>) src(%dma_wait3A_107 : memref<25088xf32, #tpu.memory_space<vmem>>) dst(%dma_wait3A_105 : memref<25088xf32, #tpu.memory_space<hbm>>)
      tpu.yield
    }) : () -> ()
    return
  }
}

module attributes {stable_mosaic.version = 14 : i64} {
  func.func @_project_body(%arg0: i32, %arg1: memref<1x3x8x6250xbf16, #tpu.memory_space<vmem>>, %arg2: memref<1x3x3xf32, #tpu.memory_space<smem>>, %arg3: memref<1x1x3xf32, #tpu.memory_space<smem>>, %arg4: memref<1x3x3xf32, #tpu.memory_space<smem>>, %arg5: memref<8x1x6256xi32, #tpu.memory_space<vmem>>, %arg6: memref<8x1x6256xi32, #tpu.memory_space<vmem>>, %arg7: memref<8x1x6256xf32, #tpu.memory_space<vmem>>) attributes {dimension_semantics = [#tpu.dimension_semantics<arbitrary>], iteration_bounds = array<i64: 16>, scalar_prefetch = 0 : i64, scratch_operands = 0 : i64, tpu.core_type = #tpu.core_type<tc>, window_params = [{transform_indices = @transform_0, window_bounds = array<i64: 1, 3, 8, 6250>}, {transform_indices = @transform_1, window_bounds = array<i64: 1, 3, 3>}, {transform_indices = @transform_2, window_bounds = array<i64: 1, 1, 3>}, {transform_indices = @transform_3, window_bounds = array<i64: 1, 3, 3>}, {transform_indices = @transform_4, window_bounds = array<i64: 8, 1, 6256>}, {transform_indices = @transform_5, window_bounds = array<i64: 8, 1, 6256>}, {transform_indices = @transform_6, window_bounds = array<i64: 8, 1, 6256>}]} {
    %get3A = arith.constant 0 : index
    %get3A_0 = arith.constant 0 : index
    %get3A_1 = arith.constant 0 : index
    %get3A_2 = arith.constant 0 : index
    %get3A_3 = vector.load %arg1[%get3A, %get3A_0, %get3A_1, %get3A_2] : memref<1x3x8x6250xbf16, #tpu.memory_space<vmem>>, vector<1x1x8x6250xbf16>
    %get3A_4 = vector.shape_cast %get3A_3 : vector<1x1x8x6250xbf16> to vector<8x6250xbf16>
    %convert_element_type3A = arith.extf %get3A_4 : vector<8x6250xbf16> to vector<8x6250xf32>
    %get3A_5 = arith.constant 0 : index
    %get3A_6 = arith.constant 1 : index
    %get3A_7 = arith.constant 0 : index
    %get3A_8 = arith.constant 0 : index
    %get3A_9 = vector.load %arg1[%get3A_5, %get3A_6, %get3A_7, %get3A_8] : memref<1x3x8x6250xbf16, #tpu.memory_space<vmem>>, vector<1x1x8x6250xbf16>
    %get3A_10 = vector.shape_cast %get3A_9 : vector<1x1x8x6250xbf16> to vector<8x6250xbf16>
    %convert_element_type3A_11 = arith.extf %get3A_10 : vector<8x6250xbf16> to vector<8x6250xf32>
    %get3A_12 = arith.constant 0 : index
    %get3A_13 = arith.constant 2 : index
    %get3A_14 = arith.constant 0 : index
    %get3A_15 = arith.constant 0 : index
    %get3A_16 = vector.load %arg1[%get3A_12, %get3A_13, %get3A_14, %get3A_15] : memref<1x3x8x6250xbf16, #tpu.memory_space<vmem>>, vector<1x1x8x6250xbf16>
    %get3A_17 = vector.shape_cast %get3A_16 : vector<1x1x8x6250xbf16> to vector<8x6250xbf16>
    %convert_element_type3A_18 = arith.extf %get3A_17 : vector<8x6250xbf16> to vector<8x6250xf32>
    %get3A_19 = arith.constant 0 : index
    %get3A_20 = arith.constant 0 : index
    %get3A_21 = arith.constant 0 : index
    %get3A_22 = memref.load %arg2[%get3A_19, %get3A_20, %get3A_21] : memref<1x3x3xf32, #tpu.memory_space<smem>>
    %get3A_23 = arith.constant 0 : index
    %get3A_24 = arith.constant 0 : index
    %get3A_25 = arith.constant 1 : index
    %get3A_26 = memref.load %arg2[%get3A_23, %get3A_24, %get3A_25] : memref<1x3x3xf32, #tpu.memory_space<smem>>
    %get3A_27 = arith.constant 0 : index
    %get3A_28 = arith.constant 0 : index
    %get3A_29 = arith.constant 2 : index
    %get3A_30 = memref.load %arg2[%get3A_27, %get3A_28, %get3A_29] : memref<1x3x3xf32, #tpu.memory_space<smem>>
    %get3A_31 = arith.constant 0 : index
    %get3A_32 = arith.constant 1 : index
    %get3A_33 = arith.constant 0 : index
    %get3A_34 = memref.load %arg2[%get3A_31, %get3A_32, %get3A_33] : memref<1x3x3xf32, #tpu.memory_space<smem>>
    %get3A_35 = arith.constant 0 : index
    %get3A_36 = arith.constant 1 : index
    %get3A_37 = arith.constant 1 : index
    %get3A_38 = memref.load %arg2[%get3A_35, %get3A_36, %get3A_37] : memref<1x3x3xf32, #tpu.memory_space<smem>>
    %get3A_39 = arith.constant 0 : index
    %get3A_40 = arith.constant 1 : index
    %get3A_41 = arith.constant 2 : index
    %get3A_42 = memref.load %arg2[%get3A_39, %get3A_40, %get3A_41] : memref<1x3x3xf32, #tpu.memory_space<smem>>
    %get3A_43 = arith.constant 0 : index
    %get3A_44 = arith.constant 2 : index
    %get3A_45 = arith.constant 0 : index
    %get3A_46 = memref.load %arg2[%get3A_43, %get3A_44, %get3A_45] : memref<1x3x3xf32, #tpu.memory_space<smem>>
    %get3A_47 = arith.constant 0 : index
    %get3A_48 = arith.constant 2 : index
    %get3A_49 = arith.constant 1 : index
    %get3A_50 = memref.load %arg2[%get3A_47, %get3A_48, %get3A_49] : memref<1x3x3xf32, #tpu.memory_space<smem>>
    %get3A_51 = arith.constant 0 : index
    %get3A_52 = arith.constant 2 : index
    %get3A_53 = arith.constant 2 : index
    %get3A_54 = memref.load %arg2[%get3A_51, %get3A_52, %get3A_53] : memref<1x3x3xf32, #tpu.memory_space<smem>>
    %get3A_55 = arith.constant 0 : index
    %get3A_56 = arith.constant 0 : index
    %get3A_57 = arith.constant 0 : index
    %get3A_58 = memref.load %arg3[%get3A_55, %get3A_56, %get3A_57] : memref<1x1x3xf32, #tpu.memory_space<smem>>
    %get3A_59 = arith.constant 0 : index
    %get3A_60 = arith.constant 0 : index
    %get3A_61 = arith.constant 1 : index
    %get3A_62 = memref.load %arg3[%get3A_59, %get3A_60, %get3A_61] : memref<1x1x3xf32, #tpu.memory_space<smem>>
    %get3A_63 = arith.constant 0 : index
    %get3A_64 = arith.constant 0 : index
    %get3A_65 = arith.constant 2 : index
    %get3A_66 = memref.load %arg3[%get3A_63, %get3A_64, %get3A_65] : memref<1x1x3xf32, #tpu.memory_space<smem>>
    %get3A_67 = arith.constant 0 : index
    %get3A_68 = arith.constant 0 : index
    %get3A_69 = arith.constant 0 : index
    %get3A_70 = memref.load %arg4[%get3A_67, %get3A_68, %get3A_69] : memref<1x3x3xf32, #tpu.memory_space<smem>>
    %get3A_71 = arith.constant 0 : index
    %get3A_72 = arith.constant 1 : index
    %get3A_73 = arith.constant 1 : index
    %get3A_74 = memref.load %arg4[%get3A_71, %get3A_72, %get3A_73] : memref<1x3x3xf32, #tpu.memory_space<smem>>
    %get3A_75 = arith.constant 0 : index
    %get3A_76 = arith.constant 0 : index
    %get3A_77 = arith.constant 2 : index
    %get3A_78 = memref.load %arg4[%get3A_75, %get3A_76, %get3A_77] : memref<1x3x3xf32, #tpu.memory_space<smem>>
    %get3A_79 = arith.constant 0 : index
    %get3A_80 = arith.constant 1 : index
    %get3A_81 = arith.constant 2 : index
    %get3A_82 = memref.load %arg4[%get3A_79, %get3A_80, %get3A_81] : memref<1x3x3xf32, #tpu.memory_space<smem>>
    %convert_element_type3A_83 = arith.truncf %get3A_22 : f32 to bf16
    %convert_element_type3A_84 = arith.extf %convert_element_type3A_83 : bf16 to f32
    %mul3A = vector.broadcast %convert_element_type3A_84 : f32 to vector<8x6250xf32>
    %mul3A_85 = arith.mulf %convert_element_type3A, %mul3A : vector<8x6250xf32>
    %convert_element_type3A_86 = arith.truncf %get3A_26 : f32 to bf16
    %convert_element_type3A_87 = arith.extf %convert_element_type3A_86 : bf16 to f32
    %mul3A_88 = vector.broadcast %convert_element_type3A_87 : f32 to vector<8x6250xf32>
    %mul3A_89 = arith.mulf %convert_element_type3A_11, %mul3A_88 : vector<8x6250xf32>
    %add3A = arith.addf %mul3A_85, %mul3A_89 : vector<8x6250xf32>
    %convert_element_type3A_90 = arith.truncf %get3A_30 : f32 to bf16
    %convert_element_type3A_91 = arith.extf %convert_element_type3A_90 : bf16 to f32
    %mul3A_92 = vector.broadcast %convert_element_type3A_91 : f32 to vector<8x6250xf32>
    %mul3A_93 = arith.mulf %convert_element_type3A_18, %mul3A_92 : vector<8x6250xf32>
    %add3A_94 = arith.addf %add3A, %mul3A_93 : vector<8x6250xf32>
    %add3A_95 = vector.broadcast %get3A_58 : f32 to vector<8x6250xf32>
    %add3A_96 = arith.addf %add3A_94, %add3A_95 : vector<8x6250xf32>
    %convert_element_type3A_97 = arith.truncf %get3A_34 : f32 to bf16
    %convert_element_type3A_98 = arith.extf %convert_element_type3A_97 : bf16 to f32
    %mul3A_99 = vector.broadcast %convert_element_type3A_98 : f32 to vector<8x6250xf32>
    %mul3A_100 = arith.mulf %convert_element_type3A, %mul3A_99 : vector<8x6250xf32>
    %convert_element_type3A_101 = arith.truncf %get3A_38 : f32 to bf16
    %convert_element_type3A_102 = arith.extf %convert_element_type3A_101 : bf16 to f32
    %mul3A_103 = vector.broadcast %convert_element_type3A_102 : f32 to vector<8x6250xf32>
    %mul3A_104 = arith.mulf %convert_element_type3A_11, %mul3A_103 : vector<8x6250xf32>
    %add3A_105 = arith.addf %mul3A_100, %mul3A_104 : vector<8x6250xf32>
    %convert_element_type3A_106 = arith.truncf %get3A_42 : f32 to bf16
    %convert_element_type3A_107 = arith.extf %convert_element_type3A_106 : bf16 to f32
    %mul3A_108 = vector.broadcast %convert_element_type3A_107 : f32 to vector<8x6250xf32>
    %mul3A_109 = arith.mulf %convert_element_type3A_18, %mul3A_108 : vector<8x6250xf32>
    %add3A_110 = arith.addf %add3A_105, %mul3A_109 : vector<8x6250xf32>
    %add3A_111 = vector.broadcast %get3A_62 : f32 to vector<8x6250xf32>
    %add3A_112 = arith.addf %add3A_110, %add3A_111 : vector<8x6250xf32>
    %convert_element_type3A_113 = arith.truncf %get3A_46 : f32 to bf16
    %convert_element_type3A_114 = arith.extf %convert_element_type3A_113 : bf16 to f32
    %mul3A_115 = vector.broadcast %convert_element_type3A_114 : f32 to vector<8x6250xf32>
    %mul3A_116 = arith.mulf %convert_element_type3A, %mul3A_115 : vector<8x6250xf32>
    %convert_element_type3A_117 = arith.truncf %get3A_50 : f32 to bf16
    %convert_element_type3A_118 = arith.extf %convert_element_type3A_117 : bf16 to f32
    %mul3A_119 = vector.broadcast %convert_element_type3A_118 : f32 to vector<8x6250xf32>
    %mul3A_120 = arith.mulf %convert_element_type3A_11, %mul3A_119 : vector<8x6250xf32>
    %add3A_121 = arith.addf %mul3A_116, %mul3A_120 : vector<8x6250xf32>
    %convert_element_type3A_122 = arith.truncf %get3A_54 : f32 to bf16
    %convert_element_type3A_123 = arith.extf %convert_element_type3A_122 : bf16 to f32
    %mul3A_124 = vector.broadcast %convert_element_type3A_123 : f32 to vector<8x6250xf32>
    %mul3A_125 = arith.mulf %convert_element_type3A_18, %mul3A_124 : vector<8x6250xf32>
    %add3A_126 = arith.addf %add3A_121, %mul3A_125 : vector<8x6250xf32>
    %add3A_127 = vector.broadcast %get3A_66 : f32 to vector<8x6250xf32>
    %add3A_128 = arith.addf %add3A_126, %add3A_127 : vector<8x6250xf32>
    %add3A_129 = arith.constant 9.99999993E-9 : f32
    %add3A_130 = vector.broadcast %add3A_129 : f32 to vector<8x6250xf32>
    %add3A_131 = arith.addf %add3A_128, %add3A_130 : vector<8x6250xf32>
    %div3A = arith.divf %add3A_96, %add3A_131 : vector<8x6250xf32>
    %mul3A_132 = vector.broadcast %get3A_70 : f32 to vector<8x6250xf32>
    %mul3A_133 = arith.mulf %mul3A_132, %div3A : vector<8x6250xf32>
    %add3A_134 = vector.broadcast %get3A_78 : f32 to vector<8x6250xf32>
    %add3A_135 = arith.addf %mul3A_133, %add3A_134 : vector<8x6250xf32>
    %div3A_136 = arith.divf %add3A_112, %add3A_131 : vector<8x6250xf32>
    %mul3A_137 = vector.broadcast %get3A_74 : f32 to vector<8x6250xf32>
    %mul3A_138 = arith.mulf %mul3A_137, %div3A_136 : vector<8x6250xf32>
    %add3A_139 = vector.broadcast %get3A_82 : f32 to vector<8x6250xf32>
    %add3A_140 = arith.addf %mul3A_138, %add3A_139 : vector<8x6250xf32>
    %convert_element_type3A_141 = arith.fptosi %add3A_135 : vector<8x6250xf32> to vector<8x6250xi32>
    %convert_element_type3A_142 = arith.fptosi %add3A_140 : vector<8x6250xf32> to vector<8x6250xi32>
    %ge3A = arith.constant 0 : i32
    %ge3A_143 = vector.broadcast %ge3A : i32 to vector<8x6250xi32>
    %ge3A_144 = arith.cmpi sge, %convert_element_type3A_141, %ge3A_143 : vector<8x6250xi32>
    %lt3A = arith.constant 224 : i32
    %lt3A_145 = vector.broadcast %lt3A : i32 to vector<8x6250xi32>
    %lt3A_146 = arith.cmpi slt, %convert_element_type3A_141, %lt3A_145 : vector<8x6250xi32>
    %and3A = arith.andi %ge3A_144, %lt3A_146 : vector<8x6250xi1>
    %ge3A_147 = arith.constant 0 : i32
    %ge3A_148 = vector.broadcast %ge3A_147 : i32 to vector<8x6250xi32>
    %ge3A_149 = arith.cmpi sge, %convert_element_type3A_142, %ge3A_148 : vector<8x6250xi32>
    %and3A_150 = arith.andi %and3A, %ge3A_149 : vector<8x6250xi1>
    %lt3A_151 = arith.constant 224 : i32
    %lt3A_152 = vector.broadcast %lt3A_151 : i32 to vector<8x6250xi32>
    %lt3A_153 = arith.cmpi slt, %convert_element_type3A_142, %lt3A_152 : vector<8x6250xi32>
    %and3A_154 = arith.andi %and3A_150, %lt3A_153 : vector<8x6250xi1>
    %mul3A_155 = arith.constant 224 : i32
    %mul3A_156 = vector.broadcast %mul3A_155 : i32 to vector<8x6250xi32>
    %mul3A_157 = arith.muli %convert_element_type3A_142, %mul3A_156 : vector<8x6250xi32>
    %add3A_158 = arith.addi %mul3A_157, %convert_element_type3A_141 : vector<8x6250xi32>
    %jit3A = arith.constant 50176 : i32
    %broadcast_in_dim3A = vector.broadcast %jit3A : i32 to vector<8x6250xi32>
    %select_n3A = arith.select %and3A_154, %add3A_158, %broadcast_in_dim3A : vector<8x6250xi1>, vector<8x6250xi32>
    %min3A = arith.constant 25088 : i32
    %min3A_159 = vector.broadcast %min3A : i32 to vector<8x6250xi32>
    %min3A_160 = arith.minsi %select_n3A, %min3A_159 : vector<8x6250xi32>
    %sub3A = arith.constant 25088 : i32
    %sub3A_161 = vector.broadcast %sub3A : i32 to vector<8x6250xi32>
    %sub3A_162 = arith.subi %select_n3A, %sub3A_161 : vector<8x6250xi32>
    %lt3A_163 = arith.constant 0 : i32
    %lt3A_164 = vector.broadcast %lt3A_163 : i32 to vector<8x6250xi32>
    %lt3A_165 = arith.cmpi slt, %sub3A_162, %lt3A_164 : vector<8x6250xi32>
    %min3A_166 = arith.constant 25088 : i32
    %min3A_167 = vector.broadcast %min3A_166 : i32 to vector<8x6250xi32>
    %min3A_168 = arith.minsi %sub3A_162, %min3A_167 : vector<8x6250xi32>
    %jit3A_169 = arith.constant 25088 : i32
    %broadcast_in_dim3A_170 = vector.broadcast %jit3A_169 : i32 to vector<8x6250xi32>
    %select_n3A_171 = arith.select %lt3A_165, %broadcast_in_dim3A_170, %min3A_168 : vector<8x6250xi1>, vector<8x6250xi32>
    %broadcast_in_dim3A_172 = arith.constant 25088 : i32
    %broadcast_in_dim3A_173 = vector.broadcast %broadcast_in_dim3A_172 : i32 to vector<8x6256xi32>
    %swap3A = arith.constant 0 : index
    %swap3A_174 = arith.constant 0 : index
    %swap3A_175 = arith.constant 0 : index
    %swap3A_176 = vector.load %arg5[%swap3A, %swap3A_174, %swap3A_175] : memref<8x1x6256xi32, #tpu.memory_space<vmem>>, vector<8x1x6256xi32>
    %swap3A_177 = vector.shape_cast %swap3A_176 : vector<8x1x6256xi32> to vector<8x6256xi32>
    %swap3A_178 = vector.shape_cast %broadcast_in_dim3A_173 : vector<8x6256xi32> to vector<8x1x6256xi32>
    tpu.vector_store %arg5[%swap3A, %swap3A_174, %swap3A_175], %swap3A_178 {strides = array<i32>} : memref<8x1x6256xi32, #tpu.memory_space<vmem>>, vector<8x1x6256xi32>,
    %broadcast_in_dim3A_179 = arith.constant 25088 : i32
    %broadcast_in_dim3A_180 = vector.broadcast %broadcast_in_dim3A_179 : i32 to vector<8x6256xi32>
    %swap3A_181 = arith.constant 0 : index
    %swap3A_182 = arith.constant 0 : index
    %swap3A_183 = arith.constant 0 : index
    %swap3A_184 = vector.load %arg6[%swap3A_181, %swap3A_182, %swap3A_183] : memref<8x1x6256xi32, #tpu.memory_space<vmem>>, vector<8x1x6256xi32>
    %swap3A_185 = vector.shape_cast %swap3A_184 : vector<8x1x6256xi32> to vector<8x6256xi32>
    %swap3A_186 = vector.shape_cast %broadcast_in_dim3A_180 : vector<8x6256xi32> to vector<8x1x6256xi32>
    tpu.vector_store %arg6[%swap3A_181, %swap3A_182, %swap3A_183], %swap3A_186 {strides = array<i32>} : memref<8x1x6256xi32, #tpu.memory_space<vmem>>, vector<8x1x6256xi32>,
    %swap3A_187 = arith.constant 0 : index
    %swap3A_188 = arith.constant 0 : index
    %swap3A_189 = arith.constant 0 : index
    %swap3A_190 = vector.load %arg5[%swap3A_187, %swap3A_188, %swap3A_189] : memref<8x1x6256xi32, #tpu.memory_space<vmem>>, vector<8x1x6250xi32>
    %swap3A_191 = vector.shape_cast %swap3A_190 : vector<8x1x6250xi32> to vector<8x6250xi32>
    %swap3A_192 = vector.shape_cast %min3A_160 : vector<8x6250xi32> to vector<8x1x6250xi32>
    tpu.vector_store %arg5[%swap3A_187, %swap3A_188, %swap3A_189], %swap3A_192 {strides = array<i32>} : memref<8x1x6256xi32, #tpu.memory_space<vmem>>, vector<8x1x6250xi32>,
    %swap3A_193 = arith.constant 0 : index
    %swap3A_194 = arith.constant 0 : index
    %swap3A_195 = arith.constant 0 : index
    %swap3A_196 = vector.load %arg6[%swap3A_193, %swap3A_194, %swap3A_195] : memref<8x1x6256xi32, #tpu.memory_space<vmem>>, vector<8x1x6250xi32>
    %swap3A_197 = vector.shape_cast %swap3A_196 : vector<8x1x6250xi32> to vector<8x6250xi32>
    %swap3A_198 = vector.shape_cast %select_n3A_171 : vector<8x6250xi32> to vector<8x1x6250xi32>
    tpu.vector_store %arg6[%swap3A_193, %swap3A_194, %swap3A_195], %swap3A_198 {strides = array<i32>} : memref<8x1x6256xi32, #tpu.memory_space<vmem>>, vector<8x1x6250xi32>,
    %swap3A_199 = arith.constant 0 : index
    %swap3A_200 = arith.constant 0 : index
    %swap3A_201 = arith.constant 0 : index
    %swap3A_202 = vector.load %arg7[%swap3A_199, %swap3A_200, %swap3A_201] : memref<8x1x6256xf32, #tpu.memory_space<vmem>>, vector<8x1x6250xf32>
    %swap3A_203 = vector.shape_cast %swap3A_202 : vector<8x1x6250xf32> to vector<8x6250xf32>
    %swap3A_204 = vector.shape_cast %add3A_128 : vector<8x6250xf32> to vector<8x1x6250xf32>
    tpu.vector_store %arg7[%swap3A_199, %swap3A_200, %swap3A_201], %swap3A_204 {strides = array<i32>} : memref<8x1x6256xf32, #tpu.memory_space<vmem>>, vector<8x1x6250xf32>,
    return
  }
  func.func @transform_0(%arg0: i32) -> (i32, i32, i32, i32) {
    %c0_i32 = arith.constant 0 : i32
    %c0_i32_0 = arith.constant 0 : i32
    %c0_i32_1 = arith.constant 0 : i32
    %c0_i32_2 = arith.constant 0 : i32
    return %arg0, %c0_i32, %c0_i32_0, %c0_i32_1 : i32, i32, i32, i32
  }
  func.func @transform_1(%arg0: i32) -> (i32, i32, i32) {
    %c0_i32 = arith.constant 0 : i32
    %c0_i32_0 = arith.constant 0 : i32
    %c0_i32_1 = arith.constant 0 : i32
    return %arg0, %c0_i32, %c0_i32_0 : i32, i32, i32
  }
  func.func @transform_2(%arg0: i32) -> (i32, i32, i32) {
    %c0_i32 = arith.constant 0 : i32
    %c0_i32_0 = arith.constant 0 : i32
    %c0_i32_1 = arith.constant 0 : i32
    return %arg0, %c0_i32, %c0_i32_0 : i32, i32, i32
  }
  func.func @transform_3(%arg0: i32) -> (i32, i32, i32) {
    %c0_i32 = arith.constant 0 : i32
    %c0_i32_0 = arith.constant 0 : i32
    %c0_i32_1 = arith.constant 0 : i32
    return %arg0, %c0_i32, %c0_i32_0 : i32, i32, i32
  }
  func.func @transform_4(%arg0: i32) -> (i32, i32, i32) {
    %c0_i32 = arith.constant 0 : i32
    %c0_i32_0 = arith.constant 0 : i32
    %c0_i32_1 = arith.constant 0 : i32
    return %arg0, %c0_i32, %c0_i32_0 : i32, i32, i32
  }
  func.func @transform_5(%arg0: i32) -> (i32, i32, i32) {
    %c0_i32 = arith.constant 0 : i32
    %c0_i32_0 = arith.constant 0 : i32
    %c0_i32_1 = arith.constant 0 : i32
    return %arg0, %c0_i32, %c0_i32_0 : i32, i32, i32
  }
  func.func @transform_6(%arg0: i32) -> (i32, i32, i32) {
    %c0_i32 = arith.constant 0 : i32
    %c0_i32_0 = arith.constant 0 : i32
    %c0_i32_1 = arith.constant 0 : i32
    return %arg0, %c0_i32, %c0_i32_0 : i32, i32, i32
  }
}

</mosaic_0001>

<sc_bundles>
// kernel: kernel.4.cloned.1.call-start
scs
__scs_entry_jumppad:
0x0: {  	(pc) =	sbr.rel $0x88, $3  }
0x1: {  	(tag) =	ssettag $0x0;
	lr =	simm.s32 $0x1  }
0x2: {  	[smem:$0x3F9D] =	sst lr;
	_ =	strace $0xD0000000  }
0x3: {  	_ = 	snop  }
0x4: {  	_ = 	snop  }
0x5: {  	_ = 	snop  }
0x6: {  	_ = 	snop  }
0x7: {  	_ = 	snop  }
__scs_overlays_trampoline_lowered:
0x8: {  	[smem:$0x3FAC] =	sst s0  }
0x9: {  	[smem:$0x3FAD] =	sst s1  }
0xa: {  	[smem:$0x3FAE] =	sst s2  }
0xb: {  	[smem:$0x3FAF] =	sst s3  }
0xc: {  	[smem:$0x3FB0] =	sst s4  }
0xd: {  	[smem:$0x3FB1] =	sst s5  }
0xe: {  	[smem:$0x3FB2] =	sst s6  }
0xf: {  	[smem:$0x3FB3] =	sst s7  }
0x10: {  	[smem:$0x3FB4] =	sst s8  }
0x11: {  	[smem:$0x3FB5] =	sst s9;
	s0 =	simm.s32 @!p0 $0x0  }
0x12: {  	s1 =	sld [smem:$0x3F9B];
	s0 =	simm.s32 @p0 $0x1  }
0x13: {  	[smem:$0x3FB6] =	sst s0;
	s0 =	simm.s32 @!p1 $0x0  }
0x14: {  	s2 =	sld [smem:$0x3F9A];
	s0 =	simm.s32 @p1 $0x1  }
0x15: {  	[smem:$0x3FB7] =	sst s0;
	s0 =	simm.s32 @!p2 $0x0  }
0x16: {  	s3 =	sld [smem:$0x3FDB];
	s0 =	simm.s32 @p2 $0x1  }
0x17: {  	s4 =	simm.s32 $0x1BF5;
	[smem:$0x3FB9] =	sst s0  }
0x18: {  	s0 =	sld [smem:$0x3F9C];
	_ =	swait.ge [sflag:s4], $0x0  }
0x19: {  	s7 =	sld [smem:$0x3F9D]  }
0x1a: {  	s8 =	sadd.s32 $0xFFFFE003, lr  }
0x1b: {  	s9 =	sadd.s32 $0xFFFFFEF7, lr;
	s5 =	simm.s32 $0xFFFFFFFF;
	p2 =	slt.u32 s8, $0xFFFFF086  }
0x1c: {  	p1 =	slt.u32 s9, $0xF7A;
	s5 =	simm.s32 @!p2 $0x0  }
0x1d: {  	s5 =	simm.s32 @p1 $0x1;
	p0 =	seq.s32 s7, s2  }
0x1e: {  	s7 =	smul.u32 @!p0 $0xF7A, s2;
	p2 =	seq.s32 @!p0 s5, $0x0  }
0x1f: {  	s9 =	smul.u32 $0xF7A, s1;
	s8 =	simm.s32 @!p0 $0x1BF5;
	p2 =	por !p2, p0  }
0x20: {  	[sflag:s8] =	ssyncset.s32 @!p0 $0xFFFFF086;
	s6 =	sadd.s32 @!p0 s3, s7;
	s7 =	simm.s32 @!p0 $0x108  }
0x21: {  	s3 =	sadd.s32 s3, s9;
	s6 =	sadd.s32 @!p0 $0x88, s6;
	s7 =	simm.s32 @p2 $0x1082  }
0x22: {  	[simem:s7], [sflag:s8] =	dma.local @!p0 [hbm:s6], $0xF7A  }
0x23: {  	s9 =	sor.u32 $0xD0000000, s2;
	s6 =	simm.s32 $0x108;
	_ =	swait.ge @!p0 [sflag:s8], $0x0  }
0x24: {  	s3 =	sadd.s32 $0x88, s3;
	s6 =	simm.s32 @!p1 $0x1082;
	[sflag:s4] =	ssyncset.s32 $0xFFFFF086  }
0x25: {  	[simem:s6], [sflag:s4] =	dma.local [hbm:s3], $0xF7A  }
0x26: {  	[smem:$0x3F9D] =	sst s1;
	(tag) =	ssettag s2;
	_ =	strace s9  }
0x27: {  	s1 =	sld [smem:$0x3FAD]  }
0x28: {  	s2 =	sld [smem:$0x3FAE]  }
0x29: {  	s4 =	sld [smem:$0x3FB0]  }
0x2a: {  	p0 =	seq.s32 s5, $0x0;
	s5 =	sld [smem:$0x3FB1]  }
0x2b: {  	s6 =	sld [smem:$0x3FB2]  }
0x2c: {  	s7 =	sld [smem:$0x3FB3]  }
0x2d: {  	s3 =	simm.s32 $0x108;
	s8 =	sld [smem:$0x3FB4]  }
0x2e: {  	s3 =	simm.s32 @!p0 $0x1082;
	s9 =	sld [smem:$0x3FB5]  }
0x2f: {  	lr =	sadd.s32 s0, s3;
	s0 =	sld [smem:$0x3FAC]  }
0x30: {  	s3 =	sld [smem:$0x3FAF]  }
0x31: {  	[smem:$0x3FB8] =	sst s10  }
0x32: {  	s10 =	sld [smem:$0x3FB6];
	_ =	sdelay $0x3  }
0x33: {  	p0 =	seq.s32 s10, $0x1;
	s10 =	sld [smem:$0x3FB8];
	_ =	sdelay $0x3  }
0x34: {  	[smem:$0x3FB8] =	sst s10  }
0x35: {  	s10 =	sld [smem:$0x3FB7];
	_ =	sdelay $0x3  }
0x36: {  	p1 =	seq.s32 s10, $0x1;
	s10 =	sld [smem:$0x3FB8];
	_ =	sdelay $0x3  }
0x37: {  	[smem:$0x3FB8] =	sst s10  }
0x38: {  	s10 =	sld [smem:$0x3FB9]  }
0x39: {  	_ = 	snop;
	(pc) =	sbr.ind lr, $3  }
0x3a: {  	_ = 	snop  }
0x3b: {  	_ = 	snop  }
0x3c: {  	p2 =	seq.s32 s10, $0x1;
	s10 =	sld [smem:$0x3FB8]  }
0x3d: {  	_ =	shalt  }
0x3e: {  	_ =	shalt  }
0x3f: {  	_ =	shalt  }
0x40: {  	_ =	shalt  }
0x41: {  	_ =	shalt  }
0x42: {  	_ =	shalt  }
0x43: {  	_ =	shalt  }
0x44: {  	_ =	shalt  }
0x45: {  	_ =	shalt  }
0x46: {  	_ =	shalt  }
0x47: {  	_ =	shalt  }
0x48: {  	_ =	shalt  }
0x49: {  	_ =	shalt  }
0x4a: {  	_ =	shalt  }
0x4b: {  	_ =	shalt  }
0x4c: {  	_ =	shalt  }
0x4d: {  	_ =	shalt  }
0x4e: {  	_ =	shalt  }
0x4f: {  	_ =	shalt  }
0x50: {  	_ =	shalt  }
0x51: {  	_ =	shalt  }
0x52: {  	_ =	shalt  }
0x53: {  	_ =	shalt  }
0x54: {  	_ =	shalt  }
0x55: {  	_ =	shalt  }
0x56: {  	_ =	shalt  }
0x57: {  	_ =	shalt  }
0x58: {  	_ =	shalt  }
0x59: {  	_ =	shalt  }
0x5a: {  	_ =	shalt  }
0x5b: {  	_ =	shalt  }
0x5c: {  	_ =	shalt  }
0x5d: {  	_ =	shalt  }
0x5e: {  	_ =	shalt  }
0x5f: {  	_ =	shalt  }
0x60: {  	_ =	shalt  }
0x61: {  	_ =	shalt  }
0x62: {  	_ =	shalt  }
0x63: {  	_ =	shalt  }
0x64: {  	_ =	shalt  }
0x65: {  	_ =	shalt  }
0x66: {  	_ =	shalt  }
0x67: {  	_ =	shalt  }
0x68: {  	_ =	shalt  }
0x69: {  	_ =	shalt  }
0x6a: {  	_ =	shalt  }
0x6b: {  	_ =	shalt  }
0x6c: {  	_ =	shalt  }
0x6d: {  	_ =	shalt  }
0x6e: {  	_ =	shalt  }
0x6f: {  	_ =	shalt  }
0x70: {  	_ =	shalt  }
0x71: {  	_ =	shalt  }
0x72: {  	_ =	shalt  }
0x73: {  	_ =	shalt  }
0x74: {  	_ =	shalt  }
0x75: {  	_ =	shalt  }
0x76: {  	_ =	shalt  }
0x77: {  	_ =	shalt  }
0x78: {  	_ =	shalt  }
0x79: {  	_ =	shalt  }
0x7a: {  	_ =	shalt  }
0x7b: {  	_ =	shalt  }
0x7c: {  	_ =	shalt  }
0x7d: {  	_ =	shalt  }
0x7e: {  	_ =	shalt  }
0x7f: {  	_ =	shalt  }
0x80: {  	_ =	shalt  }
0x81: {  	_ =	shalt  }
0x82: {  	_ =	shalt  }
0x83: {  	_ =	shalt  }
0x84: {  	_ =	shalt  }
0x85: {  	_ =	shalt  }
0x86: {  	_ =	shalt  }
0x87: {  	_ =	shalt  }
.Lfunc_end0:
.L_simem_size_0:
called_computation_lowered:
.L_overlay_start_0:
0x88: {  	s2 =	sld [smem:$0x3FD9]  }
0x89: {  	s3 =	sld [smem:$0x3FFE];
	_ =	sdelay $0x1  }
0x8a: {  	s1 =	srdreg.scid  }
0x8b: {  	s0 =	sand.u32 $0x1, s1  }
0x8c: {  	s17 =	sshll.u32 s0, $0xA;
	s2 =	sadd.s32 s3, s2  }
0x8d: {  	s2 =	sadd.s32 s2, s17  }
0x8e: {  	[smem:$0x3FC4] =	sst s2  }
0x8f: {  	_ = 	snop  }
0x90: {  	s2 =	sld [smem:$0x3FD0];
	(tm) =	ssettm $0x1  }
0x91: {  	s18 =	sld [smem:$0x3FFB];
	_ =	sdelay $0x3  }
0x92: {  	_ =	strace s18  }
0x93: {  	s3 =	sld [smem:$0x3FFC];
	_ =	sdelay $0x3  }
0x94: {  	_ =	strace s3  }
0x95: {  	s3 =	sld [smem:$0x3FFD];
	_ =	sdelay $0x3  }
0x96: {  	_ =	strace s3  }
0x97: {  	_ =	strace $0x8FFFFFFF  }
0x98: {  	s19 =	sld [smem:$0x3FDB];
	_ =	sdelay $0x1  }
0x99: {  	s4 =	simm.s32 $_scs_section_size  }
0x9a: {  	s5 =	simm.s32 $_size__tile_overlayer_lowered;
	s6 =	simm.s32 $_tile_overlayer_lowered  }
0x9b: {  	s22 =	simm.s32 $0x1BFF;
	s21 =	sshll.u32 s6, $0x1;
	s3 =	sadd.s32 s4, s19  }
0x9c: {  	s7 =	simm.s32 $0x0;
	s20 =	sshll.u32 s5, $0x1;
	s5 =	sadd.s32 s21, s3  }
0x9d: {  	[timem:s7], [sflag:s22] =	dma.local [hbm:s5], s20  }
0x9e: {  	_ =	swait.ge [sflag:s22], s20  }
0x9f: {  	s4 =	ssub.s32 $0x0, s20;
	[sflag:s22] =	ssyncset.done $0x0  }
0xa0: {  	[sflag:s22] =	ssyncadd.s32 s4;
	_ =	sdelay $0x1  }
0xa1: {  	s23 =	simm.s32 $0x1B8B  }
0xa2: {  	_ =	swait.ge [sflag:s23], $0x1  }
0xa3: {  	[sflag:s23] =	ssyncset.done $0x0  }
0xa4: {  	s25 =	simm.s32 $0x1B8E;
	s24 =	sld [smem:$0x3FFE];
	[sflag:s23] =	ssyncadd.s32 $0xFFFFFFFF  }
0xa5: {  	s26 =	simm.s32 $execute0_lowered;
	[smem:$0x3FD2] =	sst s25  }
0xa6: {  	s5 =	sshll.u32 s26, $0x1;
	_ =	strace $0x80000046;
	[dreg:$0x1] =	wrdreg $0xFFFFFFFF  }
0xa7: {  	s28 =	simm.s32 $_size_execute0_lowered;
	s3 =	sadd.s32 s3, s5;
	[dreg:$0x0] =	wrdreg $0x0  }
0xa8: {  	s5 =	sshll.u32 s28, $0x1;
	[dreg:$0x2] =	wrdreg s3  }
0xa9: {  	[dreg:$0x3] =	wrdreg s5  }
0xaa: {  	[dreg:$0x4] =	wrdreg $0xC0  }
0xab: {  	_ =	task [dreg:s7], $0x5FFFF  }
0xac: {  	[dreg:$0x1] =	wrdreg $0xFFFFFFFF  }
0xad: {  	[dreg:$0x0] =	wrdreg $0x60  }
0xae: {  	[dreg:$0x2] =	wrdreg s2  }
0xaf: {  	[dreg:$0x3] =	wrdreg s24  }
0xb0: {  	[dreg:$0x4] =	wrdreg $0x9  }
0xb1: {  	_ =	task.clear_ibuf [dreg:s7], $0x5FFFF;
	_ =	strace $0x90000046  }
0xb2: {  	s29 =	simm.s32 $0x9;
	_ =	strace $0x80000048  }
0xb3: {  	_ =	swait.ge [sflag:s29], $0x1  }
0xb4: {  	[sflag:s29] =	ssyncadd.s32 $0xFFFFFFFF  }
0xb5: {  	_ =	strace $0x90000048  }
0xb6: {  	_ =	sfence  }
0xb7: {  	s30 =	sld [smem:$0x0];
	_ =	sdelay $0x2  }
0xb8: {  	s31 =	sshll.u32 s1, $0xD;
	s1 =	sshrl.u32 s1, $0x2  }
0xb9: {  	s3 =	sand.u32 $0x4000, s31;
	s1 =	sadd.s32 s1, s30  }
0xba: {  	s0 =	sor.u32 s3, s0;
	s1 =	sshll.u32 s1, $0x11  }
0xbb: {  	s0 =	sor.u32 s1, s0  }
0xbc: {  	s0 =	sadd.s32 $0x8F2B, s0  }
0xbd: {  	[sflag:s0] =	ssyncadd.remote.s32 $0x1  }
0xbe: {  	_ =	sfence.sel $0xFFFF  }
0xbf: {  	[dreg:$0x0] =	wrdreg $0xFFFFFFFF;
	(pc) =	sbr.abs _section_cstart, $3  }
0xc0: {  	[dreg:$0x1] =	wrdreg $0xFFFFFFFF  }
0xc1: {  	_ =	task.clear_ibuf [dreg:s7], $0x2FFFF;
	_ =	strace $0x9FFFFFFF  }
0xc2: {  	(tm) =	ssettm $0x7FFFFFFF  }
0xc3: {  	_ =	shalt  }
tec
execute0_lowered:
.L_overlay_start_1:
0x0: {  	(tag) =	ssettag $0x1  }
0x1: {  	s0 =	srdreg.scid;
	s3 =	rddreg [dreg:$0x0]  }
0x2: {  	s29 =	stileid.u32;
	s6 =	rddreg [dreg:$0x1];
	s2 =	simm.s32 $0x0  }
0x3: {  	s10 =	simm.s32 $0x1;
	s11 =	simm.s32 $0x2;
	s7 =	smul.u32 $0xC400, s29  }
0x4: {  	s4 =	sand.u32 $0x1, s0;
	[smem:$0x7FF] =	sst s2;
	s8 =	smul.u32 $0x1880, s29  }
0x5: {  	s12 =	simm.s32 $0x0;
	s5 =	smul.u32 $0x6200, s4;
	_ =	strace $0x80000047  }
0x6: {  	s30 =	ssub.s32 $0x2, s4;
	p0 =	seq.s32 s4, $0x1;
	s9 =	sadd.s32 s8, s6  }
0x7: {  	s31 =	sshrl.u32 s30, $0x1;
	s3 =	sadd.s32 s3, s8;
	s5 =	sadd.s32 s5, s7  }
0x8: {  	s8 =	simm.s32 $0x80;
	s7 =	ssub.s32 s30, s31;
	s5 =	sshrl.u32 s5, $0x3  }
0x9: {  	s4 =	sadd.s32 $0xC00, s9;
	s7 =	smax.u32 s7, $0x1;
	s6 =	sadd.s32 s5, s6  }
0xa: {  	v0 =	vimm.f32 $0.0e+00;
	s5 =	sadd.s32 $0x19400, s9;
	s9 =	simm.s32 $0x1880;
	s6 =	sadd.s32 $0x31C00, s6  }
.LBB2_1:
.Ltmp0:
0xb: {  	(pc) =	sbr.rel @!p0 .LBB2_2-.Ltmp0, $2  }
0xc: {  	_ =	sdelay $0x2  }
0xd: {  	s13 =	simm.s32 $0x6280;
	s14 =	simm.s32 $0x10  }
0xe: {  	s16 =	sadd.s32 $0x0, s4;
	s15 =	simm.s32 $0x6680  }
.LBB2_6:
0xf: {  	[tilespmem:s13], [sflag:$0x1] =	stream.strided.gather [hbm4b:s16+s8], $0x400, s9, s8, $0x38;
	[tilespmem:$0x1EA80] =	vst v63  }
0x10: {  	s16 =	smov.u32 s14;
	s13 =	smov.u32 s15;
	p1 =	sne.s32 s14, $0x300  }
.Ltmp1:
0x11: {  	s14 =	sadd.s32 $0x10, s14;
	(pc) =	sbr.rel @p1 .LBB2_6-.Ltmp1, $2  }
0x12: {  	_ =	sdelay $0x2  }
0x13: {  	s15 =	sadd.s32 $0x400, s15;
	s16 =	sadd.s32 s16, s4  }
.Ltmp2:
0x14: {  	(pc) =	sbr.rel .LBB2_8-.Ltmp2, $2  }
0x15: {  	_ =	sdelay $0x2  }
0x16: {  	[tilespmem:s13], [sflag:$0x1] =	stream.strided.gather [hbm4b:s16+s8], $0x400, s9, s8, $0x38;
	[tilespmem:$0x1EA80] =	vst v63  }
.LBB2_2:
0x17: {  	s16 =	sadd.s32 $0x0, s3;
	s15 =	simm.s32 $0x6680  }
.LBB2_3:
0x18: {  	[tilespmem:s13], [sflag:$0x1] =	stream.strided.gather [hbm4b:s16+s8], $0x400, s9, s8, $0x38;
	[tilespmem:$0x1EA80] =	vst v63  }
0x19: {  	s16 =	smov.u32 s14;
	s13 =	smov.u32 s15;
	p1 =	seq.s32 s14, $0x300  }
.Ltmp3:
0x1a: {  	s14 =	sadd.s32 $0x10, s14;
	(pc) =	sbr.rel @!p1 .LBB2_3-.Ltmp3, $2  }
0x1b: {  	_ =	sdelay $0x2  }
0x1c: {  	s15 =	sadd.s32 $0x400, s15;
	s16 =	sadd.s32 s16, s3  }
0x1d: {  	[tilespmem:s13], [sflag:$0x1] =	stream.strided.gather [hbm4b:s16+s8], $0x400, s9, s8, $0x38;
	[tilespmem:$0x1EA80] =	vst v63  }
.LBB2_8:
0x1e: {  	s13 =	simm.s32 $0x0;
	s14 =	simm.s32 $0x12680  }
.LBB2_9:
0x1f: {  	p1 =	sne.s32 s13, $0x300  }
.Ltmp4:
0x20: {  	_ = 	snop;
	(pc) =	sbr.rel @p1 .LBB2_9-.Ltmp4, $4  }
0x21: {  	_ = 	snop  }
0x22: {  	s15 =	sadd.s32 s13, s5  }
0x23: {  	[tilespmem:s14], [sflag:$0x1] =	stream.strided.gather [hbm4b:s15+s8], $0x400, s9, s8, $0x38;
	[tilespmem:$0x1EA80] =	vst v63  }
0x24: {  	s13 =	sadd.s32 $0x10, s13;
	s14 =	sadd.s32 $0x400, s14  }
0x25: {  	s13 =	simm.s32 $0x40  }
0x26: {  	[tilespmem:s13+$0xFFFFFFC0] =	vst v0  }
0x27: {  	[tilespmem:s13+$0x30] =	vst v0  }
0x28: {  	[tilespmem:s13+$0x20] =	vst v0  }
0x29: {  	[tilespmem:s13+$0x10] =	vst v0  }
0x2a: {  	[tilespmem:s13+$0x0] =	vst v0  }
0x2b: {  	[tilespmem:s13+$0xFFFFFFF0] =	vst v0  }
0x2c: {  	s14 =	simm.s32 $0x0;
	[tilespmem:s13+$0xFFFFFFE0] =	vst v0  }
.LBB2_11:
0x2d: {  	s14 =	sadd.s32 $0x8, s14;
	[tilespmem:s13+$0xFFFFFFD0] =	vst v0;
	s13 =	sadd.s32 $0x80, s13  }
0x2e: {  	[tilespmem:s13+$0xFFFFFFC0] =	vst v0;
	p1 =	slt.u32 s14, $0x618  }
0x2f: {  	[tilespmem:s13+$0x30] =	vst v0  }
.Ltmp5:
0x30: {  	[tilespmem:s13+$0x20] =	vst v0;
	(pc) =	sbr.rel @p1 .LBB2_11-.Ltmp5, $4  }
0x31: {  	[tilespmem:s13+$0x10] =	vst v0  }
0x32: {  	[tilespmem:s13+$0x0] =	vst v0  }
0x33: {  	[tilespmem:s13+$0xFFFFFFF0] =	vst v0  }
0x34: {  	[tilespmem:s13+$0xFFFFFFE0] =	vst v0  }
0x35: {  	[tilespmem:s13+$0xFFFFFFD0] =	vst v0  }
0x36: {  	[tilespmem:$0x6200] =	vst v0  }
0x37: {  	[tilespmem:$0x6210] =	vst v0  }
0x38: {  	_ =	swait.ge [sflag:s10], $0xC400  }
0x39: {  	[sflag:s10] =	ssyncset.done $0x0  }
0x3a: {  	[sflag:s10] =	ssyncadd.s32 $0xFFFF3C00  }
0x3b: {  	s14 =	simm.s32 $0xFFFFFFEF;
	s16 =	simm.s32 $0x0;
	_ =	swait.ge [sflag:s10], $0xC400  }
0x3c: {  	s18 =	simm.s32 $0xF0;
	s13 =	simm.s32 $0xF0;
	[sflag:s10] =	ssyncset.done $0x0  }
0x3d: {  	s15 =	simm.s32 $0x0;
	s17 =	simm.s32 $0xFFFFFFEF;
	[sflag:s10] =	ssyncadd.s32 $0xFFFF3C00  }
.LBB2_13:
0x3e: {  	s19 =	sadd.s32 $0xFFFFFF10, s13  }
0x3f: {  	s20 =	sand.u32 $0xFC00, s15;
	s19 =	sand.u32 $0x70, s19  }
0x40: {  	s19 =	sor.u32 s19, s20  }
0x41: {  	v1 =	vld [tilespmem:s19+$0x6280];
	_ =	sdelay $0x2  }
0x42: {  	v2 =	vld [tilespmem:s19+$0x12680];
	_ =	sdelay $0x2  }
0x43: {  	s29 =	sadd.s32 $0xFFFFFF20, s13;
	s21 =	sadd.s32 $0x80, s15  }
0x44: {  	s21 =	sand.u32 $0x1FC00, s21;
	s20 =	sand.u32 $0x70, s29  }
0x45: {  	s20 =	sor.u32 s20, s21;
	[tilespmem:v1+s16+$0x0] =	vst.idx.msk $0xffff, v2  }
0x46: {  	v1 =	vld [tilespmem:s20+$0x6280];
	_ =	sdelay $0x2  }
0x47: {  	v2 =	vld [tilespmem:s20+$0x12680];
	_ =	sdelay $0x2  }
0x48: {  	s30 =	sadd.s32 $0xFFFFFF30, s13;
	s31 =	sadd.s32 $0x100, s15  }
0x49: {  	s21 =	sand.u32 $0x1FC00, s31;
	s20 =	sand.u32 $0x70, s30  }
0x4a: {  	s20 =	sor.u32 s20, s21;
	[tilespmem:v1+s16+$0x0] =	vst.idx.msk $0xffff, v2  }
0x4b: {  	v1 =	vld [tilespmem:s20+$0x6280];
	_ =	sdelay $0x2  }
0x4c: {  	v2 =	vld [tilespmem:s20+$0x12680];
	_ =	sdelay $0x2  }
0x4d: {  	s0 =	sadd.s32 $0xFFFFFF40, s13;
	s1 =	sadd.s32 $0x180, s15  }
0x4e: {  	s21 =	sand.u32 $0x1FC00, s1;
	s20 =	sand.u32 $0x70, s0  }
0x4f: {  	s20 =	sor.u32 s20, s21;
	[tilespmem:v1+s16+$0x0] =	vst.idx.msk $0xffff, v2  }
0x50: {  	v1 =	vld [tilespmem:s20+$0x6280];
	_ =	sdelay $0x2  }
0x51: {  	v2 =	vld [tilespmem:s20+$0x12680];
	_ =	sdelay $0x2  }
0x52: {  	s22 =	sadd.s32 $0x200, s15;
	s21 =	sadd.s32 $0xFFFFFF50, s13  }
0x53: {  	s20 =	sand.u32 $0x70, s21;
	s21 =	sand.u32 $0x1FC00, s22  }
0x54: {  	s20 =	sor.u32 s20, s21;
	[tilespmem:v1+s16+$0x0] =	vst.idx.msk $0xffff, v2  }
0x55: {  	v1 =	vld [tilespmem:s20+$0x6280];
	_ =	sdelay $0x2  }
0x56: {  	v2 =	vld [tilespmem:s20+$0x12680];
	_ =	sdelay $0x2  }
0x57: {  	s23 =	sadd.s32 $0xFFFFFF60, s13;
	s24 =	sadd.s32 $0x280, s15  }
0x58: {  	s21 =	sand.u32 $0x1FC00, s24;
	s20 =	sand.u32 $0x70, s23  }
0x59: {  	s20 =	sor.u32 s20, s21;
	[tilespmem:v1+s16+$0x0] =	vst.idx.msk $0xffff, v2  }
0x5a: {  	v1 =	vld [tilespmem:s20+$0x6280];
	_ =	sdelay $0x2  }
0x5b: {  	v2 =	vld [tilespmem:s20+$0x12680];
	_ =	sdelay $0x2  }
0x5c: {  	s25 =	sadd.s32 $0xFFFFFF70, s13;
	s26 =	sadd.s32 $0x300, s15  }
0x5d: {  	s21 =	sand.u32 $0x1FC00, s26;
	s20 =	sand.u32 $0x70, s25  }
0x5e: {  	s20 =	sor.u32 s20, s21;
	[tilespmem:v1+s16+$0x0] =	vst.idx.msk $0xffff, v2  }
0x5f: {  	v1 =	vld [tilespmem:s20+$0x6280];
	_ =	sdelay $0x2  }
0x60: {  	v2 =	vld [tilespmem:s20+$0x12680];
	_ =	sdelay $0x2  }
0x61: {  	s28 =	sadd.s32 $0xFFFFFF80, s13;
	s29 =	sadd.s32 $0x380, s15  }
0x62: {  	s21 =	sand.u32 $0x1FC00, s29;
	s20 =	sand.u32 $0x70, s28  }
0x63: {  	s20 =	sor.u32 s20, s21;
	[tilespmem:v1+s16+$0x0] =	vst.idx.msk $0xffff, v2  }
0x64: {  	v1 =	vld [tilespmem:s20+$0x6280];
	_ =	sdelay $0x2  }
0x65: {  	v2 =	vld [tilespmem:s20+$0x12680];
	_ =	sdelay $0x4  }
0x66: {  	[tilespmem:v1+s16+$0x0] =	vst.idx.msk $0xffff, v2  }
0x67: {  	v1 =	vld [tilespmem:s19+$0x6680];
	_ =	sdelay $0x2  }
0x68: {  	v2 =	vld [tilespmem:s19+$0x12A80];
	_ =	sdelay $0x2  }
0x69: {  	s31 =	sadd.s32 $0x480, s15;
	s30 =	sadd.s32 $0xFFFFFFA0, s13  }
0x6a: {  	s21 =	sand.u32 $0x1FC00, s31;
	s20 =	sand.u32 $0x70, s30  }
0x6b: {  	s20 =	sor.u32 s20, s21;
	[tilespmem:v1+s16+$0x0] =	vst.idx.msk $0xffff, v2  }
0x6c: {  	v1 =	vld [tilespmem:s20+$0x6280];
	_ =	sdelay $0x2  }
0x6d: {  	v2 =	vld [tilespmem:s20+$0x12680];
	_ =	sdelay $0x2  }
0x6e: {  	s1 =	sadd.s32 $0x500, s15;
	s0 =	sadd.s32 $0xFFFFFFB0, s13  }
0x6f: {  	s21 =	sand.u32 $0x1FC00, s1;
	s20 =	sand.u32 $0x70, s0  }
0x70: {  	s20 =	sor.u32 s20, s21;
	[tilespmem:v1+s16+$0x0] =	vst.idx.msk $0xffff, v2  }
0x71: {  	v1 =	vld [tilespmem:s20+$0x6280];
	_ =	sdelay $0x2  }
0x72: {  	v2 =	vld [tilespmem:s20+$0x12680];
	_ =	sdelay $0x2  }
0x73: {  	s22 =	sadd.s32 $0x580, s15;
	s21 =	sadd.s32 $0xFFFFFFC0, s13  }
0x74: {  	s20 =	sand.u32 $0x70, s21;
	s21 =	sand.u32 $0x1FC00, s22  }
0x75: {  	s20 =	sor.u32 s20, s21;
	[tilespmem:v1+s16+$0x0] =	vst.idx.msk $0xffff, v2  }
0x76: {  	v1 =	vld [tilespmem:s20+$0x6280];
	_ =	sdelay $0x2  }
0x77: {  	v2 =	vld [tilespmem:s20+$0x12680];
	_ =	sdelay $0x2  }
0x78: {  	s24 =	sadd.s32 $0x600, s15;
	s23 =	sadd.s32 $0xFFFFFFD0, s13  }
0x79: {  	s21 =	sand.u32 $0x1FC00, s24;
	s20 =	sand.u32 $0x70, s23  }
0x7a: {  	s20 =	sor.u32 s20, s21;
	[tilespmem:v1+s16+$0x0] =	vst.idx.msk $0xffff, v2  }
0x7b: {  	v1 =	vld [tilespmem:s20+$0x6280];
	_ =	sdelay $0x2  }
0x7c: {  	v2 =	vld [tilespmem:s20+$0x12680];
	_ =	sdelay $0x2  }
0x7d: {  	s26 =	sadd.s32 $0x680, s15;
	s25 =	sadd.s32 $0xFFFFFFE0, s13  }
0x7e: {  	s21 =	sand.u32 $0x1FC00, s26;
	s20 =	sand.u32 $0x70, s25  }
0x7f: {  	s20 =	sor.u32 s20, s21;
	[tilespmem:v1+s16+$0x0] =	vst.idx.msk $0xffff, v2  }
0x80: {  	v1 =	vld [tilespmem:s20+$0x6280];
	_ =	sdelay $0x2  }
0x81: {  	v2 =	vld [tilespmem:s20+$0x12680];
	_ =	sdelay $0x2  }
0x82: {  	s29 =	sadd.s32 $0x700, s15;
	s28 =	sadd.s32 $0xFFFFFFF0, s13  }
0x83: {  	s21 =	sand.u32 $0x1FC00, s29;
	s20 =	sand.u32 $0x70, s28  }
0x84: {  	s20 =	sor.u32 s20, s21;
	[tilespmem:v1+s16+$0x0] =	vst.idx.msk $0xffff, v2  }
0x85: {  	v1 =	vld [tilespmem:s20+$0x6280];
	_ =	sdelay $0x2  }
0x86: {  	v2 =	vld [tilespmem:s20+$0x12680];
	_ =	sdelay $0x2  }
0x87: {  	s30 =	sadd.s32 $0x780, s15  }
0x88: {  	s31 =	sand.u32 $0x70, s13;
	s20 =	sand.u32 $0x1FC00, s30  }
0x89: {  	s20 =	sor.u32 s31, s20;
	[tilespmem:v1+s16+$0x0] =	vst.idx.msk $0xffff, v2  }
0x8a: {  	v1 =	vld [tilespmem:s20+$0x6280];
	_ =	sdelay $0x2  }
0x8b: {  	v2 =	vld [tilespmem:s20+$0x12680];
	_ =	sdelay $0x4  }
0x8c: {  	[tilespmem:v1+s16+$0x0] =	vst.idx.msk $0xffff, v2  }
0x8d: {  	v1 =	vld [tilespmem:s19+$0x6A80];
	_ =	sdelay $0x1  }
0x8e: {  	s17 =	sadd.s32 $0x11, s17  }
0x8f: {  	p1 =	slt.u32 s17, $0x176;
	v2 =	vld [tilespmem:s19+$0x12E80]  }
.Ltmp6:
0x90: {  	_ = 	snop;
	(pc) =	sbr.rel @p1 .LBB2_13-.Ltmp6, $2  }
0x91: {  	_ =	sdelay $0x2  }
0x92: {  	s15 =	sadd.s32 $0x880, s15;
	s13 =	sadd.s32 $0x110, s13;
	[tilespmem:v1+s16+$0x0] =	vst.idx.msk $0xffff, v2  }
.LBB2_14:
0x93: {  	s13 =	sadd.s32 $0xFFFFFF10, s18  }
0x94: {  	s15 =	sand.u32 $0xFC00, s16;
	s13 =	sand.u32 $0x70, s13  }
0x95: {  	s15 =	sor.u32 s15, s13  }
0x96: {  	v1 =	vld [tilespmem:s15+$0x6300];
	_ =	sdelay $0x2  }
0x97: {  	v2 =	vld [tilespmem:s15+$0x12700];
	_ =	sdelay $0x2  }
0x98: {  	s17 =	sadd.s32 $0xFFFFFF20, s18;
	s19 =	sadd.s32 $0x80, s16  }
0x99: {  	s17 =	sand.u32 $0x70, s17;
	s19 =	sand.u32 $0x1FC00, s19;
	s13 =	simm.s32 $0x0  }
0x9a: {  	s17 =	sor.u32 s19, s17;
	[tilespmem:v1+s13+$0x0] =	vst.idx.msk $0xffff, v2  }
0x9b: {  	v1 =	vld [tilespmem:s17+$0x6300];
	_ =	sdelay $0x2  }
0x9c: {  	v2 =	vld [tilespmem:s17+$0x12700];
	_ =	sdelay $0x2  }
0x9d: {  	s20 =	sadd.s32 $0x100, s16;
	s19 =	sadd.s32 $0xFFFFFF30, s18  }
0x9e: {  	s17 =	sand.u32 $0x70, s19;
	s19 =	sand.u32 $0x1FC00, s20  }
0x9f: {  	s17 =	sor.u32 s19, s17;
	[tilespmem:v1+s13+$0x0] =	vst.idx.msk $0xffff, v2  }
0xa0: {  	v1 =	vld [tilespmem:s17+$0x6300];
	_ =	sdelay $0x2  }
0xa1: {  	v2 =	vld [tilespmem:s17+$0x12700];
	_ =	sdelay $0x2  }
0xa2: {  	s21 =	sadd.s32 $0xFFFFFF40, s18;
	s22 =	sadd.s32 $0x180, s16  }
0xa3: {  	s19 =	sand.u32 $0x1FC00, s22;
	s17 =	sand.u32 $0x70, s21  }
0xa4: {  	s17 =	sor.u32 s19, s17;
	[tilespmem:v1+s13+$0x0] =	vst.idx.msk $0xffff, v2  }
0xa5: {  	v1 =	vld [tilespmem:s17+$0x6300];
	_ =	sdelay $0x2  }
0xa6: {  	v2 =	vld [tilespmem:s17+$0x12700];
	_ =	sdelay $0x2  }
0xa7: {  	s23 =	sadd.s32 $0xFFFFFF50, s18;
	s24 =	sadd.s32 $0x200, s16  }
0xa8: {  	s19 =	sand.u32 $0x1FC00, s24;
	s17 =	sand.u32 $0x70, s23  }
0xa9: {  	s17 =	sor.u32 s19, s17;
	[tilespmem:v1+s13+$0x0] =	vst.idx.msk $0xffff, v2  }
0xaa: {  	v1 =	vld [tilespmem:s17+$0x6300];
	_ =	sdelay $0x2  }
0xab: {  	v2 =	vld [tilespmem:s17+$0x12700];
	_ =	sdelay $0x2  }
0xac: {  	s25 =	sadd.s32 $0xFFFFFF60, s18;
	s26 =	sadd.s32 $0x280, s16  }
0xad: {  	s19 =	sand.u32 $0x1FC00, s26;
	s17 =	sand.u32 $0x70, s25  }
0xae: {  	s17 =	sor.u32 s19, s17;
	[tilespmem:v1+s13+$0x0] =	vst.idx.msk $0xffff, v2  }
0xaf: {  	v1 =	vld [tilespmem:s17+$0x6300];
	_ =	sdelay $0x2  }
0xb0: {  	v2 =	vld [tilespmem:s17+$0x12700];
	_ =	sdelay $0x2  }
0xb1: {  	s28 =	sadd.s32 $0xFFFFFF70, s18;
	s29 =	sadd.s32 $0x300, s16  }
0xb2: {  	s19 =	sand.u32 $0x1FC00, s29;
	s17 =	sand.u32 $0x70, s28  }
0xb3: {  	s17 =	sor.u32 s19, s17;
	[tilespmem:v1+s13+$0x0] =	vst.idx.msk $0xffff, v2  }
0xb4: {  	v1 =	vld [tilespmem:s17+$0x6300];
	_ =	sdelay $0x2  }
0xb5: {  	v2 =	vld [tilespmem:s17+$0x12700];
	_ =	sdelay $0x2  }
0xb6: {  	s30 =	sadd.s32 $0xFFFFFF80, s18;
	s31 =	sadd.s32 $0x380, s16  }
0xb7: {  	s19 =	sand.u32 $0x1FC00, s31;
	s17 =	sand.u32 $0x70, s30  }
0xb8: {  	s17 =	sor.u32 s19, s17;
	[tilespmem:v1+s13+$0x0] =	vst.idx.msk $0xffff, v2  }
0xb9: {  	v1 =	vld [tilespmem:s17+$0x6300];
	_ =	sdelay $0x2  }
0xba: {  	v2 =	vld [tilespmem:s17+$0x12700];
	_ =	sdelay $0x4  }
0xbb: {  	[tilespmem:v1+s13+$0x0] =	vst.idx.msk $0xffff, v2  }
0xbc: {  	v1 =	vld [tilespmem:s15+$0x6700];
	_ =	sdelay $0x2  }
0xbd: {  	v2 =	vld [tilespmem:s15+$0x12B00];
	_ =	sdelay $0x2  }
0xbe: {  	s0 =	sadd.s32 $0xFFFFFFA0, s18;
	s1 =	sadd.s32 $0x480, s16  }
0xbf: {  	s19 =	sand.u32 $0x1FC00, s1;
	s17 =	sand.u32 $0x70, s0  }
0xc0: {  	s17 =	sor.u32 s19, s17;
	[tilespmem:v1+s13+$0x0] =	vst.idx.msk $0xffff, v2  }
0xc1: {  	v1 =	vld [tilespmem:s17+$0x6300];
	_ =	sdelay $0x2  }
0xc2: {  	v2 =	vld [tilespmem:s17+$0x12700];
	_ =	sdelay $0x2  }
0xc3: {  	s20 =	sadd.s32 $0x500, s16;
	s19 =	sadd.s32 $0xFFFFFFB0, s18  }
0xc4: {  	s17 =	sand.u32 $0x70, s19;
	s19 =	sand.u32 $0x1FC00, s20  }
0xc5: {  	s17 =	sor.u32 s19, s17;
	[tilespmem:v1+s13+$0x0] =	vst.idx.msk $0xffff, v2  }
0xc6: {  	v1 =	vld [tilespmem:s17+$0x6300];
	_ =	sdelay $0x2  }
0xc7: {  	v2 =	vld [tilespmem:s17+$0x12700];
	_ =	sdelay $0x2  }
0xc8: {  	s22 =	sadd.s32 $0x580, s16;
	s21 =	sadd.s32 $0xFFFFFFC0, s18  }
0xc9: {  	s19 =	sand.u32 $0x1FC00, s22;
	s17 =	sand.u32 $0x70, s21  }
0xca: {  	s17 =	sor.u32 s19, s17;
	[tilespmem:v1+s13+$0x0] =	vst.idx.msk $0xffff, v2  }
0xcb: {  	v1 =	vld [tilespmem:s17+$0x6300];
	_ =	sdelay $0x2  }
0xcc: {  	v2 =	vld [tilespmem:s17+$0x12700];
	_ =	sdelay $0x2  }
0xcd: {  	s24 =	sadd.s32 $0x600, s16;
	s23 =	sadd.s32 $0xFFFFFFD0, s18  }
0xce: {  	s19 =	sand.u32 $0x1FC00, s24;
	s17 =	sand.u32 $0x70, s23  }
0xcf: {  	s17 =	sor.u32 s19, s17;
	[tilespmem:v1+s13+$0x0] =	vst.idx.msk $0xffff, v2  }
0xd0: {  	v1 =	vld [tilespmem:s17+$0x6300];
	_ =	sdelay $0x2  }
0xd1: {  	v2 =	vld [tilespmem:s17+$0x12700];
	_ =	sdelay $0x2  }
0xd2: {  	s26 =	sadd.s32 $0x680, s16;
	s25 =	sadd.s32 $0xFFFFFFE0, s18  }
0xd3: {  	s19 =	sand.u32 $0x1FC00, s26;
	s17 =	sand.u32 $0x70, s25  }
0xd4: {  	s17 =	sor.u32 s19, s17;
	[tilespmem:v1+s13+$0x0] =	vst.idx.msk $0xffff, v2  }
0xd5: {  	v1 =	vld [tilespmem:s17+$0x6300];
	_ =	sdelay $0x2  }
0xd6: {  	v2 =	vld [tilespmem:s17+$0x12700];
	_ =	sdelay $0x2  }
0xd7: {  	s29 =	sadd.s32 $0x700, s16;
	s28 =	sadd.s32 $0xFFFFFFF0, s18  }
0xd8: {  	s19 =	sand.u32 $0x1FC00, s29;
	s17 =	sand.u32 $0x70, s28  }
0xd9: {  	s17 =	sor.u32 s19, s17;
	[tilespmem:v1+s13+$0x0] =	vst.idx.msk $0xffff, v2  }
0xda: {  	v1 =	vld [tilespmem:s17+$0x6300];
	_ =	sdelay $0x2  }
0xdb: {  	v2 =	vld [tilespmem:s17+$0x12700];
	_ =	sdelay $0x2  }
0xdc: {  	s30 =	sadd.s32 $0x780, s16  }
0xdd: {  	s31 =	sand.u32 $0x70, s18;
	s17 =	sand.u32 $0x1FC00, s30  }
0xde: {  	s17 =	sor.u32 s17, s31;
	[tilespmem:v1+s13+$0x0] =	vst.idx.msk $0xffff, v2  }
0xdf: {  	v1 =	vld [tilespmem:s17+$0x6300];
	_ =	sdelay $0x2  }
0xe0: {  	v2 =	vld [tilespmem:s17+$0x12700];
	_ =	sdelay $0x4  }
0xe1: {  	[tilespmem:v1+s13+$0x0] =	vst.idx.msk $0xffff, v2  }
0xe2: {  	v1 =	vld [tilespmem:s15+$0x6B00];
	_ =	sdelay $0x1  }
0xe3: {  	s14 =	sadd.s32 $0x11, s14  }
0xe4: {  	p1 =	slt.u32 s14, $0x176;
	v2 =	vld [tilespmem:s15+$0x12F00]  }
.Ltmp7:
0xe5: {  	_ = 	snop;
	(pc) =	sbr.rel @p1 .LBB2_14-.Ltmp7, $3  }
0xe6: {  	_ =	sdelay $0x1  }
0xe7: {  	s16 =	sadd.s32 $0x880, s16  }
0xe8: {  	s18 =	sadd.s32 $0x110, s18;
	s17 =	simm.s32 $0xF0;
	s15 =	simm.s32 $0xFFFFFFEF;
	[tilespmem:v1+s13+$0x0] =	vst.idx.msk $0xffff, v2  }
0xe9: {  	s14 =	simm.s32 $0xF0;
	s16 =	simm.s32 $0x0;
	s18 =	simm.s32 $0xFFFFFFEF  }
.LBB2_16:
0xea: {  	s19 =	sadd.s32 $0xFFFFFF10, s14  }
0xeb: {  	s20 =	sand.u32 $0xFC00, s16;
	s19 =	sand.u32 $0x70, s19  }
0xec: {  	s19 =	sor.u32 s20, s19  }
0xed: {  	v1 =	vld [tilespmem:s19+$0x6380];
	_ =	sdelay $0x2  }
0xee: {  	v2 =	vld [tilespmem:s19+$0x12780];
	_ =	sdelay $0x2  }
0xef: {  	s29 =	sadd.s32 $0xFFFFFF20, s14;
	s21 =	sadd.s32 $0x80, s16  }
0xf0: {  	s21 =	sand.u32 $0x1FC00, s21;
	s20 =	sand.u32 $0x70, s29  }
0xf1: {  	s20 =	sor.u32 s21, s20;
	[tilespmem:v1+s13+$0x0] =	vst.idx.msk $0xffff, v2  }
0xf2: {  	v1 =	vld [tilespmem:s20+$0x6380];
	_ =	sdelay $0x2  }
0xf3: {  	v2 =	vld [tilespmem:s20+$0x12780];
	_ =	sdelay $0x2  }
0xf4: {  	s30 =	sadd.s32 $0xFFFFFF30, s14;
	s31 =	sadd.s32 $0x100, s16  }
0xf5: {  	s21 =	sand.u32 $0x1FC00, s31;
	s20 =	sand.u32 $0x70, s30  }
0xf6: {  	s20 =	sor.u32 s21, s20;
	[tilespmem:v1+s13+$0x0] =	vst.idx.msk $0xffff, v2  }
0xf7: {  	v1 =	vld [tilespmem:s20+$0x6380];
	_ =	sdelay $0x2  }
0xf8: {  	v2 =	vld [tilespmem:s20+$0x12780];
	_ =	sdelay $0x2  }
0xf9: {  	s0 =	sadd.s32 $0xFFFFFF40, s14;
	s1 =	sadd.s32 $0x180, s16  }
0xfa: {  	s21 =	sand.u32 $0x1FC00, s1;
	s20 =	sand.u32 $0x70, s0  }
0xfb: {  	s20 =	sor.u32 s21, s20;
	[tilespmem:v1+s13+$0x0] =	vst.idx.msk $0xffff, v2  }
0xfc: {  	v1 =	vld [tilespmem:s20+$0x6380];
	_ =	sdelay $0x2  }
0xfd: {  	v2 =	vld [tilespmem:s20+$0x12780];
	_ =	sdelay $0x2  }
0xfe: {  	s22 =	sadd.s32 $0x200, s16;
	s21 =	sadd.s32 $0xFFFFFF50, s14  }
0xff: {  	s20 =	sand.u32 $0x70, s21;
	s21 =	sand.u32 $0x1FC00, s22  }
0x100: {  	s20 =	sor.u32 s21, s20;
	[tilespmem:v1+s13+$0x0] =	vst.idx.msk $0xffff, v2  }
0x101: {  	v1 =	vld [tilespmem:s20+$0x6380];
	_ =	sdelay $0x2  }
0x102: {  	v2 =	vld [tilespmem:s20+$0x12780];
	_ =	sdelay $0x2  }
0x103: {  	s23 =	sadd.s32 $0xFFFFFF60, s14;
	s24 =	sadd.s32 $0x280, s16  }
0x104: {  	s21 =	sand.u32 $0x1FC00, s24;
	s20 =	sand.u32 $0x70, s23  }
0x105: {  	s20 =	sor.u32 s21, s20;
	[tilespmem:v1+s13+$0x0] =	vst.idx.msk $0xffff, v2  }
0x106: {  	v1 =	vld [tilespmem:s20+$0x6380];
	_ =	sdelay $0x2  }
0x107: {  	v2 =	vld [tilespmem:s20+$0x12780];
	_ =	sdelay $0x2  }
0x108: {  	s25 =	sadd.s32 $0xFFFFFF70, s14;
	s26 =	sadd.s32 $0x300, s16  }
0x109: {  	s21 =	sand.u32 $0x1FC00, s26;
	s20 =	sand.u32 $0x70, s25  }
0x10a: {  	s20 =	sor.u32 s21, s20;
	[tilespmem:v1+s13+$0x0] =	vst.idx.msk $0xffff, v2  }
0x10b: {  	v1 =	vld [tilespmem:s20+$0x6380];
	_ =	sdelay $0x2  }
0x10c: {  	v2 =	vld [tilespmem:s20+$0x12780];
	_ =	sdelay $0x2  }
0x10d: {  	s28 =	sadd.s32 $0xFFFFFF80, s14;
	s29 =	sadd.s32 $0x380, s16  }
0x10e: {  	s21 =	sand.u32 $0x1FC00, s29;
	s20 =	sand.u32 $0x70, s28  }
0x10f: {  	s20 =	sor.u32 s21, s20;
	[tilespmem:v1+s13+$0x0] =	vst.idx.msk $0xffff, v2  }
0x110: {  	v1 =	vld [tilespmem:s20+$0x6380];
	_ =	sdelay $0x2  }
0x111: {  	v2 =	vld [tilespmem:s20+$0x12780];
	_ =	sdelay $0x4  }
0x112: {  	[tilespmem:v1+s13+$0x0] =	vst.idx.msk $0xffff, v2  }
0x113: {  	v1 =	vld [tilespmem:s19+$0x6780];
	_ =	sdelay $0x2  }
0x114: {  	v2 =	vld [tilespmem:s19+$0x12B80];
	_ =	sdelay $0x2  }
0x115: {  	s31 =	sadd.s32 $0x480, s16;
	s30 =	sadd.s32 $0xFFFFFFA0, s14  }
0x116: {  	s21 =	sand.u32 $0x1FC00, s31;
	s20 =	sand.u32 $0x70, s30  }
0x117: {  	s20 =	sor.u32 s21, s20;
	[tilespmem:v1+s13+$0x0] =	vst.idx.msk $0xffff, v2  }
0x118: {  	v1 =	vld [tilespmem:s20+$0x6380];
	_ =	sdelay $0x2  }
0x119: {  	v2 =	vld [tilespmem:s20+$0x12780];
	_ =	sdelay $0x2  }
0x11a: {  	s1 =	sadd.s32 $0x500, s16;
	s0 =	sadd.s32 $0xFFFFFFB0, s14  }
0x11b: {  	s21 =	sand.u32 $0x1FC00, s1;
	s20 =	sand.u32 $0x70, s0  }
0x11c: {  	s20 =	sor.u32 s21, s20;
	[tilespmem:v1+s13+$0x0] =	vst.idx.msk $0xffff, v2  }
0x11d: {  	v1 =	vld [tilespmem:s20+$0x6380];
	_ =	sdelay $0x2  }
0x11e: {  	v2 =	vld [tilespmem:s20+$0x12780];
	_ =	sdelay $0x2  }
0x11f: {  	s22 =	sadd.s32 $0x580, s16;
	s21 =	sadd.s32 $0xFFFFFFC0, s14  }
0x120: {  	s20 =	sand.u32 $0x70, s21;
	s21 =	sand.u32 $0x1FC00, s22  }
0x121: {  	s20 =	sor.u32 s21, s20;
	[tilespmem:v1+s13+$0x0] =	vst.idx.msk $0xffff, v2  }
0x122: {  	v1 =	vld [tilespmem:s20+$0x6380];
	_ =	sdelay $0x2  }
0x123: {  	v2 =	vld [tilespmem:s20+$0x12780];
	_ =	sdelay $0x2  }
0x124: {  	s24 =	sadd.s32 $0x600, s16;
	s23 =	sadd.s32 $0xFFFFFFD0, s14  }
0x125: {  	s21 =	sand.u32 $0x1FC00, s24;
	s20 =	sand.u32 $0x70, s23  }
0x126: {  	s20 =	sor.u32 s21, s20;
	[tilespmem:v1+s13+$0x0] =	vst.idx.msk $0xffff, v2  }
0x127: {  	v1 =	vld [tilespmem:s20+$0x6380];
	_ =	sdelay $0x2  }
0x128: {  	v2 =	vld [tilespmem:s20+$0x12780];
	_ =	sdelay $0x2  }
0x129: {  	s26 =	sadd.s32 $0x680, s16;
	s25 =	sadd.s32 $0xFFFFFFE0, s14  }
0x12a: {  	s21 =	sand.u32 $0x1FC00, s26;
	s20 =	sand.u32 $0x70, s25  }
0x12b: {  	s20 =	sor.u32 s21, s20;
	[tilespmem:v1+s13+$0x0] =	vst.idx.msk $0xffff, v2  }
0x12c: {  	v1 =	vld [tilespmem:s20+$0x6380];
	_ =	sdelay $0x2  }
0x12d: {  	v2 =	vld [tilespmem:s20+$0x12780];
	_ =	sdelay $0x2  }
0x12e: {  	s29 =	sadd.s32 $0x700, s16;
	s28 =	sadd.s32 $0xFFFFFFF0, s14  }
0x12f: {  	s21 =	sand.u32 $0x1FC00, s29;
	s20 =	sand.u32 $0x70, s28  }
0x130: {  	s20 =	sor.u32 s21, s20;
	[tilespmem:v1+s13+$0x0] =	vst.idx.msk $0xffff, v2  }
0x131: {  	v1 =	vld [tilespmem:s20+$0x6380];
	_ =	sdelay $0x2  }
0x132: {  	v2 =	vld [tilespmem:s20+$0x12780];
	_ =	sdelay $0x2  }
0x133: {  	s30 =	sadd.s32 $0x780, s16  }
0x134: {  	s31 =	sand.u32 $0x70, s14;
	s20 =	sand.u32 $0x1FC00, s30  }
0x135: {  	s20 =	sor.u32 s20, s31;
	[tilespmem:v1+s13+$0x0] =	vst.idx.msk $0xffff, v2  }
0x136: {  	v1 =	vld [tilespmem:s20+$0x6380];
	_ =	sdelay $0x2  }
0x137: {  	v2 =	vld [tilespmem:s20+$0x12780];
	_ =	sdelay $0x4  }
0x138: {  	[tilespmem:v1+s13+$0x0] =	vst.idx.msk $0xffff, v2  }
0x139: {  	v1 =	vld [tilespmem:s19+$0x6B80];
	_ =	sdelay $0x1  }
0x13a: {  	s18 =	sadd.s32 $0x11, s18  }
0x13b: {  	p1 =	slt.u32 s18, $0x176;
	v2 =	vld [tilespmem:s19+$0x12F80]  }
.Ltmp8:
0x13c: {  	_ = 	snop;
	(pc) =	sbr.rel @p1 .LBB2_16-.Ltmp8, $2  }
0x13d: {  	_ =	sdelay $0x2  }
0x13e: {  	s16 =	sadd.s32 $0x880, s16;
	s14 =	sadd.s32 $0x110, s14;
	[tilespmem:v1+s13+$0x0] =	vst.idx.msk $0xffff, v2  }
.LBB2_17:
0x13f: {  	s14 =	sadd.s32 $0xFFFFFF10, s17  }
0x140: {  	s16 =	sand.u32 $0xFC00, s13;
	s14 =	sand.u32 $0x70, s14  }
0x141: {  	s16 =	sor.u32 s16, s14  }
0x142: {  	v1 =	vld [tilespmem:s16+$0x6400];
	_ =	sdelay $0x2  }
0x143: {  	v2 =	vld [tilespmem:s16+$0x12800];
	_ =	sdelay $0x2  }
0x144: {  	s18 =	sadd.s32 $0xFFFFFF20, s17;
	s19 =	sadd.s32 $0x80, s13  }
0x145: {  	s18 =	sand.u32 $0x70, s18;
	s19 =	sand.u32 $0x1FC00, s19;
	s14 =	simm.s32 $0x0  }
0x146: {  	s18 =	sor.u32 s19, s18;
	[tilespmem:v1+s14+$0x0] =	vst.idx.msk $0xffff, v2  }
0x147: {  	v1 =	vld [tilespmem:s18+$0x6400];
	_ =	sdelay $0x2  }
0x148: {  	v2 =	vld [tilespmem:s18+$0x12800];
	_ =	sdelay $0x2  }
0x149: {  	s20 =	sadd.s32 $0x100, s13;
	s19 =	sadd.s32 $0xFFFFFF30, s17  }
0x14a: {  	s18 =	sand.u32 $0x70, s19;
	s19 =	sand.u32 $0x1FC00, s20  }
0x14b: {  	s18 =	sor.u32 s19, s18;
	[tilespmem:v1+s14+$0x0] =	vst.idx.msk $0xffff, v2  }
0x14c: {  	v1 =	vld [tilespmem:s18+$0x6400];
	_ =	sdelay $0x2  }
0x14d: {  	v2 =	vld [tilespmem:s18+$0x12800];
	_ =	sdelay $0x2  }
0x14e: {  	s21 =	sadd.s32 $0xFFFFFF40, s17;
	s22 =	sadd.s32 $0x180, s13  }
0x14f: {  	s19 =	sand.u32 $0x1FC00, s22;
	s18 =	sand.u32 $0x70, s21  }
0x150: {  	s18 =	sor.u32 s19, s18;
	[tilespmem:v1+s14+$0x0] =	vst.idx.msk $0xffff, v2  }
0x151: {  	v1 =	vld [tilespmem:s18+$0x6400];
	_ =	sdelay $0x2  }
0x152: {  	v2 =	vld [tilespmem:s18+$0x12800];
	_ =	sdelay $0x2  }
0x153: {  	s23 =	sadd.s32 $0xFFFFFF50, s17;
	s24 =	sadd.s32 $0x200, s13  }
0x154: {  	s19 =	sand.u32 $0x1FC00, s24;
	s18 =	sand.u32 $0x70, s23  }
0x155: {  	s18 =	sor.u32 s19, s18;
	[tilespmem:v1+s14+$0x0] =	vst.idx.msk $0xffff, v2  }
0x156: {  	v1 =	vld [tilespmem:s18+$0x6400];
	_ =	sdelay $0x2  }
0x157: {  	v2 =	vld [tilespmem:s18+$0x12800];
	_ =	sdelay $0x2  }
0x158: {  	s25 =	sadd.s32 $0xFFFFFF60, s17;
	s26 =	sadd.s32 $0x280, s13  }
0x159: {  	s19 =	sand.u32 $0x1FC00, s26;
	s18 =	sand.u32 $0x70, s25  }
0x15a: {  	s18 =	sor.u32 s19, s18;
	[tilespmem:v1+s14+$0x0] =	vst.idx.msk $0xffff, v2  }
0x15b: {  	v1 =	vld [tilespmem:s18+$0x6400];
	_ =	sdelay $0x2  }
0x15c: {  	v2 =	vld [tilespmem:s18+$0x12800];
	_ =	sdelay $0x2  }
0x15d: {  	s28 =	sadd.s32 $0xFFFFFF70, s17;
	s29 =	sadd.s32 $0x300, s13  }
0x15e: {  	s19 =	sand.u32 $0x1FC00, s29;
	s18 =	sand.u32 $0x70, s28  }
0x15f: {  	s18 =	sor.u32 s19, s18;
	[tilespmem:v1+s14+$0x0] =	vst.idx.msk $0xffff, v2  }
0x160: {  	v1 =	vld [tilespmem:s18+$0x6400];
	_ =	sdelay $0x2  }
0x161: {  	v2 =	vld [tilespmem:s18+$0x12800];
	_ =	sdelay $0x2  }
0x162: {  	s30 =	sadd.s32 $0xFFFFFF80, s17;
	s31 =	sadd.s32 $0x380, s13  }
0x163: {  	s19 =	sand.u32 $0x1FC00, s31;
	s18 =	sand.u32 $0x70, s30  }
0x164: {  	s18 =	sor.u32 s19, s18;
	[tilespmem:v1+s14+$0x0] =	vst.idx.msk $0xffff, v2  }
0x165: {  	v1 =	vld [tilespmem:s18+$0x6400];
	_ =	sdelay $0x2  }
0x166: {  	v2 =	vld [tilespmem:s18+$0x12800];
	_ =	sdelay $0x4  }
0x167: {  	[tilespmem:v1+s14+$0x0] =	vst.idx.msk $0xffff, v2  }
0x168: {  	v1 =	vld [tilespmem:s16+$0x6800];
	_ =	sdelay $0x2  }
0x169: {  	v2 =	vld [tilespmem:s16+$0x12C00];
	_ =	sdelay $0x2  }
0x16a: {  	s0 =	sadd.s32 $0xFFFFFFA0, s17;
	s1 =	sadd.s32 $0x480, s13  }
0x16b: {  	s19 =	sand.u32 $0x1FC00, s1;
	s18 =	sand.u32 $0x70, s0  }
0x16c: {  	s18 =	sor.u32 s19, s18;
	[tilespmem:v1+s14+$0x0] =	vst.idx.msk $0xffff, v2  }
0x16d: {  	v1 =	vld [tilespmem:s18+$0x6400];
	_ =	sdelay $0x2  }
0x16e: {  	v2 =	vld [tilespmem:s18+$0x12800];
	_ =	sdelay $0x2  }
0x16f: {  	s20 =	sadd.s32 $0x500, s13;
	s19 =	sadd.s32 $0xFFFFFFB0, s17  }
0x170: {  	s18 =	sand.u32 $0x70, s19;
	s19 =	sand.u32 $0x1FC00, s20  }
0x171: {  	s18 =	sor.u32 s19, s18;
	[tilespmem:v1+s14+$0x0] =	vst.idx.msk $0xffff, v2  }
0x172: {  	v1 =	vld [tilespmem:s18+$0x6400];
	_ =	sdelay $0x2  }
0x173: {  	v2 =	vld [tilespmem:s18+$0x12800];
	_ =	sdelay $0x2  }
0x174: {  	s22 =	sadd.s32 $0x580, s13;
	s21 =	sadd.s32 $0xFFFFFFC0, s17  }
0x175: {  	s19 =	sand.u32 $0x1FC00, s22;
	s18 =	sand.u32 $0x70, s21  }
0x176: {  	s18 =	sor.u32 s19, s18;
	[tilespmem:v1+s14+$0x0] =	vst.idx.msk $0xffff, v2  }
0x177: {  	v1 =	vld [tilespmem:s18+$0x6400];
	_ =	sdelay $0x2  }
0x178: {  	v2 =	vld [tilespmem:s18+$0x12800];
	_ =	sdelay $0x2  }
0x179: {  	s24 =	sadd.s32 $0x600, s13;
	s23 =	sadd.s32 $0xFFFFFFD0, s17  }
0x17a: {  	s19 =	sand.u32 $0x1FC00, s24;
	s18 =	sand.u32 $0x70, s23  }
0x17b: {  	s18 =	sor.u32 s19, s18;
	[tilespmem:v1+s14+$0x0] =	vst.idx.msk $0xffff, v2  }
0x17c: {  	v1 =	vld [tilespmem:s18+$0x6400];
	_ =	sdelay $0x2  }
0x17d: {  	v2 =	vld [tilespmem:s18+$0x12800];
	_ =	sdelay $0x2  }
0x17e: {  	s26 =	sadd.s32 $0x680, s13;
	s25 =	sadd.s32 $0xFFFFFFE0, s17  }
0x17f: {  	s19 =	sand.u32 $0x1FC00, s26;
	s18 =	sand.u32 $0x70, s25  }
0x180: {  	s18 =	sor.u32 s19, s18;
	[tilespmem:v1+s14+$0x0] =	vst.idx.msk $0xffff, v2  }
0x181: {  	v1 =	vld [tilespmem:s18+$0x6400];
	_ =	sdelay $0x2  }
0x182: {  	v2 =	vld [tilespmem:s18+$0x12800];
	_ =	sdelay $0x2  }
0x183: {  	s29 =	sadd.s32 $0x700, s13;
	s28 =	sadd.s32 $0xFFFFFFF0, s17  }
0x184: {  	s19 =	sand.u32 $0x1FC00, s29;
	s18 =	sand.u32 $0x70, s28  }
0x185: {  	s18 =	sor.u32 s19, s18;
	[tilespmem:v1+s14+$0x0] =	vst.idx.msk $0xffff, v2  }
0x186: {  	v1 =	vld [tilespmem:s18+$0x6400];
	_ =	sdelay $0x2  }
0x187: {  	v2 =	vld [tilespmem:s18+$0x12800];
	_ =	sdelay $0x2  }
0x188: {  	s30 =	sadd.s32 $0x780, s13  }
0x189: {  	s31 =	sand.u32 $0x70, s17;
	s18 =	sand.u32 $0x1FC00, s30  }
0x18a: {  	s18 =	sor.u32 s18, s31;
	[tilespmem:v1+s14+$0x0] =	vst.idx.msk $0xffff, v2  }
0x18b: {  	v1 =	vld [tilespmem:s18+$0x6400];
	_ =	sdelay $0x2  }
0x18c: {  	v2 =	vld [tilespmem:s18+$0x12800];
	_ =	sdelay $0x4  }
0x18d: {  	[tilespmem:v1+s14+$0x0] =	vst.idx.msk $0xffff, v2  }
0x18e: {  	v1 =	vld [tilespmem:s16+$0x6C00];
	_ =	sdelay $0x1  }
0x18f: {  	s15 =	sadd.s32 $0x11, s15  }
0x190: {  	p1 =	slt.u32 s15, $0x176;
	v2 =	vld [tilespmem:s16+$0x13000]  }
.Ltmp9:
0x191: {  	_ = 	snop;
	(pc) =	sbr.rel @p1 .LBB2_17-.Ltmp9, $3  }
0x192: {  	_ =	sdelay $0x1  }
0x193: {  	s13 =	sadd.s32 $0x880, s13  }
0x194: {  	s17 =	sadd.s32 $0x110, s17;
	s18 =	simm.s32 $0xF0;
	s16 =	simm.s32 $0xFFFFFFEF;
	[tilespmem:v1+s14+$0x0] =	vst.idx.msk $0xffff, v2  }
0x195: {  	s13 =	simm.s32 $0xF0;
	s15 =	simm.s32 $0x0;
	s17 =	simm.s32 $0xFFFFFFEF  }
.LBB2_19:
0x196: {  	s19 =	sadd.s32 $0xFFFFFF10, s13  }
0x197: {  	s20 =	sand.u32 $0xFC00, s15;
	s19 =	sand.u32 $0x70, s19  }
0x198: {  	s19 =	sor.u32 s20, s19  }
0x199: {  	v1 =	vld [tilespmem:s19+$0x6480];
	_ =	sdelay $0x2  }
0x19a: {  	v2 =	vld [tilespmem:s19+$0x12880];
	_ =	sdelay $0x2  }
0x19b: {  	s29 =	sadd.s32 $0xFFFFFF20, s13;
	s21 =	sadd.s32 $0x80, s15  }
0x19c: {  	s21 =	sand.u32 $0x1FC00, s21;
	s20 =	sand.u32 $0x70, s29  }
0x19d: {  	s20 =	sor.u32 s21, s20;
	[tilespmem:v1+s14+$0x0] =	vst.idx.msk $0xffff, v2  }
0x19e: {  	v1 =	vld [tilespmem:s20+$0x6480];
	_ =	sdelay $0x2  }
0x19f: {  	v2 =	vld [tilespmem:s20+$0x12880];
	_ =	sdelay $0x2  }
0x1a0: {  	s30 =	sadd.s32 $0xFFFFFF30, s13;
	s31 =	sadd.s32 $0x100, s15  }
0x1a1: {  	s21 =	sand.u32 $0x1FC00, s31;
	s20 =	sand.u32 $0x70, s30  }
0x1a2: {  	s20 =	sor.u32 s21, s20;
	[tilespmem:v1+s14+$0x0] =	vst.idx.msk $0xffff, v2  }
0x1a3: {  	v1 =	vld [tilespmem:s20+$0x6480];
	_ =	sdelay $0x2  }
0x1a4: {  	v2 =	vld [tilespmem:s20+$0x12880];
	_ =	sdelay $0x2  }
0x1a5: {  	s0 =	sadd.s32 $0xFFFFFF40, s13;
	s1 =	sadd.s32 $0x180, s15  }
0x1a6: {  	s21 =	sand.u32 $0x1FC00, s1;
	s20 =	sand.u32 $0x70, s0  }
0x1a7: {  	s20 =	sor.u32 s21, s20;
	[tilespmem:v1+s14+$0x0] =	vst.idx.msk $0xffff, v2  }
0x1a8: {  	v1 =	vld [tilespmem:s20+$0x6480];
	_ =	sdelay $0x2  }
0x1a9: {  	v2 =	vld [tilespmem:s20+$0x12880];
	_ =	sdelay $0x2  }
0x1aa: {  	s22 =	sadd.s32 $0x200, s15;
	s21 =	sadd.s32 $0xFFFFFF50, s13  }
0x1ab: {  	s20 =	sand.u32 $0x70, s21;
	s21 =	sand.u32 $0x1FC00, s22  }
0x1ac: {  	s20 =	sor.u32 s21, s20;
	[tilespmem:v1+s14+$0x0] =	vst.idx.msk $0xffff, v2  }
0x1ad: {  	v1 =	vld [tilespmem:s20+$0x6480];
	_ =	sdelay $0x2  }
0x1ae: {  	v2 =	vld [tilespmem:s20+$0x12880];
	_ =	sdelay $0x2  }
0x1af: {  	s23 =	sadd.s32 $0xFFFFFF60, s13;
	s24 =	sadd.s32 $0x280, s15  }
0x1b0: {  	s21 =	sand.u32 $0x1FC00, s24;
	s20 =	sand.u32 $0x70, s23  }
0x1b1: {  	s20 =	sor.u32 s21, s20;
	[tilespmem:v1+s14+$0x0] =	vst.idx.msk $0xffff, v2  }
0x1b2: {  	v1 =	vld [tilespmem:s20+$0x6480];
	_ =	sdelay $0x2  }
0x1b3: {  	v2 =	vld [tilespmem:s20+$0x12880];
	_ =	sdelay $0x2  }
0x1b4: {  	s25 =	sadd.s32 $0xFFFFFF70, s13;
	s26 =	sadd.s32 $0x300, s15  }
0x1b5: {  	s21 =	sand.u32 $0x1FC00, s26;
	s20 =	sand.u32 $0x70, s25  }
0x1b6: {  	s20 =	sor.u32 s21, s20;
	[tilespmem:v1+s14+$0x0] =	vst.idx.msk $0xffff, v2  }
0x1b7: {  	v1 =	vld [tilespmem:s20+$0x6480];
	_ =	sdelay $0x2  }
0x1b8: {  	v2 =	vld [tilespmem:s20+$0x12880];
	_ =	sdelay $0x2  }
0x1b9: {  	s28 =	sadd.s32 $0xFFFFFF80, s13;
	s29 =	sadd.s32 $0x380, s15  }
0x1ba: {  	s21 =	sand.u32 $0x1FC00, s29;
	s20 =	sand.u32 $0x70, s28  }
0x1bb: {  	s20 =	sor.u32 s21, s20;
	[tilespmem:v1+s14+$0x0] =	vst.idx.msk $0xffff, v2  }
0x1bc: {  	v1 =	vld [tilespmem:s20+$0x6480];
	_ =	sdelay $0x2  }
0x1bd: {  	v2 =	vld [tilespmem:s20+$0x12880];
	_ =	sdelay $0x4  }
0x1be: {  	[tilespmem:v1+s14+$0x0] =	vst.idx.msk $0xffff, v2  }
0x1bf: {  	v1 =	vld [tilespmem:s19+$0x6880];
	_ =	sdelay $0x2  }
0x1c0: {  	v2 =	vld [tilespmem:s19+$0x12C80];
	_ =	sdelay $0x2  }
0x1c1: {  	s31 =	sadd.s32 $0x480, s15;
	s30 =	sadd.s32 $0xFFFFFFA0, s13  }
0x1c2: {  	s21 =	sand.u32 $0x1FC00, s31;
	s20 =	sand.u32 $0x70, s30  }
0x1c3: {  	s20 =	sor.u32 s21, s20;
	[tilespmem:v1+s14+$0x0] =	vst.idx.msk $0xffff, v2  }
0x1c4: {  	v1 =	vld [tilespmem:s20+$0x6480];
	_ =	sdelay $0x2  }
0x1c5: {  	v2 =	vld [tilespmem:s20+$0x12880];
	_ =	sdelay $0x2  }
0x1c6: {  	s1 =	sadd.s32 $0x500, s15;
	s0 =	sadd.s32 $0xFFFFFFB0, s13  }
0x1c7: {  	s21 =	sand.u32 $0x1FC00, s1;
	s20 =	sand.u32 $0x70, s0  }
0x1c8: {  	s20 =	sor.u32 s21, s20;
	[tilespmem:v1+s14+$0x0] =	vst.idx.msk $0xffff, v2  }
0x1c9: {  	v1 =	vld [tilespmem:s20+$0x6480];
	_ =	sdelay $0x2  }
0x1ca: {  	v2 =	vld [tilespmem:s20+$0x12880];
	_ =	sdelay $0x2  }
0x1cb: {  	s22 =	sadd.s32 $0x580, s15;
	s21 =	sadd.s32 $0xFFFFFFC0, s13  }
0x1cc: {  	s20 =	sand.u32 $0x70, s21;
	s21 =	sand.u32 $0x1FC00, s22  }
0x1cd: {  	s20 =	sor.u32 s21, s20;
	[tilespmem:v1+s14+$0x0] =	vst.idx.msk $0xffff, v2  }
0x1ce: {  	v1 =	vld [tilespmem:s20+$0x6480];
	_ =	sdelay $0x2  }
0x1cf: {  	v2 =	vld [tilespmem:s20+$0x12880];
	_ =	sdelay $0x2  }
0x1d0: {  	s24 =	sadd.s32 $0x600, s15;
	s23 =	sadd.s32 $0xFFFFFFD0, s13  }
0x1d1: {  	s21 =	sand.u32 $0x1FC00, s24;
	s20 =	sand.u32 $0x70, s23  }
0x1d2: {  	s20 =	sor.u32 s21, s20;
	[tilespmem:v1+s14+$0x0] =	vst.idx.msk $0xffff, v2  }
0x1d3: {  	v1 =	vld [tilespmem:s20+$0x6480];
	_ =	sdelay $0x2  }
0x1d4: {  	v2 =	vld [tilespmem:s20+$0x12880];
	_ =	sdelay $0x2  }
0x1d5: {  	s26 =	sadd.s32 $0x680, s15;
	s25 =	sadd.s32 $0xFFFFFFE0, s13  }
0x1d6: {  	s21 =	sand.u32 $0x1FC00, s26;
	s20 =	sand.u32 $0x70, s25  }
0x1d7: {  	s20 =	sor.u32 s21, s20;
	[tilespmem:v1+s14+$0x0] =	vst.idx.msk $0xffff, v2  }
0x1d8: {  	v1 =	vld [tilespmem:s20+$0x6480];
	_ =	sdelay $0x2  }
0x1d9: {  	v2 =	vld [tilespmem:s20+$0x12880];
	_ =	sdelay $0x2  }
0x1da: {  	s29 =	sadd.s32 $0x700, s15;
	s28 =	sadd.s32 $0xFFFFFFF0, s13  }
0x1db: {  	s21 =	sand.u32 $0x1FC00, s29;
	s20 =	sand.u32 $0x70, s28  }
0x1dc: {  	s20 =	sor.u32 s21, s20;
	[tilespmem:v1+s14+$0x0] =	vst.idx.msk $0xffff, v2  }
0x1dd: {  	v1 =	vld [tilespmem:s20+$0x6480];
	_ =	sdelay $0x2  }
0x1de: {  	v2 =	vld [tilespmem:s20+$0x12880];
	_ =	sdelay $0x2  }
0x1df: {  	s30 =	sadd.s32 $0x780, s15  }
0x1e0: {  	s31 =	sand.u32 $0x70, s13;
	s20 =	sand.u32 $0x1FC00, s30  }
0x1e1: {  	s20 =	sor.u32 s20, s31;
	[tilespmem:v1+s14+$0x0] =	vst.idx.msk $0xffff, v2  }
0x1e2: {  	v1 =	vld [tilespmem:s20+$0x6480];
	_ =	sdelay $0x2  }
0x1e3: {  	v2 =	vld [tilespmem:s20+$0x12880];
	_ =	sdelay $0x4  }
0x1e4: {  	[tilespmem:v1+s14+$0x0] =	vst.idx.msk $0xffff, v2  }
0x1e5: {  	v1 =	vld [tilespmem:s19+$0x6C80];
	_ =	sdelay $0x1  }
0x1e6: {  	s17 =	sadd.s32 $0x11, s17  }
0x1e7: {  	p1 =	slt.u32 s17, $0x176;
	v2 =	vld [tilespmem:s19+$0x13080]  }
.Ltmp10:
0x1e8: {  	_ = 	snop;
	(pc) =	sbr.rel @p1 .LBB2_19-.Ltmp10, $2  }
0x1e9: {  	_ =	sdelay $0x2  }
0x1ea: {  	s15 =	sadd.s32 $0x880, s15;
	s13 =	sadd.s32 $0x110, s13;
	[tilespmem:v1+s14+$0x0] =	vst.idx.msk $0xffff, v2  }
.LBB2_20:
0x1eb: {  	s13 =	sadd.s32 $0xFFFFFF10, s18  }
0x1ec: {  	s15 =	sand.u32 $0xFC00, s14;
	s13 =	sand.u32 $0x70, s13  }
0x1ed: {  	s15 =	sor.u32 s15, s13  }
0x1ee: {  	v1 =	vld [tilespmem:s15+$0x6500];
	_ =	sdelay $0x2  }
0x1ef: {  	v2 =	vld [tilespmem:s15+$0x12900];
	_ =	sdelay $0x2  }
0x1f0: {  	s17 =	sadd.s32 $0xFFFFFF20, s18;
	s19 =	sadd.s32 $0x80, s14  }
0x1f1: {  	s17 =	sand.u32 $0x70, s17;
	s19 =	sand.u32 $0x1FC00, s19;
	s13 =	simm.s32 $0x0  }
0x1f2: {  	s17 =	sor.u32 s19, s17;
	[tilespmem:v1+s13+$0x0] =	vst.idx.msk $0xffff, v2  }
0x1f3: {  	v1 =	vld [tilespmem:s17+$0x6500];
	_ =	sdelay $0x2  }
0x1f4: {  	v2 =	vld [tilespmem:s17+$0x12900];
	_ =	sdelay $0x2  }
0x1f5: {  	s20 =	sadd.s32 $0x100, s14;
	s19 =	sadd.s32 $0xFFFFFF30, s18  }
0x1f6: {  	s17 =	sand.u32 $0x70, s19;
	s19 =	sand.u32 $0x1FC00, s20  }
0x1f7: {  	s17 =	sor.u32 s19, s17;
	[tilespmem:v1+s13+$0x0] =	vst.idx.msk $0xffff, v2  }
0x1f8: {  	v1 =	vld [tilespmem:s17+$0x6500];
	_ =	sdelay $0x2  }
0x1f9: {  	v2 =	vld [tilespmem:s17+$0x12900];
	_ =	sdelay $0x2  }
0x1fa: {  	s21 =	sadd.s32 $0xFFFFFF40, s18;
	s22 =	sadd.s32 $0x180, s14  }
0x1fb: {  	s19 =	sand.u32 $0x1FC00, s22;
	s17 =	sand.u32 $0x70, s21  }
0x1fc: {  	s17 =	sor.u32 s19, s17;
	[tilespmem:v1+s13+$0x0] =	vst.idx.msk $0xffff, v2  }
0x1fd: {  	v1 =	vld [tilespmem:s17+$0x6500];
	_ =	sdelay $0x2  }
0x1fe: {  	v2 =	vld [tilespmem:s17+$0x12900];
	_ =	sdelay $0x2  }
0x1ff: {  	s23 =	sadd.s32 $0xFFFFFF50, s18;
	s24 =	sadd.s32 $0x200, s14  }
0x200: {  	s19 =	sand.u32 $0x1FC00, s24;
	s17 =	sand.u32 $0x70, s23  }
0x201: {  	s17 =	sor.u32 s19, s17;
	[tilespmem:v1+s13+$0x0] =	vst.idx.msk $0xffff, v2  }
0x202: {  	v1 =	vld [tilespmem:s17+$0x6500];
	_ =	sdelay $0x2  }
0x203: {  	v2 =	vld [tilespmem:s17+$0x12900];
	_ =	sdelay $0x2  }
0x204: {  	s25 =	sadd.s32 $0xFFFFFF60, s18;
	s26 =	sadd.s32 $0x280, s14  }
0x205: {  	s19 =	sand.u32 $0x1FC00, s26;
	s17 =	sand.u32 $0x70, s25  }
0x206: {  	s17 =	sor.u32 s19, s17;
	[tilespmem:v1+s13+$0x0] =	vst.idx.msk $0xffff, v2  }
0x207: {  	v1 =	vld [tilespmem:s17+$0x6500];
	_ =	sdelay $0x2  }
0x208: {  	v2 =	vld [tilespmem:s17+$0x12900];
	_ =	sdelay $0x2  }
0x209: {  	s28 =	sadd.s32 $0xFFFFFF70, s18;
	s29 =	sadd.s32 $0x300, s14  }
0x20a: {  	s19 =	sand.u32 $0x1FC00, s29;
	s17 =	sand.u32 $0x70, s28  }
0x20b: {  	s17 =	sor.u32 s19, s17;
	[tilespmem:v1+s13+$0x0] =	vst.idx.msk $0xffff, v2  }
0x20c: {  	v1 =	vld [tilespmem:s17+$0x6500];
	_ =	sdelay $0x2  }
0x20d: {  	v2 =	vld [tilespmem:s17+$0x12900];
	_ =	sdelay $0x2  }
0x20e: {  	s30 =	sadd.s32 $0xFFFFFF80, s18;
	s31 =	sadd.s32 $0x380, s14  }
0x20f: {  	s19 =	sand.u32 $0x1FC00, s31;
	s17 =	sand.u32 $0x70, s30  }
0x210: {  	s17 =	sor.u32 s19, s17;
	[tilespmem:v1+s13+$0x0] =	vst.idx.msk $0xffff, v2  }
0x211: {  	v1 =	vld [tilespmem:s17+$0x6500];
	_ =	sdelay $0x2  }
0x212: {  	v2 =	vld [tilespmem:s17+$0x12900];
	_ =	sdelay $0x4  }
0x213: {  	[tilespmem:v1+s13+$0x0] =	vst.idx.msk $0xffff, v2  }
0x214: {  	v1 =	vld [tilespmem:s15+$0x6900];
	_ =	sdelay $0x2  }
0x215: {  	v2 =	vld [tilespmem:s15+$0x12D00];
	_ =	sdelay $0x2  }
0x216: {  	s0 =	sadd.s32 $0xFFFFFFA0, s18;
	s1 =	sadd.s32 $0x480, s14  }
0x217: {  	s19 =	sand.u32 $0x1FC00, s1;
	s17 =	sand.u32 $0x70, s0  }
0x218: {  	s17 =	sor.u32 s19, s17;
	[tilespmem:v1+s13+$0x0] =	vst.idx.msk $0xffff, v2  }
0x219: {  	v1 =	vld [tilespmem:s17+$0x6500];
	_ =	sdelay $0x2  }
0x21a: {  	v2 =	vld [tilespmem:s17+$0x12900];
	_ =	sdelay $0x2  }
0x21b: {  	s20 =	sadd.s32 $0x500, s14;
	s19 =	sadd.s32 $0xFFFFFFB0, s18  }
0x21c: {  	s17 =	sand.u32 $0x70, s19;
	s19 =	sand.u32 $0x1FC00, s20  }
0x21d: {  	s17 =	sor.u32 s19, s17;
	[tilespmem:v1+s13+$0x0] =	vst.idx.msk $0xffff, v2  }
0x21e: {  	v1 =	vld [tilespmem:s17+$0x6500];
	_ =	sdelay $0x2  }
0x21f: {  	v2 =	vld [tilespmem:s17+$0x12900];
	_ =	sdelay $0x2  }
0x220: {  	s22 =	sadd.s32 $0x580, s14;
	s21 =	sadd.s32 $0xFFFFFFC0, s18  }
0x221: {  	s19 =	sand.u32 $0x1FC00, s22;
	s17 =	sand.u32 $0x70, s21  }
0x222: {  	s17 =	sor.u32 s19, s17;
	[tilespmem:v1+s13+$0x0] =	vst.idx.msk $0xffff, v2  }
0x223: {  	v1 =	vld [tilespmem:s17+$0x6500];
	_ =	sdelay $0x2  }
0x224: {  	v2 =	vld [tilespmem:s17+$0x12900];
	_ =	sdelay $0x2  }
0x225: {  	s24 =	sadd.s32 $0x600, s14;
	s23 =	sadd.s32 $0xFFFFFFD0, s18  }
0x226: {  	s19 =	sand.u32 $0x1FC00, s24;
	s17 =	sand.u32 $0x70, s23  }
0x227: {  	s17 =	sor.u32 s19, s17;
	[tilespmem:v1+s13+$0x0] =	vst.idx.msk $0xffff, v2  }
0x228: {  	v1 =	vld [tilespmem:s17+$0x6500];
	_ =	sdelay $0x2  }
0x229: {  	v2 =	vld [tilespmem:s17+$0x12900];
	_ =	sdelay $0x2  }
0x22a: {  	s26 =	sadd.s32 $0x680, s14;
	s25 =	sadd.s32 $0xFFFFFFE0, s18  }
0x22b: {  	s19 =	sand.u32 $0x1FC00, s26;
	s17 =	sand.u32 $0x70, s25  }
0x22c: {  	s17 =	sor.u32 s19, s17;
	[tilespmem:v1+s13+$0x0] =	vst.idx.msk $0xffff, v2  }
0x22d: {  	v1 =	vld [tilespmem:s17+$0x6500];
	_ =	sdelay $0x2  }
0x22e: {  	v2 =	vld [tilespmem:s17+$0x12900];
	_ =	sdelay $0x2  }
0x22f: {  	s29 =	sadd.s32 $0x700, s14;
	s28 =	sadd.s32 $0xFFFFFFF0, s18  }
0x230: {  	s19 =	sand.u32 $0x1FC00, s29;
	s17 =	sand.u32 $0x70, s28  }
0x231: {  	s17 =	sor.u32 s19, s17;
	[tilespmem:v1+s13+$0x0] =	vst.idx.msk $0xffff, v2  }
0x232: {  	v1 =	vld [tilespmem:s17+$0x6500];
	_ =	sdelay $0x2  }
0x233: {  	v2 =	vld [tilespmem:s17+$0x12900];
	_ =	sdelay $0x2  }
0x234: {  	s30 =	sadd.s32 $0x780, s14  }
0x235: {  	s31 =	sand.u32 $0x70, s18;
	s17 =	sand.u32 $0x1FC00, s30  }
0x236: {  	s17 =	sor.u32 s17, s31;
	[tilespmem:v1+s13+$0x0] =	vst.idx.msk $0xffff, v2  }
0x237: {  	v1 =	vld [tilespmem:s17+$0x6500];
	_ =	sdelay $0x2  }
0x238: {  	v2 =	vld [tilespmem:s17+$0x12900];
	_ =	sdelay $0x4  }
0x239: {  	[tilespmem:v1+s13+$0x0] =	vst.idx.msk $0xffff, v2  }
0x23a: {  	v1 =	vld [tilespmem:s15+$0x6D00];
	_ =	sdelay $0x1  }
0x23b: {  	s16 =	sadd.s32 $0x11, s16  }
0x23c: {  	p1 =	slt.u32 s16, $0x176;
	v2 =	vld [tilespmem:s15+$0x13100]  }
.Ltmp11:
0x23d: {  	_ = 	snop;
	(pc) =	sbr.rel @p1 .LBB2_20-.Ltmp11, $3  }
0x23e: {  	_ =	sdelay $0x1  }
0x23f: {  	s14 =	sadd.s32 $0x880, s14  }
0x240: {  	s18 =	sadd.s32 $0x110, s18;
	s17 =	simm.s32 $0xF0;
	s15 =	simm.s32 $0xFFFFFFEF;
	[tilespmem:v1+s13+$0x0] =	vst.idx.msk $0xffff, v2  }
0x241: {  	s14 =	simm.s32 $0xF0;
	s16 =	simm.s32 $0x0;
	s18 =	simm.s32 $0xFFFFFFEF  }
.LBB2_22:
0x242: {  	s19 =	sadd.s32 $0xFFFFFF10, s14  }
0x243: {  	s20 =	sand.u32 $0xFC00, s16;
	s19 =	sand.u32 $0x70, s19  }
0x244: {  	s19 =	sor.u32 s20, s19  }
0x245: {  	v1 =	vld [tilespmem:s19+$0x6580];
	_ =	sdelay $0x2  }
0x246: {  	v2 =	vld [tilespmem:s19+$0x12980];
	_ =	sdelay $0x2  }
0x247: {  	s29 =	sadd.s32 $0xFFFFFF20, s14;
	s21 =	sadd.s32 $0x80, s16  }
0x248: {  	s21 =	sand.u32 $0x1FC00, s21;
	s20 =	sand.u32 $0x70, s29  }
0x249: {  	s20 =	sor.u32 s21, s20;
	[tilespmem:v1+s13+$0x0] =	vst.idx.msk $0xffff, v2  }
0x24a: {  	v1 =	vld [tilespmem:s20+$0x6580];
	_ =	sdelay $0x2  }
0x24b: {  	v2 =	vld [tilespmem:s20+$0x12980];
	_ =	sdelay $0x2  }
0x24c: {  	s30 =	sadd.s32 $0xFFFFFF30, s14;
	s31 =	sadd.s32 $0x100, s16  }
0x24d: {  	s21 =	sand.u32 $0x1FC00, s31;
	s20 =	sand.u32 $0x70, s30  }
0x24e: {  	s20 =	sor.u32 s21, s20;
	[tilespmem:v1+s13+$0x0] =	vst.idx.msk $0xffff, v2  }
0x24f: {  	v1 =	vld [tilespmem:s20+$0x6580];
	_ =	sdelay $0x2  }
0x250: {  	v2 =	vld [tilespmem:s20+$0x12980];
	_ =	sdelay $0x2  }
0x251: {  	s0 =	sadd.s32 $0xFFFFFF40, s14;
	s1 =	sadd.s32 $0x180, s16  }
0x252: {  	s21 =	sand.u32 $0x1FC00, s1;
	s20 =	sand.u32 $0x70, s0  }
0x253: {  	s20 =	sor.u32 s21, s20;
	[tilespmem:v1+s13+$0x0] =	vst.idx.msk $0xffff, v2  }
0x254: {  	v1 =	vld [tilespmem:s20+$0x6580];
	_ =	sdelay $0x2  }
0x255: {  	v2 =	vld [tilespmem:s20+$0x12980];
	_ =	sdelay $0x2  }
0x256: {  	s22 =	sadd.s32 $0x200, s16;
	s21 =	sadd.s32 $0xFFFFFF50, s14  }
0x257: {  	s20 =	sand.u32 $0x70, s21;
	s21 =	sand.u32 $0x1FC00, s22  }
0x258: {  	s20 =	sor.u32 s21, s20;
	[tilespmem:v1+s13+$0x0] =	vst.idx.msk $0xffff, v2  }
0x259: {  	v1 =	vld [tilespmem:s20+$0x6580];
	_ =	sdelay $0x2  }
0x25a: {  	v2 =	vld [tilespmem:s20+$0x12980];
	_ =	sdelay $0x2  }
0x25b: {  	s23 =	sadd.s32 $0xFFFFFF60, s14;
	s24 =	sadd.s32 $0x280, s16  }
0x25c: {  	s21 =	sand.u32 $0x1FC00, s24;
	s20 =	sand.u32 $0x70, s23  }
0x25d: {  	s20 =	sor.u32 s21, s20;
	[tilespmem:v1+s13+$0x0] =	vst.idx.msk $0xffff, v2  }
0x25e: {  	v1 =	vld [tilespmem:s20+$0x6580];
	_ =	sdelay $0x2  }
0x25f: {  	v2 =	vld [tilespmem:s20+$0x12980];
	_ =	sdelay $0x2  }
0x260: {  	s25 =	sadd.s32 $0xFFFFFF70, s14;
	s26 =	sadd.s32 $0x300, s16  }
0x261: {  	s21 =	sand.u32 $0x1FC00, s26;
	s20 =	sand.u32 $0x70, s25  }
0x262: {  	s20 =	sor.u32 s21, s20;
	[tilespmem:v1+s13+$0x0] =	vst.idx.msk $0xffff, v2  }
0x263: {  	v1 =	vld [tilespmem:s20+$0x6580];
	_ =	sdelay $0x2  }
0x264: {  	v2 =	vld [tilespmem:s20+$0x12980];
	_ =	sdelay $0x2  }
0x265: {  	s28 =	sadd.s32 $0xFFFFFF80, s14;
	s29 =	sadd.s32 $0x380, s16  }
0x266: {  	s21 =	sand.u32 $0x1FC00, s29;
	s20 =	sand.u32 $0x70, s28  }
0x267: {  	s20 =	sor.u32 s21, s20;
	[tilespmem:v1+s13+$0x0] =	vst.idx.msk $0xffff, v2  }
0x268: {  	v1 =	vld [tilespmem:s20+$0x6580];
	_ =	sdelay $0x2  }
0x269: {  	v2 =	vld [tilespmem:s20+$0x12980];
	_ =	sdelay $0x4  }
0x26a: {  	[tilespmem:v1+s13+$0x0] =	vst.idx.msk $0xffff, v2  }
0x26b: {  	v1 =	vld [tilespmem:s19+$0x6980];
	_ =	sdelay $0x2  }
0x26c: {  	v2 =	vld [tilespmem:s19+$0x12D80];
	_ =	sdelay $0x2  }
0x26d: {  	s31 =	sadd.s32 $0x480, s16;
	s30 =	sadd.s32 $0xFFFFFFA0, s14  }
0x26e: {  	s21 =	sand.u32 $0x1FC00, s31;
	s20 =	sand.u32 $0x70, s30  }
0x26f: {  	s20 =	sor.u32 s21, s20;
	[tilespmem:v1+s13+$0x0] =	vst.idx.msk $0xffff, v2  }
0x270: {  	v1 =	vld [tilespmem:s20+$0x6580];
	_ =	sdelay $0x2  }
0x271: {  	v2 =	vld [tilespmem:s20+$0x12980];
	_ =	sdelay $0x2  }
0x272: {  	s1 =	sadd.s32 $0x500, s16;
	s0 =	sadd.s32 $0xFFFFFFB0, s14  }
0x273: {  	s21 =	sand.u32 $0x1FC00, s1;
	s20 =	sand.u32 $0x70, s0  }
0x274: {  	s20 =	sor.u32 s21, s20;
	[tilespmem:v1+s13+$0x0] =	vst.idx.msk $0xffff, v2  }
0x275: {  	v1 =	vld [tilespmem:s20+$0x6580];
	_ =	sdelay $0x2  }
0x276: {  	v2 =	vld [tilespmem:s20+$0x12980];
	_ =	sdelay $0x2  }
0x277: {  	s22 =	sadd.s32 $0x580, s16;
	s21 =	sadd.s32 $0xFFFFFFC0, s14  }
0x278: {  	s20 =	sand.u32 $0x70, s21;
	s21 =	sand.u32 $0x1FC00, s22  }
0x279: {  	s20 =	sor.u32 s21, s20;
	[tilespmem:v1+s13+$0x0] =	vst.idx.msk $0xffff, v2  }
0x27a: {  	v1 =	vld [tilespmem:s20+$0x6580];
	_ =	sdelay $0x2  }
0x27b: {  	v2 =	vld [tilespmem:s20+$0x12980];
	_ =	sdelay $0x2  }
0x27c: {  	s24 =	sadd.s32 $0x600, s16;
	s23 =	sadd.s32 $0xFFFFFFD0, s14  }
0x27d: {  	s21 =	sand.u32 $0x1FC00, s24;
	s20 =	sand.u32 $0x70, s23  }
0x27e: {  	s20 =	sor.u32 s21, s20;
	[tilespmem:v1+s13+$0x0] =	vst.idx.msk $0xffff, v2  }
0x27f: {  	v1 =	vld [tilespmem:s20+$0x6580];
	_ =	sdelay $0x2  }
0x280: {  	v2 =	vld [tilespmem:s20+$0x12980];
	_ =	sdelay $0x2  }
0x281: {  	s26 =	sadd.s32 $0x680, s16;
	s25 =	sadd.s32 $0xFFFFFFE0, s14  }
0x282: {  	s21 =	sand.u32 $0x1FC00, s26;
	s20 =	sand.u32 $0x70, s25  }
0x283: {  	s20 =	sor.u32 s21, s20;
	[tilespmem:v1+s13+$0x0] =	vst.idx.msk $0xffff, v2  }
0x284: {  	v1 =	vld [tilespmem:s20+$0x6580];
	_ =	sdelay $0x2  }
0x285: {  	v2 =	vld [tilespmem:s20+$0x12980];
	_ =	sdelay $0x2  }
0x286: {  	s29 =	sadd.s32 $0x700, s16;
	s28 =	sadd.s32 $0xFFFFFFF0, s14  }
0x287: {  	s21 =	sand.u32 $0x1FC00, s29;
	s20 =	sand.u32 $0x70, s28  }
0x288: {  	s20 =	sor.u32 s21, s20;
	[tilespmem:v1+s13+$0x0] =	vst.idx.msk $0xffff, v2  }
0x289: {  	v1 =	vld [tilespmem:s20+$0x6580];
	_ =	sdelay $0x2  }
0x28a: {  	v2 =	vld [tilespmem:s20+$0x12980];
	_ =	sdelay $0x2  }
0x28b: {  	s30 =	sadd.s32 $0x780, s16  }
0x28c: {  	s31 =	sand.u32 $0x70, s14;
	s20 =	sand.u32 $0x1FC00, s30  }
0x28d: {  	s20 =	sor.u32 s20, s31;
	[tilespmem:v1+s13+$0x0] =	vst.idx.msk $0xffff, v2  }
0x28e: {  	v1 =	vld [tilespmem:s20+$0x6580];
	_ =	sdelay $0x2  }
0x28f: {  	v2 =	vld [tilespmem:s20+$0x12980];
	_ =	sdelay $0x4  }
0x290: {  	[tilespmem:v1+s13+$0x0] =	vst.idx.msk $0xffff, v2  }
0x291: {  	v1 =	vld [tilespmem:s19+$0x6D80];
	_ =	sdelay $0x1  }
0x292: {  	s18 =	sadd.s32 $0x11, s18  }
0x293: {  	p1 =	slt.u32 s18, $0x176;
	v2 =	vld [tilespmem:s19+$0x13180]  }
.Ltmp12:
0x294: {  	_ = 	snop;
	(pc) =	sbr.rel @p1 .LBB2_22-.Ltmp12, $4  }
0x295: {  	_ = 	snop  }
0x296: {  	s16 =	sadd.s32 $0x880, s16;
	s14 =	sadd.s32 $0x110, s14;
	s22 =	simm.s32 $0x4  }
0x297: {  	s24 =	simm.s32 $0x2;
	s23 =	simm.s32 $0x3;
	s25 =	simm.s32 $0x1  }
0x298: {  	s21 =	simm.s32 $0x5;
	s20 =	simm.s32 $0x6;
	s19 =	simm.s32 $0x7;
	[tilespmem:v1+s13+$0x0] =	vst.idx.msk $0xffff, v2  }
0x299: {  	s14 =	simm.s32 $0x0  }
.LBB2_24:
0x29a: {  	s16 =	sand.u32 $0x7, s13  }
0x29b: {  	s16 =	sshll.u32 s16, $0x4  }
0x29c: {  	s16 =	sadd.s32 s16, s14  }
0x29d: {  	s16 =	sor.u32 $0x380, s16  }
0x29e: {  	v1 =	vld [tilespmem:s16+$0x6280];
	_ =	sdelay $0x2  }
0x29f: {  	v2 =	vld [tilespmem:s16+$0x12680]  }
0x2a0: {  	s26 =	sand.u32 $0x7, s25  }
0x2a1: {  	s16 =	sshll.u32 s26, $0x4  }
0x2a2: {  	s16 =	sadd.s32 s16, s14  }
0x2a3: {  	s18 =	sadd.s32 $0x80, s16  }
0x2a4: {  	s18 =	sor.u32 $0x380, s18;
	[tilespmem:v1+s2+$0x0] =	vst.idx.msk $0xffff, v2  }
0x2a5: {  	v1 =	vld [tilespmem:s18+$0x6280];
	_ =	sdelay $0x2  }
0x2a6: {  	v2 =	vld [tilespmem:s18+$0x12680]  }
0x2a7: {  	s28 =	sand.u32 $0x7, s24  }
0x2a8: {  	s18 =	sshll.u32 s28, $0x4  }
0x2a9: {  	s18 =	sadd.s32 s14, s18  }
0x2aa: {  	s26 =	sadd.s32 $0x100, s18  }
0x2ab: {  	s26 =	sor.u32 $0x380, s26;
	[tilespmem:v1+s2+$0x0] =	vst.idx.msk $0xffff, v2  }
0x2ac: {  	v1 =	vld [tilespmem:s26+$0x6280];
	_ =	sdelay $0x2  }
0x2ad: {  	v2 =	vld [tilespmem:s26+$0x12680]  }
0x2ae: {  	s29 =	sand.u32 $0x7, s23  }
0x2af: {  	s26 =	sshll.u32 s29, $0x4  }
0x2b0: {  	s26 =	sadd.s32 s14, s26  }
0x2b1: {  	s28 =	sadd.s32 $0x180, s26  }
0x2b2: {  	s28 =	sor.u32 $0x380, s28;
	[tilespmem:v1+s2+$0x0] =	vst.idx.msk $0xffff, v2  }
0x2b3: {  	v1 =	vld [tilespmem:s28+$0x6280];
	_ =	sdelay $0x2  }
0x2b4: {  	v2 =	vld [tilespmem:s28+$0x12680]  }
0x2b5: {  	s30 =	sand.u32 $0x7, s22  }
0x2b6: {  	s28 =	sshll.u32 s30, $0x4  }
0x2b7: {  	s28 =	sadd.s32 s14, s28  }
0x2b8: {  	s29 =	sadd.s32 $0x200, s28  }
0x2b9: {  	s29 =	sor.u32 $0x380, s29;
	[tilespmem:v1+s2+$0x0] =	vst.idx.msk $0xffff, v2  }
0x2ba: {  	v1 =	vld [tilespmem:s29+$0x6280];
	_ =	sdelay $0x2  }
0x2bb: {  	v2 =	vld [tilespmem:s29+$0x12680]  }
0x2bc: {  	s31 =	sand.u32 $0x7, s21  }
0x2bd: {  	s29 =	sshll.u32 s31, $0x4  }
0x2be: {  	s29 =	sadd.s32 s14, s29  }
0x2bf: {  	s30 =	sadd.s32 $0x280, s29  }
0x2c0: {  	s30 =	sor.u32 $0x380, s30;
	[tilespmem:v1+s2+$0x0] =	vst.idx.msk $0xffff, v2  }
0x2c1: {  	v1 =	vld [tilespmem:s30+$0x6280];
	_ =	sdelay $0x2  }
0x2c2: {  	v2 =	vld [tilespmem:s30+$0x12680]  }
0x2c3: {  	s0 =	sand.u32 $0x7, s20  }
0x2c4: {  	s30 =	sshll.u32 s0, $0x4  }
0x2c5: {  	s30 =	sadd.s32 s14, s30  }
0x2c6: {  	s31 =	sadd.s32 $0x300, s30  }
0x2c7: {  	s31 =	sor.u32 $0x380, s31;
	[tilespmem:v1+s2+$0x0] =	vst.idx.msk $0xffff, v2  }
0x2c8: {  	v1 =	vld [tilespmem:s31+$0x6280];
	_ =	sdelay $0x2  }
0x2c9: {  	v2 =	vld [tilespmem:s31+$0x12680]  }
0x2ca: {  	s1 =	sand.u32 $0x7, s19  }
0x2cb: {  	s31 =	sshll.u32 s1, $0x4  }
0x2cc: {  	s31 =	sadd.s32 s31, s14  }
0x2cd: {  	s1 =	sadd.s32 $0x380, s31  }
0x2ce: {  	s1 =	sor.u32 $0x380, s1;
	[tilespmem:v1+s2+$0x0] =	vst.idx.msk $0xffff, v2  }
0x2cf: {  	v1 =	vld [tilespmem:s1+$0x6280];
	_ =	sdelay $0x2  }
0x2d0: {  	v2 =	vld [tilespmem:s1+$0x12680];
	_ =	sdelay $0x2  }
0x2d1: {  	s0 =	sadd.s32 $0xFFFFFF10, s17  }
0x2d2: {  	s1 =	sand.u32 $0x70, s0;
	s0 =	sand.u32 $0xFC00, s14  }
0x2d3: {  	s0 =	sor.u32 s1, s0;
	[tilespmem:v1+s2+$0x0] =	vst.idx.msk $0xffff, v2  }
0x2d4: {  	v1 =	vld [tilespmem:s0+$0x6A00];
	_ =	sdelay $0x2  }
0x2d5: {  	v2 =	vld [tilespmem:s0+$0x12E00];
	_ =	sdelay $0x3  }
0x2d6: {  	s16 =	sadd.s32 $0x480, s16  }
0x2d7: {  	s1 =	sor.u32 $0x380, s16;
	[tilespmem:v1+s2+$0x0] =	vst.idx.msk $0xffff, v2  }
0x2d8: {  	v1 =	vld [tilespmem:s1+$0x6280];
	_ =	sdelay $0x2  }
0x2d9: {  	v2 =	vld [tilespmem:s1+$0x12680];
	_ =	sdelay $0x3  }
0x2da: {  	s18 =	sadd.s32 $0x500, s18  }
0x2db: {  	s1 =	sor.u32 $0x380, s18;
	[tilespmem:v1+s2+$0x0] =	vst.idx.msk $0xffff, v2  }
0x2dc: {  	v1 =	vld [tilespmem:s1+$0x6280];
	_ =	sdelay $0x2  }
0x2dd: {  	v2 =	vld [tilespmem:s1+$0x12680];
	_ =	sdelay $0x3  }
0x2de: {  	s26 =	sadd.s32 $0x580, s26  }
0x2df: {  	s1 =	sor.u32 $0x380, s26;
	[tilespmem:v1+s2+$0x0] =	vst.idx.msk $0xffff, v2  }
0x2e0: {  	v1 =	vld [tilespmem:s1+$0x6280];
	_ =	sdelay $0x2  }
0x2e1: {  	v2 =	vld [tilespmem:s1+$0x12680];
	_ =	sdelay $0x3  }
0x2e2: {  	s28 =	sadd.s32 $0x600, s28  }
0x2e3: {  	s1 =	sor.u32 $0x380, s28;
	[tilespmem:v1+s2+$0x0] =	vst.idx.msk $0xffff, v2  }
0x2e4: {  	v1 =	vld [tilespmem:s1+$0x6280];
	_ =	sdelay $0x2  }
0x2e5: {  	v2 =	vld [tilespmem:s1+$0x12680];
	_ =	sdelay $0x3  }
0x2e6: {  	s29 =	sadd.s32 $0x680, s29  }
0x2e7: {  	s1 =	sor.u32 $0x380, s29;
	[tilespmem:v1+s2+$0x0] =	vst.idx.msk $0xffff, v2  }
0x2e8: {  	v1 =	vld [tilespmem:s1+$0x6280];
	_ =	sdelay $0x2  }
0x2e9: {  	v2 =	vld [tilespmem:s1+$0x12680];
	_ =	sdelay $0x3  }
0x2ea: {  	s30 =	sadd.s32 $0x700, s30  }
0x2eb: {  	s1 =	sor.u32 $0x380, s30;
	[tilespmem:v1+s2+$0x0] =	vst.idx.msk $0xffff, v2  }
0x2ec: {  	v1 =	vld [tilespmem:s1+$0x6280];
	_ =	sdelay $0x2  }
0x2ed: {  	v2 =	vld [tilespmem:s1+$0x12680];
	_ =	sdelay $0x3  }
0x2ee: {  	s31 =	sadd.s32 $0x780, s31  }
0x2ef: {  	s1 =	sor.u32 $0x380, s31;
	[tilespmem:v1+s2+$0x0] =	vst.idx.msk $0xffff, v2  }
0x2f0: {  	v1 =	vld [tilespmem:s1+$0x6280];
	_ =	sdelay $0x2  }
0x2f1: {  	v2 =	vld [tilespmem:s1+$0x12680];
	_ =	sdelay $0x4  }
0x2f2: {  	[tilespmem:v1+s2+$0x0] =	vst.idx.msk $0xffff, v2  }
0x2f3: {  	v1 =	vld [tilespmem:s0+$0x6E00];
	_ =	sdelay $0x1  }
0x2f4: {  	s15 =	sadd.s32 $0x11, s15  }
0x2f5: {  	p1 =	slt.u32 s15, $0x176;
	v2 =	vld [tilespmem:s0+$0x13200]  }
.Ltmp13:
0x2f6: {  	_ = 	snop;
	(pc) =	sbr.rel @p1 .LBB2_24-.Ltmp13, $4  }
0x2f7: {  	s13 =	sadd.s32 $0x1, s13  }
0x2f8: {  	s19 =	sadd.s32 $0x1, s19;
	s20 =	sadd.s32 $0x1, s20;
	s21 =	sadd.s32 $0x1, s21  }
0x2f9: {  	s22 =	sadd.s32 $0x1, s22;
	s23 =	sadd.s32 $0x1, s23;
	s24 =	sadd.s32 $0x1, s24  }
0x2fa: {  	s25 =	sadd.s32 $0x1, s25;
	s17 =	sadd.s32 $0x110, s17;
	s14 =	sadd.s32 $0x880, s14;
	[tilespmem:v1+s2+$0x0] =	vst.idx.msk $0xffff, v2  }
0x2fb: {  	s12 =	sadd.s32 $0x1, s12  }
0x2fc: {  	p1 =	sne.s32 s12, s7  }
.Ltmp14:
0x2fd: {  	_ = 	snop;
	(pc) =	sbr.rel @p1 .LBB2_1-.Ltmp14, $4  }
0x2fe: {  	[hbm4b:s6+s2] =	stream.linear.scatter [tilespmem:s2], [sflag:$0x2], $0x6200, $0x38;
	[tilespmem:$0x1EA80] =	vst v63  }
0x2ff: {  	_ =	swait.ge [sflag:s11], $0x6200  }
0x300: {  	[sflag:s11] =	ssyncset.done $0x0  }
0x301: {  	[sflag:s11] =	ssyncadd.s32 $0xFFFF9E00  }
0x302: {  	_ =	sfence.sel $0x180000  }
0x303: {  	[bflag:$0x0] =	sbarrier.arrive $0xFFFF  }
0x304: {  	_ =	strace $0x90000047  }
0x305: {  	s0 =	stileid.u32;
	[bflag:$0x2] =	sbarrier.arrive $0xFFFF  }
0x306: {  	p0 =	sne.s32 s0, $0x0;
	s0 =	rddreg [dreg:$0x2]  }
0x307: {  	s0 =	sadd.s32 @!p0 $0x100000, s0  }
0x308: {  	[sflag:s0] =	ssyncadd.tile.s32 @!p0 $0x1;
	_ =	shalt  }
.Lfunc_end2:
_tile_overlayer_lowered:
.L_overlay_start_2:
0x309: {  	(tag) =	ssettag $0x2  }
0x30a: {  	s0 =	rddreg [dreg:$0x0];
	s2 =	stileid.u32  }
0x30b: {  	s1 =	rddreg [dreg:$0x1];
	p0 =	sne.s32 s2, $0x0  }
0x30c: {  	s3 =	rddreg [dreg:$0x2];
	[bflag:$0x3] =	sbarrier.arrive $0xFFFF;
	s2 =	simm.s32 @!p0 $0x1C02  }
0x30d: {  	[timem:s3], [sflag:s2] =	dma.local @!p0 [hbm:s0], s1  }
0x30e: {  	s0 =	simm.s32 @!p0 $0x2  }
0x30f: {  	_ =	swait.ge @!p0 [sflag:s0], s1  }
0x310: {  	s1 =	ssub.s32 @!p0 $0x0, s1;
	[sflag:s0] =	ssyncset.done @!p0 $0x0  }
0x311: {  	[sflag:s0] =	ssyncadd.s32 @!p0 s1  }
0x312: {  	[bflag:$0x3] =	sbarrier.arrive $0xFFFF  }
0x313: {  	_ =	shalt  }

</sc_bundles>
